<compile_context>
chip_gen: v7x
topology: tpu7x:2x2x1
jax: 0.10.2.dev20260603
libtpu: 0.0.44.dev20260713+nightly
codegen_flags: <defaults>
</compile_context>

<pallas_src>
import functools

import jax
import jax.numpy as jnp
from jax import lax
from jax.experimental import pallas as pl
from jax.experimental.pallas import tpu as pltpu
from jax.experimental.pallas import tpu_sc as plsc

ANOMALY_THRESHOLD = 0.5
CONTRAST_EPS = 1e-08

NUM_CORES = 2
NUM_SUBCORES = 16
NUM_WORKERS = NUM_CORES * NUM_SUBCORES
LANES = 16

SLAB = 96 * 96
ROW_SLABS = 96
TC_SLABS = 54
TC_CHUNK = 27
CH_SLABS = 1
NBUF = 5
ROW_VREGS = 96 // LANES


def _sc_partials_body(sc_per_worker, pred_hbm, tgt_hbm, out_hbm,
                      pbuf, tbuf, stage, sem_p0, sem_t0, sem_p1, sem_t1,
                      sem_p2, sem_t2, sem_p3, sem_t3, sem_p4, sem_t4):
    cid = lax.axis_index("c")
    sid = lax.axis_index("s")
    wid = sid * NUM_CORES + cid
    row = wid // 2
    hlf = wid % 2
    base = row * ROW_SLABS + TC_SLABS + hlf * sc_per_worker
    nchunk = sc_per_worker // CH_SLABS

    sems = ((sem_p0, sem_t0), (sem_p1, sem_t1), (sem_p2, sem_t2),
            (sem_p3, sem_t3), (sem_p4, sem_t4))

    def start(k):
        b = k % NBUF
        sl = pl.ds(base + k * CH_SLABS, CH_SLABS)
        cp_p = pltpu.make_async_copy(pred_hbm.at[sl], pbuf.at[b], sems[b][0])
        cp_t = pltpu.make_async_copy(tgt_hbm.at[sl], tbuf.at[b], sems[b][1])
        cp_p.start()
        cp_t.start()
        return cp_p, cp_t

    zero = jnp.zeros((LANES,), jnp.float32)
    ones = jnp.ones((LANES,), jnp.float32)
    acc = (zero, zero, zero, zero, zero)

    def tree(xs):
        while len(xs) > 1:
            nxt = [xs[i] + xs[i + 1] for i in range(0, len(xs) - 1, 2)]
            if len(xs) % 2:
                nxt.append(xs[-1])
            xs = nxt
        return xs[0]

    def chunk_body(b):
        def body(r, carry):
            c_cnt, c_spa, c_sta, c_sp, c_st = carry
            ms, pms, tms, ps, ts = [], [], [], [], []
            for s in range(CH_SLABS):
                for l in range(ROW_VREGS):
                    p = pbuf[b, s, r, pl.ds(l * LANES, LANES)]
                    t = tbuf[b, s, r, pl.ds(l * LANES, LANES)]
                    anom = t > ANOMALY_THRESHOLD
                    ms.append(jnp.where(anom, ones, zero))
                    pms.append(jnp.where(anom, p, zero))
                    tms.append(jnp.where(anom, t, zero))
                    ps.append(p)
                    ts.append(t)
            return (c_cnt + tree(ms), c_spa + tree(pms), c_sta + tree(tms),
                    c_sp + tree(ps), c_st + tree(ts))
        return body

    for k in range(NBUF - 1):
        start(k)

    def group_body(g, carry):
        acc = carry
        for b in range(NBUF):
            k = g * NBUF + b
            cp_p = pltpu.make_async_copy(
                pred_hbm.at[pl.ds(base + k * CH_SLABS, CH_SLABS)],
                pbuf.at[b], sems[b][0])
            cp_t = pltpu.make_async_copy(
                tgt_hbm.at[pl.ds(base + k * CH_SLABS, CH_SLABS)],
                tbuf.at[b], sems[b][1])
            cp_p.wait()
            cp_t.wait()

            k_next = k + NBUF - 1

            @pl.when(k_next < nchunk)
            def _(k_next=k_next, b_next=(b + NBUF - 1) % NBUF):
                sl = pl.ds(base + k_next * CH_SLABS, CH_SLABS)
                pltpu.make_async_copy(pred_hbm.at[sl], pbuf.at[b_next],
                                      sems[b_next][0]).start()
                pltpu.make_async_copy(tgt_hbm.at[sl], tbuf.at[b_next],
                                      sems[b_next][1]).start()

            ch = lax.fori_loop(0, 96, chunk_body(b),
                               (zero, zero, zero, zero, zero))
            acc = tuple(a + c for a, c in zip(acc, ch))
        return acc

    n_groups = nchunk // NBUF
    acc = lax.fori_loop(0, n_groups, group_body, acc)
    for j in range(nchunk % NBUF):
        k = n_groups * NBUF + j
        sl = pl.ds(base + k * CH_SLABS, CH_SLABS)
        pltpu.make_async_copy(pred_hbm.at[sl], pbuf.at[j], sems[j][0]).wait()
        pltpu.make_async_copy(tgt_hbm.at[sl], tbuf.at[j], sems[j][1]).wait()
        ch = lax.fori_loop(0, 96, chunk_body(j),
                           (zero, zero, zero, zero, zero))
        acc = tuple(a + c for a, c in zip(acc, ch))

    for q in range(8):
        for l in range(128 // LANES):
            stage[q, pl.ds(l * LANES, LANES)] = zero
    for q, v in enumerate(acc):
        stage[q, pl.ds(0, LANES)] = v

    pltpu.sync_copy(stage, out_hbm.at[hlf, row])


def _tc_partials_body(nch, p_ref, t_ref, o_ref, acc_ref):
    k = pl.program_id(1)
    p = p_ref[0]
    t = t_ref[0]
    m = (t > ANOMALY_THRESHOLD).astype(jnp.float32)
    parts = (m.sum(axis=0), (p * m).sum(axis=0), (t * m).sum(axis=0),
             p.sum(axis=0), t.sum(axis=0))

    for q, part in enumerate(parts):
        @pl.when(k == 0)
        def _(q=q, part=part):
            acc_ref[q] = part

        @pl.when(k > 0)
        def _(q=q, part=part):
            acc_ref[q] = acc_ref[q] + part

    @pl.when(k == nch - 1)
    def _():
        o_ref[...] = acc_ref[...].sum(axis=1).reshape(1, 5, 96)


def _combine_body(n_per_row, sc_ref, tc_ref, o_ref):
    x = sc_ref[...]
    y_sc = (x[0] + x[1])[:, :5, :LANES].sum(axis=-1)
    y_tc = tc_ref[...].sum(axis=-1)
    y = y_sc + y_tc
    cnt = y[:, 0:1]
    spa = y[:, 1:2]
    sta = y[:, 2:3]
    sp = y[:, 3:4]
    st = y[:, 4:5]
    n = jnp.float32(n_per_row)
    b_cnt = n - cnt
    safe_a = jnp.maximum(cnt, 1.0)
    safe_b = jnp.maximum(b_cnt, 1.0)
    pred_anom_mean = spa / safe_a
    pred_bg_mean = (sp - spa) / safe_b
    tgt_anom_mean = sta / safe_a
    tgt_bg_mean = (st - sta) / safe_b
    valid = (cnt > 0.0) & (b_cnt > 0.0)
    pred_contrast = pred_anom_mean - pred_bg_mean
    tgt_contrast = tgt_anom_mean - tgt_bg_mean
    ratio = pred_contrast / (tgt_contrast + CONTRAST_EPS)
    vf = valid.astype(jnp.float32)
    n_valid = jnp.sum(vf)
    mean_ratio = jnp.sum(ratio * vf) / jnp.maximum(n_valid, 1.0)
    res = jnp.where(n_valid > 0.0, mean_ratio, jnp.float32(1.0))
    o_ref[...] = jnp.full((1, 1), res, jnp.float32)


def kernel(pred, target):
    B, C = pred.shape[0], pred.shape[1]
    total = pred.size
    n_per_row = total // (B * C)
    n_slabs = total // SLAB
    n_rows = B * C
    assert n_slabs == n_rows * ROW_SLABS
    sc_per_worker = (ROW_SLABS - TC_SLABS) // 2
    assert sc_per_worker * 2 == ROW_SLABS - TC_SLABS
    assert sc_per_worker % CH_SLABS == 0
    assert TC_SLABS % TC_CHUNK == 0
    assert n_rows * 2 == NUM_WORKERS

    pf = pred.reshape(n_slabs, 96, 96)
    tf = target.reshape(n_slabs, 96, 96)
    p4 = pred.reshape(n_rows, ROW_SLABS, 96, 96)
    t4 = target.reshape(n_rows, ROW_SLABS, 96, 96)

    mesh = plsc.VectorSubcoreMesh(core_axis_name="c", subcore_axis_name="s")
    sc_fn = pl.kernel(
        functools.partial(_sc_partials_body, sc_per_worker),
        mesh=mesh,
        out_type=jax.ShapeDtypeStruct((2, NUM_SUBCORES, 8, 128),
                                      jnp.float32),
        compiler_params=pltpu.CompilerParams(use_tc_tiling_on_sc=True),
        scratch_types=[
            pltpu.VMEM((NBUF, CH_SLABS, 96, 96), jnp.float32),
            pltpu.VMEM((NBUF, CH_SLABS, 96, 96), jnp.float32),
            pltpu.VMEM((8, 128), jnp.float32),
            pltpu.SemaphoreType.DMA,
            pltpu.SemaphoreType.DMA,
            pltpu.SemaphoreType.DMA,
            pltpu.SemaphoreType.DMA,
            pltpu.SemaphoreType.DMA,
            pltpu.SemaphoreType.DMA,
            pltpu.SemaphoreType.DMA,
            pltpu.SemaphoreType.DMA,
            pltpu.SemaphoreType.DMA,
            pltpu.SemaphoreType.DMA,
        ],
    )
    sc_partials = sc_fn(pf, tf)

    nch = TC_SLABS // TC_CHUNK
    tc_partials = pl.pallas_call(
        functools.partial(_tc_partials_body, nch),
        grid=(n_rows, nch),
        in_specs=[
            pl.BlockSpec((1, TC_CHUNK, 96, 96), lambda r, k: (r, k, 0, 0)),
            pl.BlockSpec((1, TC_CHUNK, 96, 96), lambda r, k: (r, k, 0, 0)),
        ],
        out_specs=pl.BlockSpec((1, 5, 96), lambda r, k: (r, 0, 0)),
        out_shape=jax.ShapeDtypeStruct((n_rows, 5, 96), jnp.float32),
        scratch_shapes=[pltpu.VMEM((5, 96, 96), jnp.float32)],
    )(p4, t4)

    out = pl.pallas_call(
        functools.partial(_combine_body, n_per_row),
        out_shape=jax.ShapeDtypeStruct((1, 1), jnp.float32),
    )(sc_partials, tc_partials)
    return out[0, 0]

# --- scband reference (transcript-rebuilt; emitter-appended) ---
"""Pipeline reference for scband-contrast-ratio-43748536877432 (READ-ONLY COPY).

The authoritative reference and input builder live on the scoring server;
editing this copy changes nothing except your own understanding.
"""

import jax, jax.numpy as jnp
import numpy as np

ANOMALY_THRESHOLD = 0.5
CONTRAST_EPS = 1e-08


def setup_inputs(seed: int = 0) -> dict:
    key = jax.random.key(seed)
    k1, k2 = jax.random.split(key)
    shape = (8, 2, 96, 96, 96)
    pred = jax.random.uniform(k1, shape, dtype=jnp.float32)
    target = jax.random.uniform(k2, shape, dtype=jnp.float32)
    return {"pred": pred, "target": target}


def reference(pred, target):
    B, C = pred.shape[0], pred.shape[1]
    pred_flat = pred.reshape(B, C, -1)
    target_flat = target.reshape(B, C, -1)
    anomaly_mask = target_flat > ANOMALY_THRESHOLD
    background_mask = ~anomaly_mask
    am = anomaly_mask.astype(pred_flat.dtype)
    bm = background_mask.astype(pred_flat.dtype)
    a_count = am.sum(axis=-1)
    b_count = bm.sum(axis=-1)
    safe_a = jnp.maximum(a_count, 1.0)
    safe_b = jnp.maximum(b_count, 1.0)
    pred_anom_mean = (pred_flat * am).sum(axis=-1) / safe_a
    pred_bg_mean = (pred_flat * bm).sum(axis=-1) / safe_b
    tgt_anom_mean = (target_flat * am).sum(axis=-1) / safe_a
    tgt_bg_mean = (target_flat * bm).sum(axis=-1) / safe_b
    valid = (a_count > 0) & (b_count > 0)
    pred_contrast = pred_anom_mean - pred_bg_mean
    target_contrast = tgt_anom_mean - tgt_bg_mean
    contrast_ratio = pred_contrast / (target_contrast + CONTRAST_EPS)
    vf = valid.astype(contrast_ratio.dtype)
    n_valid = vf.sum()
    mean_ratio = (contrast_ratio * vf).sum() / jnp.maximum(n_valid, 1.0)
    return jnp.where(n_valid > 0, mean_ratio, jnp.asarray(1.0, contrast_ratio.dtype))

if __name__ == "__main__":
    import jax
    _d = setup_inputs()
    print(jax.jit(kernel)(*tuple(_d.values())))

</pallas_src>

<mosaic_0001>
#map = affine_map<(d0, d1) -> (0, 0, 0)>
#map1 = affine_map<(d0, d1) -> (0, 0, 0, 0)>
module attributes {stable_mosaic.version = 14 : i64} {
  func.func @_sc_partials_body(%arg0: i32, %arg1: i32, %arg2: memref<1536x96x96xf32, #tpu.memory_space<hbm>>, %arg3: memref<1536x96x96xf32, #tpu.memory_space<hbm>>, %arg4: memref<2x16x8x128xf32, #tpu.memory_space<hbm>>, %arg5: memref<5x1x96x96xf32, #tpu.memory_space<vmem>>, %arg6: memref<5x1x96x96xf32, #tpu.memory_space<vmem>>, %arg7: memref<8x128xf32, #tpu.memory_space<vmem>>, %arg8: memref<!tpu.dma_semaphore, #tpu.memory_space<semaphore_mem>>, %arg9: memref<!tpu.dma_semaphore, #tpu.memory_space<semaphore_mem>>, %arg10: memref<!tpu.dma_semaphore, #tpu.memory_space<semaphore_mem>>, %arg11: memref<!tpu.dma_semaphore, #tpu.memory_space<semaphore_mem>>, %arg12: memref<!tpu.dma_semaphore, #tpu.memory_space<semaphore_mem>>, %arg13: memref<!tpu.dma_semaphore, #tpu.memory_space<semaphore_mem>>, %arg14: memref<!tpu.dma_semaphore, #tpu.memory_space<semaphore_mem>>, %arg15: memref<!tpu.dma_semaphore, #tpu.memory_space<semaphore_mem>>, %arg16: memref<!tpu.dma_semaphore, #tpu.memory_space<semaphore_mem>>, %arg17: memref<!tpu.dma_semaphore, #tpu.memory_space<semaphore_mem>>) attributes {dimension_semantics = [#tpu.dimension_semantics<core_parallel>, #tpu.dimension_semantics<subcore_parallel>], iteration_bounds = array<i64: 2, 16>, scalar_prefetch = 0 : i64, scratch_operands = 13 : i64, tpu.core_type = #tpu.core_type<sc_vector_subcore>, window_params = [{transform_indices = #map}, {transform_indices = #map}, {transform_indices = #map1}]} {
    %mul3A = arith.constant 2 : i32
    %mul3A_0 = arith.muli %arg1, %mul3A : i32
    %add3A = arith.addi %mul3A_0, %arg0 : i32
    %jit3A = arith.constant 2 : i32
    %div3A = arith.divsi %add3A, %jit3A : i32
    %sign3A = arith.constant 0 : i32
    %sign3A_1 = arith.cmpi sgt, %add3A, %sign3A : i32
    %sign3A_2 = arith.extui %sign3A_1 : i1 to i32
    %sign3A_3 = arith.constant 0 : i32
    %sign3A_4 = arith.cmpi slt, %add3A, %sign3A_3 : i32
    %sign3A_5 = arith.extui %sign3A_4 : i1 to i32
    %sign3A_6 = arith.subi %sign3A_2, %sign3A_5 : i32
    %sign3A_7 = arith.constant 0 : i32
    %sign3A_8 = arith.cmpi sgt, %jit3A, %sign3A_7 : i32
    %sign3A_9 = arith.extui %sign3A_8 : i1 to i32
    %sign3A_10 = arith.constant 0 : i32
    %sign3A_11 = arith.cmpi slt, %jit3A, %sign3A_10 : i32
    %sign3A_12 = arith.extui %sign3A_11 : i1 to i32
    %sign3A_13 = arith.subi %sign3A_9, %sign3A_12 : i32
    %ne3A = arith.cmpi ne, %sign3A_6, %sign3A_13 : i32
    %rem3A = arith.remsi %add3A, %jit3A : i32
    %ne3A_14 = arith.constant 0 : i32
    %ne3A_15 = arith.cmpi ne, %rem3A, %ne3A_14 : i32
    %and3A = arith.andi %ne3A, %ne3A_15 : i1
    %sub3A = arith.constant 1 : i32
    %sub3A_16 = arith.subi %div3A, %sub3A : i32
    %select_n3A = arith.select %and3A, %sub3A_16, %div3A : i32
    %jit3A_17 = arith.constant 2 : i32
    %eq3A = arith.constant 0 : i32
    %eq3A_18 = arith.cmpi eq, %jit3A_17, %eq3A : i32
    %jit3A_19 = arith.constant 1 : i32
    %select_n3A_20 = arith.select %eq3A_18, %jit3A_19, %jit3A_17 : i32
    %rem3A_21 = arith.remsi %add3A, %select_n3A_20 : i32
    %ne3A_22 = arith.constant 0 : i32
    %ne3A_23 = arith.cmpi ne, %rem3A_21, %ne3A_22 : i32
    %lt3A = arith.constant 0 : i32
    %lt3A_24 = arith.cmpi slt, %rem3A_21, %lt3A : i32
    %lt3A_25 = arith.constant 0 : i32
    %lt3A_26 = arith.cmpi slt, %select_n3A_20, %lt3A_25 : i32
    %ne3A_27 = arith.xori %lt3A_24, %lt3A_26 : i1
    %and3A_28 = arith.andi %ne3A_27, %ne3A_23 : i1
    %add3A_29 = arith.addi %rem3A_21, %select_n3A_20 : i32
    %select_n3A_30 = arith.select %and3A_28, %add3A_29, %rem3A_21 : i32
    %mul3A_31 = arith.constant 96 : i32
    %mul3A_32 = arith.muli %select_n3A, %mul3A_31 : i32
    %add3A_33 = arith.constant 54 : i32
    %add3A_34 = arith.addi %mul3A_32, %add3A_33 : i32
    %mul3A_35 = arith.constant 21 : i32
    %mul3A_36 = arith.muli %select_n3A_30, %mul3A_35 : i32
    %add3A_37 = arith.addi %add3A_34, %mul3A_36 : i32
    %broadcast_in_dim3A = arith.constant 0.000000e+00 : f32
    %broadcast_in_dim3A_38 = vector.broadcast %broadcast_in_dim3A : f32 to vector<16xf32>
    %broadcast_in_dim3A_39 = arith.constant 1.000000e+00 : f32
    %broadcast_in_dim3A_40 = vector.broadcast %broadcast_in_dim3A_39 : f32 to vector<16xf32>
    %add3A_41 = arith.constant 0 : i32
    %add3A_42 = arith.addi %add3A_37, %add3A_41 : i32
    %dma_start3A = arith.constant 0 : i32
    %dma_start3A_43 = arith.constant 0 : i32
    %dma_start3A_44 = arith.constant 0 : i32
    %dma_start3A_45 = arith.constant 0 : i32
    %dma_start3A_46 = tpu.memref_slice %arg5[%dma_start3A, %dma_start3A_43, %dma_start3A_44, %dma_start3A_45] : memref<5x1x96x96xf32, #tpu.memory_space<vmem>> -> memref<1x1x96x96xf32, #tpu.memory_space<vmem>>
    %dma_start3A_47 = tpu.memref_squeeze %dma_start3A_46 : memref<1x1x96x96xf32, #tpu.memory_space<vmem>> -> memref<1x96x96xf32, #tpu.memory_space<vmem>>
    %dma_start3A_48 = arith.constant 0 : i32
    %dma_start3A_49 = arith.constant 0 : i32
    %dma_start3A_50 = tpu.memref_slice %arg2[%add3A_42, %dma_start3A_48, %dma_start3A_49] : memref<1536x96x96xf32, #tpu.memory_space<hbm>> -> memref<1x96x96xf32, #tpu.memory_space<hbm>>
    %dma_start3A_51 = arith.constant 0 : i32
    %dma_start3A_52 = arith.constant 0 : i32
    %dma_start3A_53 = arith.constant 0 : i32
    %dma_start3A_54 = tpu.memref_slice %arg5[%dma_start3A, %dma_start3A_51, %dma_start3A_52, %dma_start3A_53] : memref<5x1x96x96xf32, #tpu.memory_space<vmem>> -> memref<1x1x96x96xf32, #tpu.memory_space<vmem>>
    %dma_start3A_55 = tpu.memref_squeeze %dma_start3A_54 : memref<1x1x96x96xf32, #tpu.memory_space<vmem>> -> memref<1x96x96xf32, #tpu.memory_space<vmem>>
    %dma_start3A_56 = arith.constant 0 : i32
    %dma_start3A_57 = arith.constant 0 : i32
    %dma_start3A_58 = tpu.memref_slice %arg2[%add3A_42, %dma_start3A_56, %dma_start3A_57] : memref<1536x96x96xf32, #tpu.memory_space<hbm>> -> memref<1x96x96xf32, #tpu.memory_space<hbm>>
    tpu.enqueue_dma source(%dma_start3A_58 : memref<1x96x96xf32, #tpu.memory_space<hbm>>) target(%dma_start3A_55 : memref<1x96x96xf32, #tpu.memory_space<vmem>>) target_semaphore(%arg8 : memref<!tpu.dma_semaphore, #tpu.memory_space<semaphore_mem>>)
    %dma_start3A_59 = arith.constant 0 : i32
    %dma_start3A_60 = arith.constant 0 : i32
    %dma_start3A_61 = arith.constant 0 : i32
    %dma_start3A_62 = arith.constant 0 : i32
    %dma_start3A_63 = tpu.memref_slice %arg6[%dma_start3A_59, %dma_start3A_60, %dma_start3A_61, %dma_start3A_62] : memref<5x1x96x96xf32, #tpu.memory_space<vmem>> -> memref<1x1x96x96xf32, #tpu.memory_space<vmem>>
    %dma_start3A_64 = tpu.memref_squeeze %dma_start3A_63 : memref<1x1x96x96xf32, #tpu.memory_space<vmem>> -> memref<1x96x96xf32, #tpu.memory_space<vmem>>
    %dma_start3A_65 = arith.constant 0 : i32
    %dma_start3A_66 = arith.constant 0 : i32
    %dma_start3A_67 = tpu.memref_slice %arg3[%add3A_42, %dma_start3A_65, %dma_start3A_66] : memref<1536x96x96xf32, #tpu.memory_space<hbm>> -> memref<1x96x96xf32, #tpu.memory_space<hbm>>
    %dma_start3A_68 = arith.constant 0 : i32
    %dma_start3A_69 = arith.constant 0 : i32
    %dma_start3A_70 = arith.constant 0 : i32
    %dma_start3A_71 = tpu.memref_slice %arg6[%dma_start3A_59, %dma_start3A_68, %dma_start3A_69, %dma_start3A_70] : memref<5x1x96x96xf32, #tpu.memory_space<vmem>> -> memref<1x1x96x96xf32, #tpu.memory_space<vmem>>
    %dma_start3A_72 = tpu.memref_squeeze %dma_start3A_71 : memref<1x1x96x96xf32, #tpu.memory_space<vmem>> -> memref<1x96x96xf32, #tpu.memory_space<vmem>>
    %dma_start3A_73 = arith.constant 0 : i32
    %dma_start3A_74 = arith.constant 0 : i32
    %dma_start3A_75 = tpu.memref_slice %arg3[%add3A_42, %dma_start3A_73, %dma_start3A_74] : memref<1536x96x96xf32, #tpu.memory_space<hbm>> -> memref<1x96x96xf32, #tpu.memory_space<hbm>>
    tpu.enqueue_dma source(%dma_start3A_75 : memref<1x96x96xf32, #tpu.memory_space<hbm>>) target(%dma_start3A_72 : memref<1x96x96xf32, #tpu.memory_space<vmem>>) target_semaphore(%arg9 : memref<!tpu.dma_semaphore, #tpu.memory_space<semaphore_mem>>)
    %add3A_76 = arith.constant 1 : i32
    %add3A_77 = arith.addi %add3A_37, %add3A_76 : i32
    %dma_start3A_78 = arith.constant 1 : i32
    %dma_start3A_79 = arith.constant 0 : i32
    %dma_start3A_80 = arith.constant 0 : i32
    %dma_start3A_81 = arith.constant 0 : i32
    %dma_start3A_82 = tpu.memref_slice %arg5[%dma_start3A_78, %dma_start3A_79, %dma_start3A_80, %dma_start3A_81] : memref<5x1x96x96xf32, #tpu.memory_space<vmem>> -> memref<1x1x96x96xf32, #tpu.memory_space<vmem>>
    %dma_start3A_83 = tpu.memref_squeeze %dma_start3A_82 : memref<1x1x96x96xf32, #tpu.memory_space<vmem>> -> memref<1x96x96xf32, #tpu.memory_space<vmem>>
    %dma_start3A_84 = arith.constant 0 : i32
    %dma_start3A_85 = arith.constant 0 : i32
    %dma_start3A_86 = tpu.memref_slice %arg2[%add3A_77, %dma_start3A_84, %dma_start3A_85] : memref<1536x96x96xf32, #tpu.memory_space<hbm>> -> memref<1x96x96xf32, #tpu.memory_space<hbm>>
    %dma_start3A_87 = arith.constant 0 : i32
    %dma_start3A_88 = arith.constant 0 : i32
    %dma_start3A_89 = arith.constant 0 : i32
    %dma_start3A_90 = tpu.memref_slice %arg5[%dma_start3A_78, %dma_start3A_87, %dma_start3A_88, %dma_start3A_89] : memref<5x1x96x96xf32, #tpu.memory_space<vmem>> -> memref<1x1x96x96xf32, #tpu.memory_space<vmem>>
    %dma_start3A_91 = tpu.memref_squeeze %dma_start3A_90 : memref<1x1x96x96xf32, #tpu.memory_space<vmem>> -> memref<1x96x96xf32, #tpu.memory_space<vmem>>
    %dma_start3A_92 = arith.constant 0 : i32
    %dma_start3A_93 = arith.constant 0 : i32
    %dma_start3A_94 = tpu.memref_slice %arg2[%add3A_77, %dma_start3A_92, %dma_start3A_93] : memref<1536x96x96xf32, #tpu.memory_space<hbm>> -> memref<1x96x96xf32, #tpu.memory_space<hbm>>
    tpu.enqueue_dma source(%dma_start3A_94 : memref<1x96x96xf32, #tpu.memory_space<hbm>>) target(%dma_start3A_91 : memref<1x96x96xf32, #tpu.memory_space<vmem>>) target_semaphore(%arg10 : memref<!tpu.dma_semaphore, #tpu.memory_space<semaphore_mem>>)
    %dma_start3A_95 = arith.constant 1 : i32
    %dma_start3A_96 = arith.constant 0 : i32
    %dma_start3A_97 = arith.constant 0 : i32
    %dma_start3A_98 = arith.constant 0 : i32
    %dma_start3A_99 = tpu.memref_slice %arg6[%dma_start3A_95, %dma_start3A_96, %dma_start3A_97, %dma_start3A_98] : memref<5x1x96x96xf32, #tpu.memory_space<vmem>> -> memref<1x1x96x96xf32, #tpu.memory_space<vmem>>
    %dma_start3A_100 = tpu.memref_squeeze %dma_start3A_99 : memref<1x1x96x96xf32, #tpu.memory_space<vmem>> -> memref<1x96x96xf32, #tpu.memory_space<vmem>>
    %dma_start3A_101 = arith.constant 0 : i32
    %dma_start3A_102 = arith.constant 0 : i32
    %dma_start3A_103 = tpu.memref_slice %arg3[%add3A_77, %dma_start3A_101, %dma_start3A_102] : memref<1536x96x96xf32, #tpu.memory_space<hbm>> -> memref<1x96x96xf32, #tpu.memory_space<hbm>>
    %dma_start3A_104 = arith.constant 0 : i32
    %dma_start3A_105 = arith.constant 0 : i32
    %dma_start3A_106 = arith.constant 0 : i32
    %dma_start3A_107 = tpu.memref_slice %arg6[%dma_start3A_95, %dma_start3A_104, %dma_start3A_105, %dma_start3A_106] : memref<5x1x96x96xf32, #tpu.memory_space<vmem>> -> memref<1x1x96x96xf32, #tpu.memory_space<vmem>>
    %dma_start3A_108 = tpu.memref_squeeze %dma_start3A_107 : memref<1x1x96x96xf32, #tpu.memory_space<vmem>> -> memref<1x96x96xf32, #tpu.memory_space<vmem>>
    %dma_start3A_109 = arith.constant 0 : i32
    %dma_start3A_110 = arith.constant 0 : i32
    %dma_start3A_111 = tpu.memref_slice %arg3[%add3A_77, %dma_start3A_109, %dma_start3A_110] : memref<1536x96x96xf32, #tpu.memory_space<hbm>> -> memref<1x96x96xf32, #tpu.memory_space<hbm>>
    tpu.enqueue_dma source(%dma_start3A_111 : memref<1x96x96xf32, #tpu.memory_space<hbm>>) target(%dma_start3A_108 : memref<1x96x96xf32, #tpu.memory_space<vmem>>) target_semaphore(%arg11 : memref<!tpu.dma_semaphore, #tpu.memory_space<semaphore_mem>>)
    %add3A_112 = arith.constant 2 : i32
    %add3A_113 = arith.addi %add3A_37, %add3A_112 : i32
    %dma_start3A_114 = arith.constant 2 : i32
    %dma_start3A_115 = arith.constant 0 : i32
    %dma_start3A_116 = arith.constant 0 : i32
    %dma_start3A_117 = arith.constant 0 : i32
    %dma_start3A_118 = tpu.memref_slice %arg5[%dma_start3A_114, %dma_start3A_115, %dma_start3A_116, %dma_start3A_117] : memref<5x1x96x96xf32, #tpu.memory_space<vmem>> -> memref<1x1x96x96xf32, #tpu.memory_space<vmem>>
    %dma_start3A_119 = tpu.memref_squeeze %dma_start3A_118 : memref<1x1x96x96xf32, #tpu.memory_space<vmem>> -> memref<1x96x96xf32, #tpu.memory_space<vmem>>
    %dma_start3A_120 = arith.constant 0 : i32
    %dma_start3A_121 = arith.constant 0 : i32
    %dma_start3A_122 = tpu.memref_slice %arg2[%add3A_113, %dma_start3A_120, %dma_start3A_121] : memref<1536x96x96xf32, #tpu.memory_space<hbm>> -> memref<1x96x96xf32, #tpu.memory_space<hbm>>
    %dma_start3A_123 = arith.constant 0 : i32
    %dma_start3A_124 = arith.constant 0 : i32
    %dma_start3A_125 = arith.constant 0 : i32
    %dma_start3A_126 = tpu.memref_slice %arg5[%dma_start3A_114, %dma_start3A_123, %dma_start3A_124, %dma_start3A_125] : memref<5x1x96x96xf32, #tpu.memory_space<vmem>> -> memref<1x1x96x96xf32, #tpu.memory_space<vmem>>
    %dma_start3A_127 = tpu.memref_squeeze %dma_start3A_126 : memref<1x1x96x96xf32, #tpu.memory_space<vmem>> -> memref<1x96x96xf32, #tpu.memory_space<vmem>>
    %dma_start3A_128 = arith.constant 0 : i32
    %dma_start3A_129 = arith.constant 0 : i32
    %dma_start3A_130 = tpu.memref_slice %arg2[%add3A_113, %dma_start3A_128, %dma_start3A_129] : memref<1536x96x96xf32, #tpu.memory_space<hbm>> -> memref<1x96x96xf32, #tpu.memory_space<hbm>>
    tpu.enqueue_dma source(%dma_start3A_130 : memref<1x96x96xf32, #tpu.memory_space<hbm>>) target(%dma_start3A_127 : memref<1x96x96xf32, #tpu.memory_space<vmem>>) target_semaphore(%arg12 : memref<!tpu.dma_semaphore, #tpu.memory_space<semaphore_mem>>)
    %dma_start3A_131 = arith.constant 2 : i32
    %dma_start3A_132 = arith.constant 0 : i32
    %dma_start3A_133 = arith.constant 0 : i32
    %dma_start3A_134 = arith.constant 0 : i32
    %dma_start3A_135 = tpu.memref_slice %arg6[%dma_start3A_131, %dma_start3A_132, %dma_start3A_133, %dma_start3A_134] : memref<5x1x96x96xf32, #tpu.memory_space<vmem>> -> memref<1x1x96x96xf32, #tpu.memory_space<vmem>>
    %dma_start3A_136 = tpu.memref_squeeze %dma_start3A_135 : memref<1x1x96x96xf32, #tpu.memory_space<vmem>> -> memref<1x96x96xf32, #tpu.memory_space<vmem>>
    %dma_start3A_137 = arith.constant 0 : i32
    %dma_start3A_138 = arith.constant 0 : i32
    %dma_start3A_139 = tpu.memref_slice %arg3[%add3A_113, %dma_start3A_137, %dma_start3A_138] : memref<1536x96x96xf32, #tpu.memory_space<hbm>> -> memref<1x96x96xf32, #tpu.memory_space<hbm>>
    %dma_start3A_140 = arith.constant 0 : i32
    %dma_start3A_141 = arith.constant 0 : i32
    %dma_start3A_142 = arith.constant 0 : i32
    %dma_start3A_143 = tpu.memref_slice %arg6[%dma_start3A_131, %dma_start3A_140, %dma_start3A_141, %dma_start3A_142] : memref<5x1x96x96xf32, #tpu.memory_space<vmem>> -> memref<1x1x96x96xf32, #tpu.memory_space<vmem>>
    %dma_start3A_144 = tpu.memref_squeeze %dma_start3A_143 : memref<1x1x96x96xf32, #tpu.memory_space<vmem>> -> memref<1x96x96xf32, #tpu.memory_space<vmem>>
    %dma_start3A_145 = arith.constant 0 : i32
    %dma_start3A_146 = arith.constant 0 : i32
    %dma_start3A_147 = tpu.memref_slice %arg3[%add3A_113, %dma_start3A_145, %dma_start3A_146] : memref<1536x96x96xf32, #tpu.memory_space<hbm>> -> memref<1x96x96xf32, #tpu.memory_space<hbm>>
    tpu.enqueue_dma source(%dma_start3A_147 : memref<1x96x96xf32, #tpu.memory_space<hbm>>) target(%dma_start3A_144 : memref<1x96x96xf32, #tpu.memory_space<vmem>>) target_semaphore(%arg13 : memref<!tpu.dma_semaphore, #tpu.memory_space<semaphore_mem>>)
    %add3A_148 = arith.constant 3 : i32
    %add3A_149 = arith.addi %add3A_37, %add3A_148 : i32
    %dma_start3A_150 = arith.constant 3 : i32
    %dma_start3A_151 = arith.constant 0 : i32
    %dma_start3A_152 = arith.constant 0 : i32
    %dma_start3A_153 = arith.constant 0 : i32
    %dma_start3A_154 = tpu.memref_slice %arg5[%dma_start3A_150, %dma_start3A_151, %dma_start3A_152, %dma_start3A_153] : memref<5x1x96x96xf32, #tpu.memory_space<vmem>> -> memref<1x1x96x96xf32, #tpu.memory_space<vmem>>
    %dma_start3A_155 = tpu.memref_squeeze %dma_start3A_154 : memref<1x1x96x96xf32, #tpu.memory_space<vmem>> -> memref<1x96x96xf32, #tpu.memory_space<vmem>>
    %dma_start3A_156 = arith.constant 0 : i32
    %dma_start3A_157 = arith.constant 0 : i32
    %dma_start3A_158 = tpu.memref_slice %arg2[%add3A_149, %dma_start3A_156, %dma_start3A_157] : memref<1536x96x96xf32, #tpu.memory_space<hbm>> -> memref<1x96x96xf32, #tpu.memory_space<hbm>>
    %dma_start3A_159 = arith.constant 0 : i32
    %dma_start3A_160 = arith.constant 0 : i32
    %dma_start3A_161 = arith.constant 0 : i32
    %dma_start3A_162 = tpu.memref_slice %arg5[%dma_start3A_150, %dma_start3A_159, %dma_start3A_160, %dma_start3A_161] : memref<5x1x96x96xf32, #tpu.memory_space<vmem>> -> memref<1x1x96x96xf32, #tpu.memory_space<vmem>>
    %dma_start3A_163 = tpu.memref_squeeze %dma_start3A_162 : memref<1x1x96x96xf32, #tpu.memory_space<vmem>> -> memref<1x96x96xf32, #tpu.memory_space<vmem>>
    %dma_start3A_164 = arith.constant 0 : i32
    %dma_start3A_165 = arith.constant 0 : i32
    %dma_start3A_166 = tpu.memref_slice %arg2[%add3A_149, %dma_start3A_164, %dma_start3A_165] : memref<1536x96x96xf32, #tpu.memory_space<hbm>> -> memref<1x96x96xf32, #tpu.memory_space<hbm>>
    tpu.enqueue_dma source(%dma_start3A_166 : memref<1x96x96xf32, #tpu.memory_space<hbm>>) target(%dma_start3A_163 : memref<1x96x96xf32, #tpu.memory_space<vmem>>) target_semaphore(%arg14 : memref<!tpu.dma_semaphore, #tpu.memory_space<semaphore_mem>>)
    %dma_start3A_167 = arith.constant 3 : i32
    %dma_start3A_168 = arith.constant 0 : i32
    %dma_start3A_169 = arith.constant 0 : i32
    %dma_start3A_170 = arith.constant 0 : i32
    %dma_start3A_171 = tpu.memref_slice %arg6[%dma_start3A_167, %dma_start3A_168, %dma_start3A_169, %dma_start3A_170] : memref<5x1x96x96xf32, #tpu.memory_space<vmem>> -> memref<1x1x96x96xf32, #tpu.memory_space<vmem>>
    %dma_start3A_172 = tpu.memref_squeeze %dma_start3A_171 : memref<1x1x96x96xf32, #tpu.memory_space<vmem>> -> memref<1x96x96xf32, #tpu.memory_space<vmem>>
    %dma_start3A_173 = arith.constant 0 : i32
    %dma_start3A_174 = arith.constant 0 : i32
    %dma_start3A_175 = tpu.memref_slice %arg3[%add3A_149, %dma_start3A_173, %dma_start3A_174] : memref<1536x96x96xf32, #tpu.memory_space<hbm>> -> memref<1x96x96xf32, #tpu.memory_space<hbm>>
    %dma_start3A_176 = arith.constant 0 : i32
    %dma_start3A_177 = arith.constant 0 : i32
    %dma_start3A_178 = arith.constant 0 : i32
    %dma_start3A_179 = tpu.memref_slice %arg6[%dma_start3A_167, %dma_start3A_176, %dma_start3A_177, %dma_start3A_178] : memref<5x1x96x96xf32, #tpu.memory_space<vmem>> -> memref<1x1x96x96xf32, #tpu.memory_space<vmem>>
    %dma_start3A_180 = tpu.memref_squeeze %dma_start3A_179 : memref<1x1x96x96xf32, #tpu.memory_space<vmem>> -> memref<1x96x96xf32, #tpu.memory_space<vmem>>
    %dma_start3A_181 = arith.constant 0 : i32
    %dma_start3A_182 = arith.constant 0 : i32
    %dma_start3A_183 = tpu.memref_slice %arg3[%add3A_149, %dma_start3A_181, %dma_start3A_182] : memref<1536x96x96xf32, #tpu.memory_space<hbm>> -> memref<1x96x96xf32, #tpu.memory_space<hbm>>
    tpu.enqueue_dma source(%dma_start3A_183 : memref<1x96x96xf32, #tpu.memory_space<hbm>>) target(%dma_start3A_180 : memref<1x96x96xf32, #tpu.memory_space<vmem>>) target_semaphore(%arg15 : memref<!tpu.dma_semaphore, #tpu.memory_space<semaphore_mem>>)
    %scan3A = arith.constant 0 : i32
    %scan3A_184 = arith.constant 4 : i32
    %scan3A_185 = arith.addi %scan3A, %scan3A_184 : i32
    %scan3A_186 = arith.constant 1 : i32
    %scan3A_187:5 = scf.for %scan3A_648 = %scan3A to %scan3A_185 step %scan3A_186 iter_args(%scan3A_649 = %broadcast_in_dim3A_38, %scan3A_650 = %broadcast_in_dim3A_38, %scan3A_651 = %broadcast_in_dim3A_38, %scan3A_652 = %broadcast_in_dim3A_38, %scan3A_653 = %broadcast_in_dim3A_38) -> (vector<16xf32>, vector<16xf32>, vector<16xf32>, vector<16xf32>, vector<16xf32>)  : i32 {
      %mul3A_654 = arith.constant 5 : i32
      %mul3A_655 = arith.muli %scan3A_648, %mul3A_654 : i32
      %add3A_656 = arith.constant 0 : i32
      %add3A_657 = arith.addi %mul3A_655, %add3A_656 : i32
      %mul3A_658 = arith.constant 1 : i32
      %mul3A_659 = arith.muli %add3A_657, %mul3A_658 : i32
      %add3A_660 = arith.addi %add3A_37, %mul3A_659 : i32
      %mul3A_661 = arith.constant 1 : i32
      %mul3A_662 = arith.muli %add3A_657, %mul3A_661 : i32
      %add3A_663 = arith.addi %add3A_37, %mul3A_662 : i32
      %dma_wait3A_664 = arith.constant 0 : i32
      %dma_wait3A_665 = arith.constant 0 : i32
      %dma_wait3A_666 = arith.constant 0 : i32
      %dma_wait3A_667 = arith.constant 0 : i32
      %dma_wait3A_668 = tpu.memref_slice %arg5[%dma_wait3A_664, %dma_wait3A_665, %dma_wait3A_666, %dma_wait3A_667] : memref<5x1x96x96xf32, #tpu.memory_space<vmem>> -> memref<1x1x96x96xf32, #tpu.memory_space<vmem>>
      %dma_wait3A_669 = tpu.memref_squeeze %dma_wait3A_668 : memref<1x1x96x96xf32, #tpu.memory_space<vmem>> -> memref<1x96x96xf32, #tpu.memory_space<vmem>>
      %dma_wait3A_670 = arith.constant 0 : i32
      %dma_wait3A_671 = arith.constant 0 : i32
      %dma_wait3A_672 = tpu.memref_slice %arg2[%add3A_660, %dma_wait3A_670, %dma_wait3A_671] : memref<1536x96x96xf32, #tpu.memory_space<hbm>> -> memref<1x96x96xf32, #tpu.memory_space<hbm>>
      %dma_wait3A_673 = arith.constant 0 : i32
      %dma_wait3A_674 = arith.constant 0 : i32
      %dma_wait3A_675 = arith.constant 0 : i32
      %dma_wait3A_676 = tpu.memref_slice %arg5[%dma_wait3A_664, %dma_wait3A_673, %dma_wait3A_674, %dma_wait3A_675] : memref<5x1x96x96xf32, #tpu.memory_space<vmem>> -> memref<1x1x96x96xf32, #tpu.memory_space<vmem>>
      %dma_wait3A_677 = tpu.memref_squeeze %dma_wait3A_676 : memref<1x1x96x96xf32, #tpu.memory_space<vmem>> -> memref<1x96x96xf32, #tpu.memory_space<vmem>>
      %dma_wait3A_678 = arith.constant 0 : i32
      %dma_wait3A_679 = arith.constant 0 : i32
      %dma_wait3A_680 = tpu.memref_slice %arg2[%add3A_660, %dma_wait3A_678, %dma_wait3A_679] : memref<1536x96x96xf32, #tpu.memory_space<hbm>> -> memref<1x96x96xf32, #tpu.memory_space<hbm>>
      tpu.wait_dma2 semaphore(%arg8 : memref<!tpu.dma_semaphore, #tpu.memory_space<semaphore_mem>>) src(%dma_wait3A_680 : memref<1x96x96xf32, #tpu.memory_space<hbm>>) dst(%dma_wait3A_677 : memref<1x96x96xf32, #tpu.memory_space<vmem>>)
      %dma_wait3A_681 = arith.constant 0 : i32
      %dma_wait3A_682 = arith.constant 0 : i32
      %dma_wait3A_683 = arith.constant 0 : i32
      %dma_wait3A_684 = arith.constant 0 : i32
      %dma_wait3A_685 = tpu.memref_slice %arg6[%dma_wait3A_681, %dma_wait3A_682, %dma_wait3A_683, %dma_wait3A_684] : memref<5x1x96x96xf32, #tpu.memory_space<vmem>> -> memref<1x1x96x96xf32, #tpu.memory_space<vmem>>
      %dma_wait3A_686 = tpu.memref_squeeze %dma_wait3A_685 : memref<1x1x96x96xf32, #tpu.memory_space<vmem>> -> memref<1x96x96xf32, #tpu.memory_space<vmem>>
      %dma_wait3A_687 = arith.constant 0 : i32
      %dma_wait3A_688 = arith.constant 0 : i32
      %dma_wait3A_689 = tpu.memref_slice %arg3[%add3A_663, %dma_wait3A_687, %dma_wait3A_688] : memref<1536x96x96xf32, #tpu.memory_space<hbm>> -> memref<1x96x96xf32, #tpu.memory_space<hbm>>
      %dma_wait3A_690 = arith.constant 0 : i32
      %dma_wait3A_691 = arith.constant 0 : i32
      %dma_wait3A_692 = arith.constant 0 : i32
      %dma_wait3A_693 = tpu.memref_slice %arg6[%dma_wait3A_681, %dma_wait3A_690, %dma_wait3A_691, %dma_wait3A_692] : memref<5x1x96x96xf32, #tpu.memory_space<vmem>> -> memref<1x1x96x96xf32, #tpu.memory_space<vmem>>
      %dma_wait3A_694 = tpu.memref_squeeze %dma_wait3A_693 : memref<1x1x96x96xf32, #tpu.memory_space<vmem>> -> memref<1x96x96xf32, #tpu.memory_space<vmem>>
      %dma_wait3A_695 = arith.constant 0 : i32
      %dma_wait3A_696 = arith.constant 0 : i32
      %dma_wait3A_697 = tpu.memref_slice %arg3[%add3A_663, %dma_wait3A_695, %dma_wait3A_696] : memref<1536x96x96xf32, #tpu.memory_space<hbm>> -> memref<1x96x96xf32, #tpu.memory_space<hbm>>
      tpu.wait_dma2 semaphore(%arg9 : memref<!tpu.dma_semaphore, #tpu.memory_space<semaphore_mem>>) src(%dma_wait3A_697 : memref<1x96x96xf32, #tpu.memory_space<hbm>>) dst(%dma_wait3A_694 : memref<1x96x96xf32, #tpu.memory_space<vmem>>)
      %add3A_698 = arith.constant 5 : i32
      %add3A_699 = arith.addi %add3A_657, %add3A_698 : i32
      %sub3A_700 = arith.constant 1 : i32
      %sub3A_701 = arith.subi %add3A_699, %sub3A_700 : i32
      %lt3A_702 = arith.constant 21 : i32
      %lt3A_703 = arith.cmpi slt, %sub3A_701, %lt3A_702 : i32
      %convert_element_type3A = arith.extui %lt3A_703 : i1 to i32
      %cond3A = arith.constant 0 : i32
      %cond3A_704 = arith.cmpi ne, %convert_element_type3A, %cond3A : i32
      scf.if %cond3A_704 {
        %mul3A_972 = arith.constant 1 : i32
        %mul3A_973 = arith.muli %sub3A_701, %mul3A_972 : i32
        %add3A_974 = arith.addi %add3A_37, %mul3A_973 : i32
        %dma_start3A_975 = arith.constant 4 : i32
        %dma_start3A_976 = arith.constant 0 : i32
        %dma_start3A_977 = arith.constant 0 : i32
        %dma_start3A_978 = arith.constant 0 : i32
        %dma_start3A_979 = tpu.memref_slice %arg5[%dma_start3A_975, %dma_start3A_976, %dma_start3A_977, %dma_start3A_978] : memref<5x1x96x96xf32, #tpu.memory_space<vmem>> -> memref<1x1x96x96xf32, #tpu.memory_space<vmem>>
        %dma_start3A_980 = tpu.memref_squeeze %dma_start3A_979 : memref<1x1x96x96xf32, #tpu.memory_space<vmem>> -> memref<1x96x96xf32, #tpu.memory_space<vmem>>
        %dma_start3A_981 = arith.constant 0 : i32
        %dma_start3A_982 = arith.constant 0 : i32
        %dma_start3A_983 = tpu.memref_slice %arg2[%add3A_974, %dma_start3A_981, %dma_start3A_982] : memref<1536x96x96xf32, #tpu.memory_space<hbm>> -> memref<1x96x96xf32, #tpu.memory_space<hbm>>
        %dma_start3A_984 = arith.constant 0 : i32
        %dma_start3A_985 = arith.constant 0 : i32
        %dma_start3A_986 = arith.constant 0 : i32
        %dma_start3A_987 = tpu.memref_slice %arg5[%dma_start3A_975, %dma_start3A_984, %dma_start3A_985, %dma_start3A_986] : memref<5x1x96x96xf32, #tpu.memory_space<vmem>> -> memref<1x1x96x96xf32, #tpu.memory_space<vmem>>
        %dma_start3A_988 = tpu.memref_squeeze %dma_start3A_987 : memref<1x1x96x96xf32, #tpu.memory_space<vmem>> -> memref<1x96x96xf32, #tpu.memory_space<vmem>>
        %dma_start3A_989 = arith.constant 0 : i32
        %dma_start3A_990 = arith.constant 0 : i32
        %dma_start3A_991 = tpu.memref_slice %arg2[%add3A_974, %dma_start3A_989, %dma_start3A_990] : memref<1536x96x96xf32, #tpu.memory_space<hbm>> -> memref<1x96x96xf32, #tpu.memory_space<hbm>>
        tpu.enqueue_dma source(%dma_start3A_991 : memref<1x96x96xf32, #tpu.memory_space<hbm>>) target(%dma_start3A_988 : memref<1x96x96xf32, #tpu.memory_space<vmem>>) target_semaphore(%arg16 : memref<!tpu.dma_semaphore, #tpu.memory_space<semaphore_mem>>)
        %dma_start3A_992 = arith.constant 4 : i32
        %dma_start3A_993 = arith.constant 0 : i32
        %dma_start3A_994 = arith.constant 0 : i32
        %dma_start3A_995 = arith.constant 0 : i32
        %dma_start3A_996 = tpu.memref_slice %arg6[%dma_start3A_992, %dma_start3A_993, %dma_start3A_994, %dma_start3A_995] : memref<5x1x96x96xf32, #tpu.memory_space<vmem>> -> memref<1x1x96x96xf32, #tpu.memory_space<vmem>>
        %dma_start3A_997 = tpu.memref_squeeze %dma_start3A_996 : memref<1x1x96x96xf32, #tpu.memory_space<vmem>> -> memref<1x96x96xf32, #tpu.memory_space<vmem>>
        %dma_start3A_998 = arith.constant 0 : i32
        %dma_start3A_999 = arith.constant 0 : i32
        %dma_start3A_1000 = tpu.memref_slice %arg3[%add3A_974, %dma_start3A_998, %dma_start3A_999] : memref<1536x96x96xf32, #tpu.memory_space<hbm>> -> memref<1x96x96xf32, #tpu.memory_space<hbm>>
        %dma_start3A_1001 = arith.constant 0 : i32
        %dma_start3A_1002 = arith.constant 0 : i32
        %dma_start3A_1003 = arith.constant 0 : i32
        %dma_start3A_1004 = tpu.memref_slice %arg6[%dma_start3A_992, %dma_start3A_1001, %dma_start3A_1002, %dma_start3A_1003] : memref<5x1x96x96xf32, #tpu.memory_space<vmem>> -> memref<1x1x96x96xf32, #tpu.memory_space<vmem>>
        %dma_start3A_1005 = tpu.memref_squeeze %dma_start3A_1004 : memref<1x1x96x96xf32, #tpu.memory_space<vmem>> -> memref<1x96x96xf32, #tpu.memory_space<vmem>>
        %dma_start3A_1006 = arith.constant 0 : i32
        %dma_start3A_1007 = arith.constant 0 : i32
        %dma_start3A_1008 = tpu.memref_slice %arg3[%add3A_974, %dma_start3A_1006, %dma_start3A_1007] : memref<1536x96x96xf32, #tpu.memory_space<hbm>> -> memref<1x96x96xf32, #tpu.memory_space<hbm>>
        tpu.enqueue_dma source(%dma_start3A_1008 : memref<1x96x96xf32, #tpu.memory_space<hbm>>) target(%dma_start3A_1005 : memref<1x96x96xf32, #tpu.memory_space<vmem>>) target_semaphore(%arg17 : memref<!tpu.dma_semaphore, #tpu.memory_space<semaphore_mem>>)
      } else {
      }
      %scan3A_705 = arith.constant 0 : i32
      %scan3A_706 = arith.constant 96 : i32
      %scan3A_707 = arith.addi %scan3A_705, %scan3A_706 : i32
      %scan3A_708 = arith.constant 1 : i32
      %scan3A_709:5 = scf.for %scan3A_972 = %scan3A_705 to %scan3A_707 step %scan3A_708 iter_args(%scan3A_973 = %broadcast_in_dim3A_38, %scan3A_974 = %broadcast_in_dim3A_38, %scan3A_975 = %broadcast_in_dim3A_38, %scan3A_976 = %broadcast_in_dim3A_38, %scan3A_977 = %broadcast_in_dim3A_38) -> (vector<16xf32>, vector<16xf32>, vector<16xf32>, vector<16xf32>, vector<16xf32>)  : i32 {
        %get3A = arith.constant 0 : i32
        %get3A_978 = arith.constant 0 : i32
        %get3A_979 = arith.index_cast %get3A : i32 to index
        %get3A_980 = arith.index_cast %get3A_978 : i32 to index
        %get3A_981 = arith.index_cast %scan3A_972 : i32 to index
        %get3A_982 = arith.constant 0 : index
        %get3A_983 = tpu.vector_load %arg5[%get3A_979, %get3A_980, %get3A_981, %get3A_982] {strides = array<i32>} : memref<5x1x96x96xf32, #tpu.memory_space<vmem>>, vector<1x1x1x16xf32>,
        %get3A_984 = vector.shape_cast %get3A_983 : vector<1x1x1x16xf32> to vector<16xf32>
        %get3A_985 = arith.constant 0 : i32
        %get3A_986 = arith.constant 0 : i32
        %get3A_987 = arith.index_cast %get3A_985 : i32 to index
        %get3A_988 = arith.index_cast %get3A_986 : i32 to index
        %get3A_989 = arith.index_cast %scan3A_972 : i32 to index
        %get3A_990 = arith.constant 0 : index
        %get3A_991 = tpu.vector_load %arg6[%get3A_987, %get3A_988, %get3A_989, %get3A_990] {strides = array<i32>} : memref<5x1x96x96xf32, #tpu.memory_space<vmem>>, vector<1x1x1x16xf32>,
        %get3A_992 = vector.shape_cast %get3A_991 : vector<1x1x1x16xf32> to vector<16xf32>
        %gt3A = arith.constant 5.000000e-01 : f32
        %gt3A_993 = vector.broadcast %gt3A : f32 to vector<16xf32>
        %gt3A_994 = arith.cmpf ogt, %get3A_992, %gt3A_993 : vector<16xf32>
        %select_n3A_995 = arith.select %gt3A_994, %broadcast_in_dim3A_40, %broadcast_in_dim3A_38 : vector<16xi1>, vector<16xf32>
        %select_n3A_996 = arith.select %gt3A_994, %get3A_984, %broadcast_in_dim3A_38 : vector<16xi1>, vector<16xf32>
        %select_n3A_997 = arith.select %gt3A_994, %get3A_992, %broadcast_in_dim3A_38 : vector<16xi1>, vector<16xf32>
        %get3A_998 = arith.constant 0 : i32
        %get3A_999 = arith.constant 0 : i32
        %get3A_1000 = arith.index_cast %get3A_998 : i32 to index
        %get3A_1001 = arith.index_cast %get3A_999 : i32 to index
        %get3A_1002 = arith.index_cast %scan3A_972 : i32 to index
        %get3A_1003 = arith.constant 16 : index
        %get3A_1004 = tpu.vector_load %arg5[%get3A_1000, %get3A_1001, %get3A_1002, %get3A_1003] {strides = array<i32>} : memref<5x1x96x96xf32, #tpu.memory_space<vmem>>, vector<1x1x1x16xf32>,
        %get3A_1005 = vector.shape_cast %get3A_1004 : vector<1x1x1x16xf32> to vector<16xf32>
        %get3A_1006 = arith.constant 0 : i32
        %get3A_1007 = arith.constant 0 : i32
        %get3A_1008 = arith.index_cast %get3A_1006 : i32 to index
        %get3A_1009 = arith.index_cast %get3A_1007 : i32 to index
        %get3A_1010 = arith.index_cast %scan3A_972 : i32 to index
        %get3A_1011 = arith.constant 16 : index
        %get3A_1012 = tpu.vector_load %arg6[%get3A_1008, %get3A_1009, %get3A_1010, %get3A_1011] {strides = array<i32>} : memref<5x1x96x96xf32, #tpu.memory_space<vmem>>, vector<1x1x1x16xf32>,
        %get3A_1013 = vector.shape_cast %get3A_1012 : vector<1x1x1x16xf32> to vector<16xf32>
        %gt3A_1014 = arith.constant 5.000000e-01 : f32
        %gt3A_1015 = vector.broadcast %gt3A_1014 : f32 to vector<16xf32>
        %gt3A_1016 = arith.cmpf ogt, %get3A_1013, %gt3A_1015 : vector<16xf32>
        %select_n3A_1017 = arith.select %gt3A_1016, %broadcast_in_dim3A_40, %broadcast_in_dim3A_38 : vector<16xi1>, vector<16xf32>
        %select_n3A_1018 = arith.select %gt3A_1016, %get3A_1005, %broadcast_in_dim3A_38 : vector<16xi1>, vector<16xf32>
        %select_n3A_1019 = arith.select %gt3A_1016, %get3A_1013, %broadcast_in_dim3A_38 : vector<16xi1>, vector<16xf32>
        %get3A_1020 = arith.constant 0 : i32
        %get3A_1021 = arith.constant 0 : i32
        %get3A_1022 = arith.index_cast %get3A_1020 : i32 to index
        %get3A_1023 = arith.index_cast %get3A_1021 : i32 to index
        %get3A_1024 = arith.index_cast %scan3A_972 : i32 to index
        %get3A_1025 = arith.constant 32 : index
        %get3A_1026 = tpu.vector_load %arg5[%get3A_1022, %get3A_1023, %get3A_1024, %get3A_1025] {strides = array<i32>} : memref<5x1x96x96xf32, #tpu.memory_space<vmem>>, vector<1x1x1x16xf32>,
        %get3A_1027 = vector.shape_cast %get3A_1026 : vector<1x1x1x16xf32> to vector<16xf32>
        %get3A_1028 = arith.constant 0 : i32
        %get3A_1029 = arith.constant 0 : i32
        %get3A_1030 = arith.index_cast %get3A_1028 : i32 to index
        %get3A_1031 = arith.index_cast %get3A_1029 : i32 to index
        %get3A_1032 = arith.index_cast %scan3A_972 : i32 to index
        %get3A_1033 = arith.constant 32 : index
        %get3A_1034 = tpu.vector_load %arg6[%get3A_1030, %get3A_1031, %get3A_1032, %get3A_1033] {strides = array<i32>} : memref<5x1x96x96xf32, #tpu.memory_space<vmem>>, vector<1x1x1x16xf32>,
        %get3A_1035 = vector.shape_cast %get3A_1034 : vector<1x1x1x16xf32> to vector<16xf32>
        %gt3A_1036 = arith.constant 5.000000e-01 : f32
        %gt3A_1037 = vector.broadcast %gt3A_1036 : f32 to vector<16xf32>
        %gt3A_1038 = arith.cmpf ogt, %get3A_1035, %gt3A_1037 : vector<16xf32>
        %select_n3A_1039 = arith.select %gt3A_1038, %broadcast_in_dim3A_40, %broadcast_in_dim3A_38 : vector<16xi1>, vector<16xf32>
        %select_n3A_1040 = arith.select %gt3A_1038, %get3A_1027, %broadcast_in_dim3A_38 : vector<16xi1>, vector<16xf32>
        %select_n3A_1041 = arith.select %gt3A_1038, %get3A_1035, %broadcast_in_dim3A_38 : vector<16xi1>, vector<16xf32>
        %get3A_1042 = arith.constant 0 : i32
        %get3A_1043 = arith.constant 0 : i32
        %get3A_1044 = arith.index_cast %get3A_1042 : i32 to index
        %get3A_1045 = arith.index_cast %get3A_1043 : i32 to index
        %get3A_1046 = arith.index_cast %scan3A_972 : i32 to index
        %get3A_1047 = arith.constant 48 : index
        %get3A_1048 = tpu.vector_load %arg5[%get3A_1044, %get3A_1045, %get3A_1046, %get3A_1047] {strides = array<i32>} : memref<5x1x96x96xf32, #tpu.memory_space<vmem>>, vector<1x1x1x16xf32>,
        %get3A_1049 = vector.shape_cast %get3A_1048 : vector<1x1x1x16xf32> to vector<16xf32>
        %get3A_1050 = arith.constant 0 : i32
        %get3A_1051 = arith.constant 0 : i32
        %get3A_1052 = arith.index_cast %get3A_1050 : i32 to index
        %get3A_1053 = arith.index_cast %get3A_1051 : i32 to index
        %get3A_1054 = arith.index_cast %scan3A_972 : i32 to index
        %get3A_1055 = arith.constant 48 : index
        %get3A_1056 = tpu.vector_load %arg6[%get3A_1052, %get3A_1053, %get3A_1054, %get3A_1055] {strides = array<i32>} : memref<5x1x96x96xf32, #tpu.memory_space<vmem>>, vector<1x1x1x16xf32>,
        %get3A_1057 = vector.shape_cast %get3A_1056 : vector<1x1x1x16xf32> to vector<16xf32>
        %gt3A_1058 = arith.constant 5.000000e-01 : f32
        %gt3A_1059 = vector.broadcast %gt3A_1058 : f32 to vector<16xf32>
        %gt3A_1060 = arith.cmpf ogt, %get3A_1057, %gt3A_1059 : vector<16xf32>
        %select_n3A_1061 = arith.select %gt3A_1060, %broadcast_in_dim3A_40, %broadcast_in_dim3A_38 : vector<16xi1>, vector<16xf32>
        %select_n3A_1062 = arith.select %gt3A_1060, %get3A_1049, %broadcast_in_dim3A_38 : vector<16xi1>, vector<16xf32>
        %select_n3A_1063 = arith.select %gt3A_1060, %get3A_1057, %broadcast_in_dim3A_38 : vector<16xi1>, vector<16xf32>
        %get3A_1064 = arith.constant 0 : i32
        %get3A_1065 = arith.constant 0 : i32
        %get3A_1066 = arith.index_cast %get3A_1064 : i32 to index
        %get3A_1067 = arith.index_cast %get3A_1065 : i32 to index
        %get3A_1068 = arith.index_cast %scan3A_972 : i32 to index
        %get3A_1069 = arith.constant 64 : index
        %get3A_1070 = tpu.vector_load %arg5[%get3A_1066, %get3A_1067, %get3A_1068, %get3A_1069] {strides = array<i32>} : memref<5x1x96x96xf32, #tpu.memory_space<vmem>>, vector<1x1x1x16xf32>,
        %get3A_1071 = vector.shape_cast %get3A_1070 : vector<1x1x1x16xf32> to vector<16xf32>
        %get3A_1072 = arith.constant 0 : i32
        %get3A_1073 = arith.constant 0 : i32
        %get3A_1074 = arith.index_cast %get3A_1072 : i32 to index
        %get3A_1075 = arith.index_cast %get3A_1073 : i32 to index
        %get3A_1076 = arith.index_cast %scan3A_972 : i32 to index
        %get3A_1077 = arith.constant 64 : index
        %get3A_1078 = tpu.vector_load %arg6[%get3A_1074, %get3A_1075, %get3A_1076, %get3A_1077] {strides = array<i32>} : memref<5x1x96x96xf32, #tpu.memory_space<vmem>>, vector<1x1x1x16xf32>,
        %get3A_1079 = vector.shape_cast %get3A_1078 : vector<1x1x1x16xf32> to vector<16xf32>
        %gt3A_1080 = arith.constant 5.000000e-01 : f32
        %gt3A_1081 = vector.broadcast %gt3A_1080 : f32 to vector<16xf32>
        %gt3A_1082 = arith.cmpf ogt, %get3A_1079, %gt3A_1081 : vector<16xf32>
        %select_n3A_1083 = arith.select %gt3A_1082, %broadcast_in_dim3A_40, %broadcast_in_dim3A_38 : vector<16xi1>, vector<16xf32>
        %select_n3A_1084 = arith.select %gt3A_1082, %get3A_1071, %broadcast_in_dim3A_38 : vector<16xi1>, vector<16xf32>
        %select_n3A_1085 = arith.select %gt3A_1082, %get3A_1079, %broadcast_in_dim3A_38 : vector<16xi1>, vector<16xf32>
        %get3A_1086 = arith.constant 0 : i32
        %get3A_1087 = arith.constant 0 : i32
        %get3A_1088 = arith.index_cast %get3A_1086 : i32 to index
        %get3A_1089 = arith.index_cast %get3A_1087 : i32 to index
        %get3A_1090 = arith.index_cast %scan3A_972 : i32 to index
        %get3A_1091 = arith.constant 80 : index
        %get3A_1092 = tpu.vector_load %arg5[%get3A_1088, %get3A_1089, %get3A_1090, %get3A_1091] {strides = array<i32>} : memref<5x1x96x96xf32, #tpu.memory_space<vmem>>, vector<1x1x1x16xf32>,
        %get3A_1093 = vector.shape_cast %get3A_1092 : vector<1x1x1x16xf32> to vector<16xf32>
        %get3A_1094 = arith.constant 0 : i32
        %get3A_1095 = arith.constant 0 : i32
        %get3A_1096 = arith.index_cast %get3A_1094 : i32 to index
        %get3A_1097 = arith.index_cast %get3A_1095 : i32 to index
        %get3A_1098 = arith.index_cast %scan3A_972 : i32 to index
        %get3A_1099 = arith.constant 80 : index
        %get3A_1100 = tpu.vector_load %arg6[%get3A_1096, %get3A_1097, %get3A_1098, %get3A_1099] {strides = array<i32>} : memref<5x1x96x96xf32, #tpu.memory_space<vmem>>, vector<1x1x1x16xf32>,
        %get3A_1101 = vector.shape_cast %get3A_1100 : vector<1x1x1x16xf32> to vector<16xf32>
        %gt3A_1102 = arith.constant 5.000000e-01 : f32
        %gt3A_1103 = vector.broadcast %gt3A_1102 : f32 to vector<16xf32>
        %gt3A_1104 = arith.cmpf ogt, %get3A_1101, %gt3A_1103 : vector<16xf32>
        %select_n3A_1105 = arith.select %gt3A_1104, %broadcast_in_dim3A_40, %broadcast_in_dim3A_38 : vector<16xi1>, vector<16xf32>
        %select_n3A_1106 = arith.select %gt3A_1104, %get3A_1093, %broadcast_in_dim3A_38 : vector<16xi1>, vector<16xf32>
        %select_n3A_1107 = arith.select %gt3A_1104, %get3A_1101, %broadcast_in_dim3A_38 : vector<16xi1>, vector<16xf32>
        %add3A_1108 = arith.addf %select_n3A_995, %select_n3A_1017 : vector<16xf32>
        %add3A_1109 = arith.addf %select_n3A_1039, %select_n3A_1061 : vector<16xf32>
        %add3A_1110 = arith.addf %select_n3A_1083, %select_n3A_1105 : vector<16xf32>
        %add3A_1111 = arith.addf %add3A_1108, %add3A_1109 : vector<16xf32>
        %add3A_1112 = arith.addf %add3A_1111, %add3A_1110 : vector<16xf32>
        %add3A_1113 = arith.addf %scan3A_973, %add3A_1112 : vector<16xf32>
        %add3A_1114 = arith.addf %select_n3A_996, %select_n3A_1018 : vector<16xf32>
        %add3A_1115 = arith.addf %select_n3A_1040, %select_n3A_1062 : vector<16xf32>
        %add3A_1116 = arith.addf %select_n3A_1084, %select_n3A_1106 : vector<16xf32>
        %add3A_1117 = arith.addf %add3A_1114, %add3A_1115 : vector<16xf32>
        %add3A_1118 = arith.addf %add3A_1117, %add3A_1116 : vector<16xf32>
        %add3A_1119 = arith.addf %scan3A_974, %add3A_1118 : vector<16xf32>
        %add3A_1120 = arith.addf %select_n3A_997, %select_n3A_1019 : vector<16xf32>
        %add3A_1121 = arith.addf %select_n3A_1041, %select_n3A_1063 : vector<16xf32>
        %add3A_1122 = arith.addf %select_n3A_1085, %select_n3A_1107 : vector<16xf32>
        %add3A_1123 = arith.addf %add3A_1120, %add3A_1121 : vector<16xf32>
        %add3A_1124 = arith.addf %add3A_1123, %add3A_1122 : vector<16xf32>
        %add3A_1125 = arith.addf %scan3A_975, %add3A_1124 : vector<16xf32>
        %add3A_1126 = arith.addf %get3A_984, %get3A_1005 : vector<16xf32>
        %add3A_1127 = arith.addf %get3A_1027, %get3A_1049 : vector<16xf32>
        %add3A_1128 = arith.addf %get3A_1071, %get3A_1093 : vector<16xf32>
        %add3A_1129 = arith.addf %add3A_1126, %add3A_1127 : vector<16xf32>
        %add3A_1130 = arith.addf %add3A_1129, %add3A_1128 : vector<16xf32>
        %add3A_1131 = arith.addf %scan3A_976, %add3A_1130 : vector<16xf32>
        %add3A_1132 = arith.addf %get3A_992, %get3A_1013 : vector<16xf32>
        %add3A_1133 = arith.addf %get3A_1035, %get3A_1057 : vector<16xf32>
        %add3A_1134 = arith.addf %get3A_1079, %get3A_1101 : vector<16xf32>
        %add3A_1135 = arith.addf %add3A_1132, %add3A_1133 : vector<16xf32>
        %add3A_1136 = arith.addf %add3A_1135, %add3A_1134 : vector<16xf32>
        %add3A_1137 = arith.addf %scan3A_977, %add3A_1136 : vector<16xf32>
        scf.yield %add3A_1113, %add3A_1119, %add3A_1125, %add3A_1131, %add3A_1137 : vector<16xf32>, vector<16xf32>, vector<16xf32>, vector<16xf32>, vector<16xf32>
      }
      %scan3A_710 = arith.constant 96 : i32
      %add3A_711 = arith.addf %scan3A_649, %scan3A_709#0 : vector<16xf32>
      %add3A_712 = arith.addf %scan3A_650, %scan3A_709#1 : vector<16xf32>
      %add3A_713 = arith.addf %scan3A_651, %scan3A_709#2 : vector<16xf32>
      %add3A_714 = arith.addf %scan3A_652, %scan3A_709#3 : vector<16xf32>
      %add3A_715 = arith.addf %scan3A_653, %scan3A_709#4 : vector<16xf32>
      %mul3A_716 = arith.constant 5 : i32
      %mul3A_717 = arith.muli %scan3A_648, %mul3A_716 : i32
      %add3A_718 = arith.constant 1 : i32
      %add3A_719 = arith.addi %mul3A_717, %add3A_718 : i32
      %mul3A_720 = arith.constant 1 : i32
      %mul3A_721 = arith.muli %add3A_719, %mul3A_720 : i32
      %add3A_722 = arith.addi %add3A_37, %mul3A_721 : i32
      %mul3A_723 = arith.constant 1 : i32
      %mul3A_724 = arith.muli %add3A_719, %mul3A_723 : i32
      %add3A_725 = arith.addi %add3A_37, %mul3A_724 : i32
      %dma_wait3A_726 = arith.constant 1 : i32
      %dma_wait3A_727 = arith.constant 0 : i32
      %dma_wait3A_728 = arith.constant 0 : i32
      %dma_wait3A_729 = arith.constant 0 : i32
      %dma_wait3A_730 = tpu.memref_slice %arg5[%dma_wait3A_726, %dma_wait3A_727, %dma_wait3A_728, %dma_wait3A_729] : memref<5x1x96x96xf32, #tpu.memory_space<vmem>> -> memref<1x1x96x96xf32, #tpu.memory_space<vmem>>
      %dma_wait3A_731 = tpu.memref_squeeze %dma_wait3A_730 : memref<1x1x96x96xf32, #tpu.memory_space<vmem>> -> memref<1x96x96xf32, #tpu.memory_space<vmem>>
      %dma_wait3A_732 = arith.constant 0 : i32
      %dma_wait3A_733 = arith.constant 0 : i32
      %dma_wait3A_734 = tpu.memref_slice %arg2[%add3A_722, %dma_wait3A_732, %dma_wait3A_733] : memref<1536x96x96xf32, #tpu.memory_space<hbm>> -> memref<1x96x96xf32, #tpu.memory_space<hbm>>
      %dma_wait3A_735 = arith.constant 0 : i32
      %dma_wait3A_736 = arith.constant 0 : i32
      %dma_wait3A_737 = arith.constant 0 : i32
      %dma_wait3A_738 = tpu.memref_slice %arg5[%dma_wait3A_726, %dma_wait3A_735, %dma_wait3A_736, %dma_wait3A_737] : memref<5x1x96x96xf32, #tpu.memory_space<vmem>> -> memref<1x1x96x96xf32, #tpu.memory_space<vmem>>
      %dma_wait3A_739 = tpu.memref_squeeze %dma_wait3A_738 : memref<1x1x96x96xf32, #tpu.memory_space<vmem>> -> memref<1x96x96xf32, #tpu.memory_space<vmem>>
      %dma_wait3A_740 = arith.constant 0 : i32
      %dma_wait3A_741 = arith.constant 0 : i32
      %dma_wait3A_742 = tpu.memref_slice %arg2[%add3A_722, %dma_wait3A_740, %dma_wait3A_741] : memref<1536x96x96xf32, #tpu.memory_space<hbm>> -> memref<1x96x96xf32, #tpu.memory_space<hbm>>
      tpu.wait_dma2 semaphore(%arg10 : memref<!tpu.dma_semaphore, #tpu.memory_space<semaphore_mem>>) src(%dma_wait3A_742 : memref<1x96x96xf32, #tpu.memory_space<hbm>>) dst(%dma_wait3A_739 : memref<1x96x96xf32, #tpu.memory_space<vmem>>)
      %dma_wait3A_743 = arith.constant 1 : i32
      %dma_wait3A_744 = arith.constant 0 : i32
      %dma_wait3A_745 = arith.constant 0 : i32
      %dma_wait3A_746 = arith.constant 0 : i32
      %dma_wait3A_747 = tpu.memref_slice %arg6[%dma_wait3A_743, %dma_wait3A_744, %dma_wait3A_745, %dma_wait3A_746] : memref<5x1x96x96xf32, #tpu.memory_space<vmem>> -> memref<1x1x96x96xf32, #tpu.memory_space<vmem>>
      %dma_wait3A_748 = tpu.memref_squeeze %dma_wait3A_747 : memref<1x1x96x96xf32, #tpu.memory_space<vmem>> -> memref<1x96x96xf32, #tpu.memory_space<vmem>>
      %dma_wait3A_749 = arith.constant 0 : i32
      %dma_wait3A_750 = arith.constant 0 : i32
      %dma_wait3A_751 = tpu.memref_slice %arg3[%add3A_725, %dma_wait3A_749, %dma_wait3A_750] : memref<1536x96x96xf32, #tpu.memory_space<hbm>> -> memref<1x96x96xf32, #tpu.memory_space<hbm>>
      %dma_wait3A_752 = arith.constant 0 : i32
      %dma_wait3A_753 = arith.constant 0 : i32
      %dma_wait3A_754 = arith.constant 0 : i32
      %dma_wait3A_755 = tpu.memref_slice %arg6[%dma_wait3A_743, %dma_wait3A_752, %dma_wait3A_753, %dma_wait3A_754] : memref<5x1x96x96xf32, #tpu.memory_space<vmem>> -> memref<1x1x96x96xf32, #tpu.memory_space<vmem>>
      %dma_wait3A_756 = tpu.memref_squeeze %dma_wait3A_755 : memref<1x1x96x96xf32, #tpu.memory_space<vmem>> -> memref<1x96x96xf32, #tpu.memory_space<vmem>>
      %dma_wait3A_757 = arith.constant 0 : i32
      %dma_wait3A_758 = arith.constant 0 : i32
      %dma_wait3A_759 = tpu.memref_slice %arg3[%add3A_725, %dma_wait3A_757, %dma_wait3A_758] : memref<1536x96x96xf32, #tpu.memory_space<hbm>> -> memref<1x96x96xf32, #tpu.memory_space<hbm>>
      tpu.wait_dma2 semaphore(%arg11 : memref<!tpu.dma_semaphore, #tpu.memory_space<semaphore_mem>>) src(%dma_wait3A_759 : memref<1x96x96xf32, #tpu.memory_space<hbm>>) dst(%dma_wait3A_756 : memref<1x96x96xf32, #tpu.memory_space<vmem>>)
      %add3A_760 = arith.constant 5 : i32
      %add3A_761 = arith.addi %add3A_719, %add3A_760 : i32
      %sub3A_762 = arith.constant 1 : i32
      %sub3A_763 = arith.subi %add3A_761, %sub3A_762 : i32
      %lt3A_764 = arith.constant 21 : i32
      %lt3A_765 = arith.cmpi slt, %sub3A_763, %lt3A_764 : i32
      %convert_element_type3A_766 = arith.extui %lt3A_765 : i1 to i32
      %cond3A_767 = arith.constant 0 : i32
      %cond3A_768 = arith.cmpi ne, %convert_element_type3A_766, %cond3A_767 : i32
      scf.if %cond3A_768 {
        %mul3A_972 = arith.constant 1 : i32
        %mul3A_973 = arith.muli %sub3A_763, %mul3A_972 : i32
        %add3A_974 = arith.addi %add3A_37, %mul3A_973 : i32
        %dma_start3A_975 = arith.constant 0 : i32
        %dma_start3A_976 = arith.constant 0 : i32
        %dma_start3A_977 = arith.constant 0 : i32
        %dma_start3A_978 = arith.constant 0 : i32
        %dma_start3A_979 = tpu.memref_slice %arg5[%dma_start3A_975, %dma_start3A_976, %dma_start3A_977, %dma_start3A_978] : memref<5x1x96x96xf32, #tpu.memory_space<vmem>> -> memref<1x1x96x96xf32, #tpu.memory_space<vmem>>
        %dma_start3A_980 = tpu.memref_squeeze %dma_start3A_979 : memref<1x1x96x96xf32, #tpu.memory_space<vmem>> -> memref<1x96x96xf32, #tpu.memory_space<vmem>>
        %dma_start3A_981 = arith.constant 0 : i32
        %dma_start3A_982 = arith.constant 0 : i32
        %dma_start3A_983 = tpu.memref_slice %arg2[%add3A_974, %dma_start3A_981, %dma_start3A_982] : memref<1536x96x96xf32, #tpu.memory_space<hbm>> -> memref<1x96x96xf32, #tpu.memory_space<hbm>>
        %dma_start3A_984 = arith.constant 0 : i32
        %dma_start3A_985 = arith.constant 0 : i32
        %dma_start3A_986 = arith.constant 0 : i32
        %dma_start3A_987 = tpu.memref_slice %arg5[%dma_start3A_975, %dma_start3A_984, %dma_start3A_985, %dma_start3A_986] : memref<5x1x96x96xf32, #tpu.memory_space<vmem>> -> memref<1x1x96x96xf32, #tpu.memory_space<vmem>>
        %dma_start3A_988 = tpu.memref_squeeze %dma_start3A_987 : memref<1x1x96x96xf32, #tpu.memory_space<vmem>> -> memref<1x96x96xf32, #tpu.memory_space<vmem>>
        %dma_start3A_989 = arith.constant 0 : i32
        %dma_start3A_990 = arith.constant 0 : i32
        %dma_start3A_991 = tpu.memref_slice %arg2[%add3A_974, %dma_start3A_989, %dma_start3A_990] : memref<1536x96x96xf32, #tpu.memory_space<hbm>> -> memref<1x96x96xf32, #tpu.memory_space<hbm>>
        tpu.enqueue_dma source(%dma_start3A_991 : memref<1x96x96xf32, #tpu.memory_space<hbm>>) target(%dma_start3A_988 : memref<1x96x96xf32, #tpu.memory_space<vmem>>) target_semaphore(%arg8 : memref<!tpu.dma_semaphore, #tpu.memory_space<semaphore_mem>>)
        %dma_start3A_992 = arith.constant 0 : i32
        %dma_start3A_993 = arith.constant 0 : i32
        %dma_start3A_994 = arith.constant 0 : i32
        %dma_start3A_995 = arith.constant 0 : i32
        %dma_start3A_996 = tpu.memref_slice %arg6[%dma_start3A_992, %dma_start3A_993, %dma_start3A_994, %dma_start3A_995] : memref<5x1x96x96xf32, #tpu.memory_space<vmem>> -> memref<1x1x96x96xf32, #tpu.memory_space<vmem>>
        %dma_start3A_997 = tpu.memref_squeeze %dma_start3A_996 : memref<1x1x96x96xf32, #tpu.memory_space<vmem>> -> memref<1x96x96xf32, #tpu.memory_space<vmem>>
        %dma_start3A_998 = arith.constant 0 : i32
        %dma_start3A_999 = arith.constant 0 : i32
        %dma_start3A_1000 = tpu.memref_slice %arg3[%add3A_974, %dma_start3A_998, %dma_start3A_999] : memref<1536x96x96xf32, #tpu.memory_space<hbm>> -> memref<1x96x96xf32, #tpu.memory_space<hbm>>
        %dma_start3A_1001 = arith.constant 0 : i32
        %dma_start3A_1002 = arith.constant 0 : i32
        %dma_start3A_1003 = arith.constant 0 : i32
        %dma_start3A_1004 = tpu.memref_slice %arg6[%dma_start3A_992, %dma_start3A_1001, %dma_start3A_1002, %dma_start3A_1003] : memref<5x1x96x96xf32, #tpu.memory_space<vmem>> -> memref<1x1x96x96xf32, #tpu.memory_space<vmem>>
        %dma_start3A_1005 = tpu.memref_squeeze %dma_start3A_1004 : memref<1x1x96x96xf32, #tpu.memory_space<vmem>> -> memref<1x96x96xf32, #tpu.memory_space<vmem>>
        %dma_start3A_1006 = arith.constant 0 : i32
        %dma_start3A_1007 = arith.constant 0 : i32
        %dma_start3A_1008 = tpu.memref_slice %arg3[%add3A_974, %dma_start3A_1006, %dma_start3A_1007] : memref<1536x96x96xf32, #tpu.memory_space<hbm>> -> memref<1x96x96xf32, #tpu.memory_space<hbm>>
        tpu.enqueue_dma source(%dma_start3A_1008 : memref<1x96x96xf32, #tpu.memory_space<hbm>>) target(%dma_start3A_1005 : memref<1x96x96xf32, #tpu.memory_space<vmem>>) target_semaphore(%arg9 : memref<!tpu.dma_semaphore, #tpu.memory_space<semaphore_mem>>)
      } else {
      }
      %scan3A_769 = arith.constant 0 : i32
      %scan3A_770 = arith.constant 96 : i32
      %scan3A_771 = arith.addi %scan3A_769, %scan3A_770 : i32
      %scan3A_772 = arith.constant 1 : i32
      %scan3A_773:5 = scf.for %scan3A_972 = %scan3A_769 to %scan3A_771 step %scan3A_772 iter_args(%scan3A_973 = %broadcast_in_dim3A_38, %scan3A_974 = %broadcast_in_dim3A_38, %scan3A_975 = %broadcast_in_dim3A_38, %scan3A_976 = %broadcast_in_dim3A_38, %scan3A_977 = %broadcast_in_dim3A_38) -> (vector<16xf32>, vector<16xf32>, vector<16xf32>, vector<16xf32>, vector<16xf32>)  : i32 {
        %get3A = arith.constant 1 : i32
        %get3A_978 = arith.constant 0 : i32
        %get3A_979 = arith.index_cast %get3A : i32 to index
        %get3A_980 = arith.index_cast %get3A_978 : i32 to index
        %get3A_981 = arith.index_cast %scan3A_972 : i32 to index
        %get3A_982 = arith.constant 0 : index
        %get3A_983 = tpu.vector_load %arg5[%get3A_979, %get3A_980, %get3A_981, %get3A_982] {strides = array<i32>} : memref<5x1x96x96xf32, #tpu.memory_space<vmem>>, vector<1x1x1x16xf32>,
        %get3A_984 = vector.shape_cast %get3A_983 : vector<1x1x1x16xf32> to vector<16xf32>
        %get3A_985 = arith.constant 1 : i32
        %get3A_986 = arith.constant 0 : i32
        %get3A_987 = arith.index_cast %get3A_985 : i32 to index
        %get3A_988 = arith.index_cast %get3A_986 : i32 to index
        %get3A_989 = arith.index_cast %scan3A_972 : i32 to index
        %get3A_990 = arith.constant 0 : index
        %get3A_991 = tpu.vector_load %arg6[%get3A_987, %get3A_988, %get3A_989, %get3A_990] {strides = array<i32>} : memref<5x1x96x96xf32, #tpu.memory_space<vmem>>, vector<1x1x1x16xf32>,
        %get3A_992 = vector.shape_cast %get3A_991 : vector<1x1x1x16xf32> to vector<16xf32>
        %gt3A = arith.constant 5.000000e-01 : f32
        %gt3A_993 = vector.broadcast %gt3A : f32 to vector<16xf32>
        %gt3A_994 = arith.cmpf ogt, %get3A_992, %gt3A_993 : vector<16xf32>
        %select_n3A_995 = arith.select %gt3A_994, %broadcast_in_dim3A_40, %broadcast_in_dim3A_38 : vector<16xi1>, vector<16xf32>
        %select_n3A_996 = arith.select %gt3A_994, %get3A_984, %broadcast_in_dim3A_38 : vector<16xi1>, vector<16xf32>
        %select_n3A_997 = arith.select %gt3A_994, %get3A_992, %broadcast_in_dim3A_38 : vector<16xi1>, vector<16xf32>
        %get3A_998 = arith.constant 1 : i32
        %get3A_999 = arith.constant 0 : i32
        %get3A_1000 = arith.index_cast %get3A_998 : i32 to index
        %get3A_1001 = arith.index_cast %get3A_999 : i32 to index
        %get3A_1002 = arith.index_cast %scan3A_972 : i32 to index
        %get3A_1003 = arith.constant 16 : index
        %get3A_1004 = tpu.vector_load %arg5[%get3A_1000, %get3A_1001, %get3A_1002, %get3A_1003] {strides = array<i32>} : memref<5x1x96x96xf32, #tpu.memory_space<vmem>>, vector<1x1x1x16xf32>,
        %get3A_1005 = vector.shape_cast %get3A_1004 : vector<1x1x1x16xf32> to vector<16xf32>
        %get3A_1006 = arith.constant 1 : i32
        %get3A_1007 = arith.constant 0 : i32
        %get3A_1008 = arith.index_cast %get3A_1006 : i32 to index
        %get3A_1009 = arith.index_cast %get3A_1007 : i32 to index
        %get3A_1010 = arith.index_cast %scan3A_972 : i32 to index
        %get3A_1011 = arith.constant 16 : index
        %get3A_1012 = tpu.vector_load %arg6[%get3A_1008, %get3A_1009, %get3A_1010, %get3A_1011] {strides = array<i32>} : memref<5x1x96x96xf32, #tpu.memory_space<vmem>>, vector<1x1x1x16xf32>,
        %get3A_1013 = vector.shape_cast %get3A_1012 : vector<1x1x1x16xf32> to vector<16xf32>
        %gt3A_1014 = arith.constant 5.000000e-01 : f32
        %gt3A_1015 = vector.broadcast %gt3A_1014 : f32 to vector<16xf32>
        %gt3A_1016 = arith.cmpf ogt, %get3A_1013, %gt3A_1015 : vector<16xf32>
        %select_n3A_1017 = arith.select %gt3A_1016, %broadcast_in_dim3A_40, %broadcast_in_dim3A_38 : vector<16xi1>, vector<16xf32>
        %select_n3A_1018 = arith.select %gt3A_1016, %get3A_1005, %broadcast_in_dim3A_38 : vector<16xi1>, vector<16xf32>
        %select_n3A_1019 = arith.select %gt3A_1016, %get3A_1013, %broadcast_in_dim3A_38 : vector<16xi1>, vector<16xf32>
        %get3A_1020 = arith.constant 1 : i32
        %get3A_1021 = arith.constant 0 : i32
        %get3A_1022 = arith.index_cast %get3A_1020 : i32 to index
        %get3A_1023 = arith.index_cast %get3A_1021 : i32 to index
        %get3A_1024 = arith.index_cast %scan3A_972 : i32 to index
        %get3A_1025 = arith.constant 32 : index
        %get3A_1026 = tpu.vector_load %arg5[%get3A_1022, %get3A_1023, %get3A_1024, %get3A_1025] {strides = array<i32>} : memref<5x1x96x96xf32, #tpu.memory_space<vmem>>, vector<1x1x1x16xf32>,
        %get3A_1027 = vector.shape_cast %get3A_1026 : vector<1x1x1x16xf32> to vector<16xf32>
        %get3A_1028 = arith.constant 1 : i32
        %get3A_1029 = arith.constant 0 : i32
        %get3A_1030 = arith.index_cast %get3A_1028 : i32 to index
        %get3A_1031 = arith.index_cast %get3A_1029 : i32 to index
        %get3A_1032 = arith.index_cast %scan3A_972 : i32 to index
        %get3A_1033 = arith.constant 32 : index
        %get3A_1034 = tpu.vector_load %arg6[%get3A_1030, %get3A_1031, %get3A_1032, %get3A_1033] {strides = array<i32>} : memref<5x1x96x96xf32, #tpu.memory_space<vmem>>, vector<1x1x1x16xf32>,
        %get3A_1035 = vector.shape_cast %get3A_1034 : vector<1x1x1x16xf32> to vector<16xf32>
        %gt3A_1036 = arith.constant 5.000000e-01 : f32
        %gt3A_1037 = vector.broadcast %gt3A_1036 : f32 to vector<16xf32>
        %gt3A_1038 = arith.cmpf ogt, %get3A_1035, %gt3A_1037 : vector<16xf32>
        %select_n3A_1039 = arith.select %gt3A_1038, %broadcast_in_dim3A_40, %broadcast_in_dim3A_38 : vector<16xi1>, vector<16xf32>
        %select_n3A_1040 = arith.select %gt3A_1038, %get3A_1027, %broadcast_in_dim3A_38 : vector<16xi1>, vector<16xf32>
        %select_n3A_1041 = arith.select %gt3A_1038, %get3A_1035, %broadcast_in_dim3A_38 : vector<16xi1>, vector<16xf32>
        %get3A_1042 = arith.constant 1 : i32
        %get3A_1043 = arith.constant 0 : i32
        %get3A_1044 = arith.index_cast %get3A_1042 : i32 to index
        %get3A_1045 = arith.index_cast %get3A_1043 : i32 to index
        %get3A_1046 = arith.index_cast %scan3A_972 : i32 to index
        %get3A_1047 = arith.constant 48 : index
        %get3A_1048 = tpu.vector_load %arg5[%get3A_1044, %get3A_1045, %get3A_1046, %get3A_1047] {strides = array<i32>} : memref<5x1x96x96xf32, #tpu.memory_space<vmem>>, vector<1x1x1x16xf32>,
        %get3A_1049 = vector.shape_cast %get3A_1048 : vector<1x1x1x16xf32> to vector<16xf32>
        %get3A_1050 = arith.constant 1 : i32
        %get3A_1051 = arith.constant 0 : i32
        %get3A_1052 = arith.index_cast %get3A_1050 : i32 to index
        %get3A_1053 = arith.index_cast %get3A_1051 : i32 to index
        %get3A_1054 = arith.index_cast %scan3A_972 : i32 to index
        %get3A_1055 = arith.constant 48 : index
        %get3A_1056 = tpu.vector_load %arg6[%get3A_1052, %get3A_1053, %get3A_1054, %get3A_1055] {strides = array<i32>} : memref<5x1x96x96xf32, #tpu.memory_space<vmem>>, vector<1x1x1x16xf32>,
        %get3A_1057 = vector.shape_cast %get3A_1056 : vector<1x1x1x16xf32> to vector<16xf32>
        %gt3A_1058 = arith.constant 5.000000e-01 : f32
        %gt3A_1059 = vector.broadcast %gt3A_1058 : f32 to vector<16xf32>
        %gt3A_1060 = arith.cmpf ogt, %get3A_1057, %gt3A_1059 : vector<16xf32>
        %select_n3A_1061 = arith.select %gt3A_1060, %broadcast_in_dim3A_40, %broadcast_in_dim3A_38 : vector<16xi1>, vector<16xf32>
        %select_n3A_1062 = arith.select %gt3A_1060, %get3A_1049, %broadcast_in_dim3A_38 : vector<16xi1>, vector<16xf32>
        %select_n3A_1063 = arith.select %gt3A_1060, %get3A_1057, %broadcast_in_dim3A_38 : vector<16xi1>, vector<16xf32>
        %get3A_1064 = arith.constant 1 : i32
        %get3A_1065 = arith.constant 0 : i32
        %get3A_1066 = arith.index_cast %get3A_1064 : i32 to index
        %get3A_1067 = arith.index_cast %get3A_1065 : i32 to index
        %get3A_1068 = arith.index_cast %scan3A_972 : i32 to index
        %get3A_1069 = arith.constant 64 : index
        %get3A_1070 = tpu.vector_load %arg5[%get3A_1066, %get3A_1067, %get3A_1068, %get3A_1069] {strides = array<i32>} : memref<5x1x96x96xf32, #tpu.memory_space<vmem>>, vector<1x1x1x16xf32>,
        %get3A_1071 = vector.shape_cast %get3A_1070 : vector<1x1x1x16xf32> to vector<16xf32>
        %get3A_1072 = arith.constant 1 : i32
        %get3A_1073 = arith.constant 0 : i32
        %get3A_1074 = arith.index_cast %get3A_1072 : i32 to index
        %get3A_1075 = arith.index_cast %get3A_1073 : i32 to index
        %get3A_1076 = arith.index_cast %scan3A_972 : i32 to index
        %get3A_1077 = arith.constant 64 : index
        %get3A_1078 = tpu.vector_load %arg6[%get3A_1074, %get3A_1075, %get3A_1076, %get3A_1077] {strides = array<i32>} : memref<5x1x96x96xf32, #tpu.memory_space<vmem>>, vector<1x1x1x16xf32>,
        %get3A_1079 = vector.shape_cast %get3A_1078 : vector<1x1x1x16xf32> to vector<16xf32>
        %gt3A_1080 = arith.constant 5.000000e-01 : f32
        %gt3A_1081 = vector.broadcast %gt3A_1080 : f32 to vector<16xf32>
        %gt3A_1082 = arith.cmpf ogt, %get3A_1079, %gt3A_1081 : vector<16xf32>
        %select_n3A_1083 = arith.select %gt3A_1082, %broadcast_in_dim3A_40, %broadcast_in_dim3A_38 : vector<16xi1>, vector<16xf32>
        %select_n3A_1084 = arith.select %gt3A_1082, %get3A_1071, %broadcast_in_dim3A_38 : vector<16xi1>, vector<16xf32>
        %select_n3A_1085 = arith.select %gt3A_1082, %get3A_1079, %broadcast_in_dim3A_38 : vector<16xi1>, vector<16xf32>
        %get3A_1086 = arith.constant 1 : i32
        %get3A_1087 = arith.constant 0 : i32
        %get3A_1088 = arith.index_cast %get3A_1086 : i32 to index
        %get3A_1089 = arith.index_cast %get3A_1087 : i32 to index
        %get3A_1090 = arith.index_cast %scan3A_972 : i32 to index
        %get3A_1091 = arith.constant 80 : index
        %get3A_1092 = tpu.vector_load %arg5[%get3A_1088, %get3A_1089, %get3A_1090, %get3A_1091] {strides = array<i32>} : memref<5x1x96x96xf32, #tpu.memory_space<vmem>>, vector<1x1x1x16xf32>,
        %get3A_1093 = vector.shape_cast %get3A_1092 : vector<1x1x1x16xf32> to vector<16xf32>
        %get3A_1094 = arith.constant 1 : i32
        %get3A_1095 = arith.constant 0 : i32
        %get3A_1096 = arith.index_cast %get3A_1094 : i32 to index
        %get3A_1097 = arith.index_cast %get3A_1095 : i32 to index
        %get3A_1098 = arith.index_cast %scan3A_972 : i32 to index
        %get3A_1099 = arith.constant 80 : index
        %get3A_1100 = tpu.vector_load %arg6[%get3A_1096, %get3A_1097, %get3A_1098, %get3A_1099] {strides = array<i32>} : memref<5x1x96x96xf32, #tpu.memory_space<vmem>>, vector<1x1x1x16xf32>,
        %get3A_1101 = vector.shape_cast %get3A_1100 : vector<1x1x1x16xf32> to vector<16xf32>
        %gt3A_1102 = arith.constant 5.000000e-01 : f32
        %gt3A_1103 = vector.broadcast %gt3A_1102 : f32 to vector<16xf32>
        %gt3A_1104 = arith.cmpf ogt, %get3A_1101, %gt3A_1103 : vector<16xf32>
        %select_n3A_1105 = arith.select %gt3A_1104, %broadcast_in_dim3A_40, %broadcast_in_dim3A_38 : vector<16xi1>, vector<16xf32>
        %select_n3A_1106 = arith.select %gt3A_1104, %get3A_1093, %broadcast_in_dim3A_38 : vector<16xi1>, vector<16xf32>
        %select_n3A_1107 = arith.select %gt3A_1104, %get3A_1101, %broadcast_in_dim3A_38 : vector<16xi1>, vector<16xf32>
        %add3A_1108 = arith.addf %select_n3A_995, %select_n3A_1017 : vector<16xf32>
        %add3A_1109 = arith.addf %select_n3A_1039, %select_n3A_1061 : vector<16xf32>
        %add3A_1110 = arith.addf %select_n3A_1083, %select_n3A_1105 : vector<16xf32>
        %add3A_1111 = arith.addf %add3A_1108, %add3A_1109 : vector<16xf32>
        %add3A_1112 = arith.addf %add3A_1111, %add3A_1110 : vector<16xf32>
        %add3A_1113 = arith.addf %scan3A_973, %add3A_1112 : vector<16xf32>
        %add3A_1114 = arith.addf %select_n3A_996, %select_n3A_1018 : vector<16xf32>
        %add3A_1115 = arith.addf %select_n3A_1040, %select_n3A_1062 : vector<16xf32>
        %add3A_1116 = arith.addf %select_n3A_1084, %select_n3A_1106 : vector<16xf32>
        %add3A_1117 = arith.addf %add3A_1114, %add3A_1115 : vector<16xf32>
        %add3A_1118 = arith.addf %add3A_1117, %add3A_1116 : vector<16xf32>
        %add3A_1119 = arith.addf %scan3A_974, %add3A_1118 : vector<16xf32>
        %add3A_1120 = arith.addf %select_n3A_997, %select_n3A_1019 : vector<16xf32>
        %add3A_1121 = arith.addf %select_n3A_1041, %select_n3A_1063 : vector<16xf32>
        %add3A_1122 = arith.addf %select_n3A_1085, %select_n3A_1107 : vector<16xf32>
        %add3A_1123 = arith.addf %add3A_1120, %add3A_1121 : vector<16xf32>
        %add3A_1124 = arith.addf %add3A_1123, %add3A_1122 : vector<16xf32>
        %add3A_1125 = arith.addf %scan3A_975, %add3A_1124 : vector<16xf32>
        %add3A_1126 = arith.addf %get3A_984, %get3A_1005 : vector<16xf32>
        %add3A_1127 = arith.addf %get3A_1027, %get3A_1049 : vector<16xf32>
        %add3A_1128 = arith.addf %get3A_1071, %get3A_1093 : vector<16xf32>
        %add3A_1129 = arith.addf %add3A_1126, %add3A_1127 : vector<16xf32>
        %add3A_1130 = arith.addf %add3A_1129, %add3A_1128 : vector<16xf32>
        %add3A_1131 = arith.addf %scan3A_976, %add3A_1130 : vector<16xf32>
        %add3A_1132 = arith.addf %get3A_992, %get3A_1013 : vector<16xf32>
        %add3A_1133 = arith.addf %get3A_1035, %get3A_1057 : vector<16xf32>
        %add3A_1134 = arith.addf %get3A_1079, %get3A_1101 : vector<16xf32>
        %add3A_1135 = arith.addf %add3A_1132, %add3A_1133 : vector<16xf32>
        %add3A_1136 = arith.addf %add3A_1135, %add3A_1134 : vector<16xf32>
        %add3A_1137 = arith.addf %scan3A_977, %add3A_1136 : vector<16xf32>
        scf.yield %add3A_1113, %add3A_1119, %add3A_1125, %add3A_1131, %add3A_1137 : vector<16xf32>, vector<16xf32>, vector<16xf32>, vector<16xf32>, vector<16xf32>
      }
      %scan3A_774 = arith.constant 96 : i32
      %add3A_775 = arith.addf %add3A_711, %scan3A_773#0 : vector<16xf32>
      %add3A_776 = arith.addf %add3A_712, %scan3A_773#1 : vector<16xf32>
      %add3A_777 = arith.addf %add3A_713, %scan3A_773#2 : vector<16xf32>
      %add3A_778 = arith.addf %add3A_714, %scan3A_773#3 : vector<16xf32>
      %add3A_779 = arith.addf %add3A_715, %scan3A_773#4 : vector<16xf32>
      %mul3A_780 = arith.constant 5 : i32
      %mul3A_781 = arith.muli %scan3A_648, %mul3A_780 : i32
      %add3A_782 = arith.constant 2 : i32
      %add3A_783 = arith.addi %mul3A_781, %add3A_782 : i32
      %mul3A_784 = arith.constant 1 : i32
      %mul3A_785 = arith.muli %add3A_783, %mul3A_784 : i32
      %add3A_786 = arith.addi %add3A_37, %mul3A_785 : i32
      %mul3A_787 = arith.constant 1 : i32
      %mul3A_788 = arith.muli %add3A_783, %mul3A_787 : i32
      %add3A_789 = arith.addi %add3A_37, %mul3A_788 : i32
      %dma_wait3A_790 = arith.constant 2 : i32
      %dma_wait3A_791 = arith.constant 0 : i32
      %dma_wait3A_792 = arith.constant 0 : i32
      %dma_wait3A_793 = arith.constant 0 : i32
      %dma_wait3A_794 = tpu.memref_slice %arg5[%dma_wait3A_790, %dma_wait3A_791, %dma_wait3A_792, %dma_wait3A_793] : memref<5x1x96x96xf32, #tpu.memory_space<vmem>> -> memref<1x1x96x96xf32, #tpu.memory_space<vmem>>
      %dma_wait3A_795 = tpu.memref_squeeze %dma_wait3A_794 : memref<1x1x96x96xf32, #tpu.memory_space<vmem>> -> memref<1x96x96xf32, #tpu.memory_space<vmem>>
      %dma_wait3A_796 = arith.constant 0 : i32
      %dma_wait3A_797 = arith.constant 0 : i32
      %dma_wait3A_798 = tpu.memref_slice %arg2[%add3A_786, %dma_wait3A_796, %dma_wait3A_797] : memref<1536x96x96xf32, #tpu.memory_space<hbm>> -> memref<1x96x96xf32, #tpu.memory_space<hbm>>
      %dma_wait3A_799 = arith.constant 0 : i32
      %dma_wait3A_800 = arith.constant 0 : i32
      %dma_wait3A_801 = arith.constant 0 : i32
      %dma_wait3A_802 = tpu.memref_slice %arg5[%dma_wait3A_790, %dma_wait3A_799, %dma_wait3A_800, %dma_wait3A_801] : memref<5x1x96x96xf32, #tpu.memory_space<vmem>> -> memref<1x1x96x96xf32, #tpu.memory_space<vmem>>
      %dma_wait3A_803 = tpu.memref_squeeze %dma_wait3A_802 : memref<1x1x96x96xf32, #tpu.memory_space<vmem>> -> memref<1x96x96xf32, #tpu.memory_space<vmem>>
      %dma_wait3A_804 = arith.constant 0 : i32
      %dma_wait3A_805 = arith.constant 0 : i32
      %dma_wait3A_806 = tpu.memref_slice %arg2[%add3A_786, %dma_wait3A_804, %dma_wait3A_805] : memref<1536x96x96xf32, #tpu.memory_space<hbm>> -> memref<1x96x96xf32, #tpu.memory_space<hbm>>
      tpu.wait_dma2 semaphore(%arg12 : memref<!tpu.dma_semaphore, #tpu.memory_space<semaphore_mem>>) src(%dma_wait3A_806 : memref<1x96x96xf32, #tpu.memory_space<hbm>>) dst(%dma_wait3A_803 : memref<1x96x96xf32, #tpu.memory_space<vmem>>)
      %dma_wait3A_807 = arith.constant 2 : i32
      %dma_wait3A_808 = arith.constant 0 : i32
      %dma_wait3A_809 = arith.constant 0 : i32
      %dma_wait3A_810 = arith.constant 0 : i32
      %dma_wait3A_811 = tpu.memref_slice %arg6[%dma_wait3A_807, %dma_wait3A_808, %dma_wait3A_809, %dma_wait3A_810] : memref<5x1x96x96xf32, #tpu.memory_space<vmem>> -> memref<1x1x96x96xf32, #tpu.memory_space<vmem>>
      %dma_wait3A_812 = tpu.memref_squeeze %dma_wait3A_811 : memref<1x1x96x96xf32, #tpu.memory_space<vmem>> -> memref<1x96x96xf32, #tpu.memory_space<vmem>>
      %dma_wait3A_813 = arith.constant 0 : i32
      %dma_wait3A_814 = arith.constant 0 : i32
      %dma_wait3A_815 = tpu.memref_slice %arg3[%add3A_789, %dma_wait3A_813, %dma_wait3A_814] : memref<1536x96x96xf32, #tpu.memory_space<hbm>> -> memref<1x96x96xf32, #tpu.memory_space<hbm>>
      %dma_wait3A_816 = arith.constant 0 : i32
      %dma_wait3A_817 = arith.constant 0 : i32
      %dma_wait3A_818 = arith.constant 0 : i32
      %dma_wait3A_819 = tpu.memref_slice %arg6[%dma_wait3A_807, %dma_wait3A_816, %dma_wait3A_817, %dma_wait3A_818] : memref<5x1x96x96xf32, #tpu.memory_space<vmem>> -> memref<1x1x96x96xf32, #tpu.memory_space<vmem>>
      %dma_wait3A_820 = tpu.memref_squeeze %dma_wait3A_819 : memref<1x1x96x96xf32, #tpu.memory_space<vmem>> -> memref<1x96x96xf32, #tpu.memory_space<vmem>>
      %dma_wait3A_821 = arith.constant 0 : i32
      %dma_wait3A_822 = arith.constant 0 : i32
      %dma_wait3A_823 = tpu.memref_slice %arg3[%add3A_789, %dma_wait3A_821, %dma_wait3A_822] : memref<1536x96x96xf32, #tpu.memory_space<hbm>> -> memref<1x96x96xf32, #tpu.memory_space<hbm>>
      tpu.wait_dma2 semaphore(%arg13 : memref<!tpu.dma_semaphore, #tpu.memory_space<semaphore_mem>>) src(%dma_wait3A_823 : memref<1x96x96xf32, #tpu.memory_space<hbm>>) dst(%dma_wait3A_820 : memref<1x96x96xf32, #tpu.memory_space<vmem>>)
      %add3A_824 = arith.constant 5 : i32
      %add3A_825 = arith.addi %add3A_783, %add3A_824 : i32
      %sub3A_826 = arith.constant 1 : i32
      %sub3A_827 = arith.subi %add3A_825, %sub3A_826 : i32
      %lt3A_828 = arith.constant 21 : i32
      %lt3A_829 = arith.cmpi slt, %sub3A_827, %lt3A_828 : i32
      %convert_element_type3A_830 = arith.extui %lt3A_829 : i1 to i32
      %cond3A_831 = arith.constant 0 : i32
      %cond3A_832 = arith.cmpi ne, %convert_element_type3A_830, %cond3A_831 : i32
      scf.if %cond3A_832 {
        %mul3A_972 = arith.constant 1 : i32
        %mul3A_973 = arith.muli %sub3A_827, %mul3A_972 : i32
        %add3A_974 = arith.addi %add3A_37, %mul3A_973 : i32
        %dma_start3A_975 = arith.constant 1 : i32
        %dma_start3A_976 = arith.constant 0 : i32
        %dma_start3A_977 = arith.constant 0 : i32
        %dma_start3A_978 = arith.constant 0 : i32
        %dma_start3A_979 = tpu.memref_slice %arg5[%dma_start3A_975, %dma_start3A_976, %dma_start3A_977, %dma_start3A_978] : memref<5x1x96x96xf32, #tpu.memory_space<vmem>> -> memref<1x1x96x96xf32, #tpu.memory_space<vmem>>
        %dma_start3A_980 = tpu.memref_squeeze %dma_start3A_979 : memref<1x1x96x96xf32, #tpu.memory_space<vmem>> -> memref<1x96x96xf32, #tpu.memory_space<vmem>>
        %dma_start3A_981 = arith.constant 0 : i32
        %dma_start3A_982 = arith.constant 0 : i32
        %dma_start3A_983 = tpu.memref_slice %arg2[%add3A_974, %dma_start3A_981, %dma_start3A_982] : memref<1536x96x96xf32, #tpu.memory_space<hbm>> -> memref<1x96x96xf32, #tpu.memory_space<hbm>>
        %dma_start3A_984 = arith.constant 0 : i32
        %dma_start3A_985 = arith.constant 0 : i32
        %dma_start3A_986 = arith.constant 0 : i32
        %dma_start3A_987 = tpu.memref_slice %arg5[%dma_start3A_975, %dma_start3A_984, %dma_start3A_985, %dma_start3A_986] : memref<5x1x96x96xf32, #tpu.memory_space<vmem>> -> memref<1x1x96x96xf32, #tpu.memory_space<vmem>>
        %dma_start3A_988 = tpu.memref_squeeze %dma_start3A_987 : memref<1x1x96x96xf32, #tpu.memory_space<vmem>> -> memref<1x96x96xf32, #tpu.memory_space<vmem>>
        %dma_start3A_989 = arith.constant 0 : i32
        %dma_start3A_990 = arith.constant 0 : i32
        %dma_start3A_991 = tpu.memref_slice %arg2[%add3A_974, %dma_start3A_989, %dma_start3A_990] : memref<1536x96x96xf32, #tpu.memory_space<hbm>> -> memref<1x96x96xf32, #tpu.memory_space<hbm>>
        tpu.enqueue_dma source(%dma_start3A_991 : memref<1x96x96xf32, #tpu.memory_space<hbm>>) target(%dma_start3A_988 : memref<1x96x96xf32, #tpu.memory_space<vmem>>) target_semaphore(%arg10 : memref<!tpu.dma_semaphore, #tpu.memory_space<semaphore_mem>>)
        %dma_start3A_992 = arith.constant 1 : i32
        %dma_start3A_993 = arith.constant 0 : i32
        %dma_start3A_994 = arith.constant 0 : i32
        %dma_start3A_995 = arith.constant 0 : i32
        %dma_start3A_996 = tpu.memref_slice %arg6[%dma_start3A_992, %dma_start3A_993, %dma_start3A_994, %dma_start3A_995] : memref<5x1x96x96xf32, #tpu.memory_space<vmem>> -> memref<1x1x96x96xf32, #tpu.memory_space<vmem>>
        %dma_start3A_997 = tpu.memref_squeeze %dma_start3A_996 : memref<1x1x96x96xf32, #tpu.memory_space<vmem>> -> memref<1x96x96xf32, #tpu.memory_space<vmem>>
        %dma_start3A_998 = arith.constant 0 : i32
        %dma_start3A_999 = arith.constant 0 : i32
        %dma_start3A_1000 = tpu.memref_slice %arg3[%add3A_974, %dma_start3A_998, %dma_start3A_999] : memref<1536x96x96xf32, #tpu.memory_space<hbm>> -> memref<1x96x96xf32, #tpu.memory_space<hbm>>
        %dma_start3A_1001 = arith.constant 0 : i32
        %dma_start3A_1002 = arith.constant 0 : i32
        %dma_start3A_1003 = arith.constant 0 : i32
        %dma_start3A_1004 = tpu.memref_slice %arg6[%dma_start3A_992, %dma_start3A_1001, %dma_start3A_1002, %dma_start3A_1003] : memref<5x1x96x96xf32, #tpu.memory_space<vmem>> -> memref<1x1x96x96xf32, #tpu.memory_space<vmem>>
        %dma_start3A_1005 = tpu.memref_squeeze %dma_start3A_1004 : memref<1x1x96x96xf32, #tpu.memory_space<vmem>> -> memref<1x96x96xf32, #tpu.memory_space<vmem>>
        %dma_start3A_1006 = arith.constant 0 : i32
        %dma_start3A_1007 = arith.constant 0 : i32
        %dma_start3A_1008 = tpu.memref_slice %arg3[%add3A_974, %dma_start3A_1006, %dma_start3A_1007] : memref<1536x96x96xf32, #tpu.memory_space<hbm>> -> memref<1x96x96xf32, #tpu.memory_space<hbm>>
        tpu.enqueue_dma source(%dma_start3A_1008 : memref<1x96x96xf32, #tpu.memory_space<hbm>>) target(%dma_start3A_1005 : memref<1x96x96xf32, #tpu.memory_space<vmem>>) target_semaphore(%arg11 : memref<!tpu.dma_semaphore, #tpu.memory_space<semaphore_mem>>)
      } else {
      }
      %scan3A_833 = arith.constant 0 : i32
      %scan3A_834 = arith.constant 96 : i32
      %scan3A_835 = arith.addi %scan3A_833, %scan3A_834 : i32
      %scan3A_836 = arith.constant 1 : i32
      %scan3A_837:5 = scf.for %scan3A_972 = %scan3A_833 to %scan3A_835 step %scan3A_836 iter_args(%scan3A_973 = %broadcast_in_dim3A_38, %scan3A_974 = %broadcast_in_dim3A_38, %scan3A_975 = %broadcast_in_dim3A_38, %scan3A_976 = %broadcast_in_dim3A_38, %scan3A_977 = %broadcast_in_dim3A_38) -> (vector<16xf32>, vector<16xf32>, vector<16xf32>, vector<16xf32>, vector<16xf32>)  : i32 {
        %get3A = arith.constant 2 : i32
        %get3A_978 = arith.constant 0 : i32
        %get3A_979 = arith.index_cast %get3A : i32 to index
        %get3A_980 = arith.index_cast %get3A_978 : i32 to index
        %get3A_981 = arith.index_cast %scan3A_972 : i32 to index
        %get3A_982 = arith.constant 0 : index
        %get3A_983 = tpu.vector_load %arg5[%get3A_979, %get3A_980, %get3A_981, %get3A_982] {strides = array<i32>} : memref<5x1x96x96xf32, #tpu.memory_space<vmem>>, vector<1x1x1x16xf32>,
        %get3A_984 = vector.shape_cast %get3A_983 : vector<1x1x1x16xf32> to vector<16xf32>
        %get3A_985 = arith.constant 2 : i32
        %get3A_986 = arith.constant 0 : i32
        %get3A_987 = arith.index_cast %get3A_985 : i32 to index
        %get3A_988 = arith.index_cast %get3A_986 : i32 to index
        %get3A_989 = arith.index_cast %scan3A_972 : i32 to index
        %get3A_990 = arith.constant 0 : index
        %get3A_991 = tpu.vector_load %arg6[%get3A_987, %get3A_988, %get3A_989, %get3A_990] {strides = array<i32>} : memref<5x1x96x96xf32, #tpu.memory_space<vmem>>, vector<1x1x1x16xf32>,
        %get3A_992 = vector.shape_cast %get3A_991 : vector<1x1x1x16xf32> to vector<16xf32>
        %gt3A = arith.constant 5.000000e-01 : f32
        %gt3A_993 = vector.broadcast %gt3A : f32 to vector<16xf32>
        %gt3A_994 = arith.cmpf ogt, %get3A_992, %gt3A_993 : vector<16xf32>
        %select_n3A_995 = arith.select %gt3A_994, %broadcast_in_dim3A_40, %broadcast_in_dim3A_38 : vector<16xi1>, vector<16xf32>
        %select_n3A_996 = arith.select %gt3A_994, %get3A_984, %broadcast_in_dim3A_38 : vector<16xi1>, vector<16xf32>
        %select_n3A_997 = arith.select %gt3A_994, %get3A_992, %broadcast_in_dim3A_38 : vector<16xi1>, vector<16xf32>
        %get3A_998 = arith.constant 2 : i32
        %get3A_999 = arith.constant 0 : i32
        %get3A_1000 = arith.index_cast %get3A_998 : i32 to index
        %get3A_1001 = arith.index_cast %get3A_999 : i32 to index
        %get3A_1002 = arith.index_cast %scan3A_972 : i32 to index
        %get3A_1003 = arith.constant 16 : index
        %get3A_1004 = tpu.vector_load %arg5[%get3A_1000, %get3A_1001, %get3A_1002, %get3A_1003] {strides = array<i32>} : memref<5x1x96x96xf32, #tpu.memory_space<vmem>>, vector<1x1x1x16xf32>,
        %get3A_1005 = vector.shape_cast %get3A_1004 : vector<1x1x1x16xf32> to vector<16xf32>
        %get3A_1006 = arith.constant 2 : i32
        %get3A_1007 = arith.constant 0 : i32
        %get3A_1008 = arith.index_cast %get3A_1006 : i32 to index
        %get3A_1009 = arith.index_cast %get3A_1007 : i32 to index
        %get3A_1010 = arith.index_cast %scan3A_972 : i32 to index
        %get3A_1011 = arith.constant 16 : index
        %get3A_1012 = tpu.vector_load %arg6[%get3A_1008, %get3A_1009, %get3A_1010, %get3A_1011] {strides = array<i32>} : memref<5x1x96x96xf32, #tpu.memory_space<vmem>>, vector<1x1x1x16xf32>,
        %get3A_1013 = vector.shape_cast %get3A_1012 : vector<1x1x1x16xf32> to vector<16xf32>
        %gt3A_1014 = arith.constant 5.000000e-01 : f32
        %gt3A_1015 = vector.broadcast %gt3A_1014 : f32 to vector<16xf32>
        %gt3A_1016 = arith.cmpf ogt, %get3A_1013, %gt3A_1015 : vector<16xf32>
        %select_n3A_1017 = arith.select %gt3A_1016, %broadcast_in_dim3A_40, %broadcast_in_dim3A_38 : vector<16xi1>, vector<16xf32>
        %select_n3A_1018 = arith.select %gt3A_1016, %get3A_1005, %broadcast_in_dim3A_38 : vector<16xi1>, vector<16xf32>
        %select_n3A_1019 = arith.select %gt3A_1016, %get3A_1013, %broadcast_in_dim3A_38 : vector<16xi1>, vector<16xf32>
        %get3A_1020 = arith.constant 2 : i32
        %get3A_1021 = arith.constant 0 : i32
        %get3A_1022 = arith.index_cast %get3A_1020 : i32 to index
        %get3A_1023 = arith.index_cast %get3A_1021 : i32 to index
        %get3A_1024 = arith.index_cast %scan3A_972 : i32 to index
        %get3A_1025 = arith.constant 32 : index
        %get3A_1026 = tpu.vector_load %arg5[%get3A_1022, %get3A_1023, %get3A_1024, %get3A_1025] {strides = array<i32>} : memref<5x1x96x96xf32, #tpu.memory_space<vmem>>, vector<1x1x1x16xf32>,
        %get3A_1027 = vector.shape_cast %get3A_1026 : vector<1x1x1x16xf32> to vector<16xf32>
        %get3A_1028 = arith.constant 2 : i32
        %get3A_1029 = arith.constant 0 : i32
        %get3A_1030 = arith.index_cast %get3A_1028 : i32 to index
        %get3A_1031 = arith.index_cast %get3A_1029 : i32 to index
        %get3A_1032 = arith.index_cast %scan3A_972 : i32 to index
        %get3A_1033 = arith.constant 32 : index
        %get3A_1034 = tpu.vector_load %arg6[%get3A_1030, %get3A_1031, %get3A_1032, %get3A_1033] {strides = array<i32>} : memref<5x1x96x96xf32, #tpu.memory_space<vmem>>, vector<1x1x1x16xf32>,
        %get3A_1035 = vector.shape_cast %get3A_1034 : vector<1x1x1x16xf32> to vector<16xf32>
        %gt3A_1036 = arith.constant 5.000000e-01 : f32
        %gt3A_1037 = vector.broadcast %gt3A_1036 : f32 to vector<16xf32>
        %gt3A_1038 = arith.cmpf ogt, %get3A_1035, %gt3A_1037 : vector<16xf32>
        %select_n3A_1039 = arith.select %gt3A_1038, %broadcast_in_dim3A_40, %broadcast_in_dim3A_38 : vector<16xi1>, vector<16xf32>
        %select_n3A_1040 = arith.select %gt3A_1038, %get3A_1027, %broadcast_in_dim3A_38 : vector<16xi1>, vector<16xf32>
        %select_n3A_1041 = arith.select %gt3A_1038, %get3A_1035, %broadcast_in_dim3A_38 : vector<16xi1>, vector<16xf32>
        %get3A_1042 = arith.constant 2 : i32
        %get3A_1043 = arith.constant 0 : i32
        %get3A_1044 = arith.index_cast %get3A_1042 : i32 to index
        %get3A_1045 = arith.index_cast %get3A_1043 : i32 to index
        %get3A_1046 = arith.index_cast %scan3A_972 : i32 to index
        %get3A_1047 = arith.constant 48 : index
        %get3A_1048 = tpu.vector_load %arg5[%get3A_1044, %get3A_1045, %get3A_1046, %get3A_1047] {strides = array<i32>} : memref<5x1x96x96xf32, #tpu.memory_space<vmem>>, vector<1x1x1x16xf32>,
        %get3A_1049 = vector.shape_cast %get3A_1048 : vector<1x1x1x16xf32> to vector<16xf32>
        %get3A_1050 = arith.constant 2 : i32
        %get3A_1051 = arith.constant 0 : i32
        %get3A_1052 = arith.index_cast %get3A_1050 : i32 to index
        %get3A_1053 = arith.index_cast %get3A_1051 : i32 to index
        %get3A_1054 = arith.index_cast %scan3A_972 : i32 to index
        %get3A_1055 = arith.constant 48 : index
        %get3A_1056 = tpu.vector_load %arg6[%get3A_1052, %get3A_1053, %get3A_1054, %get3A_1055] {strides = array<i32>} : memref<5x1x96x96xf32, #tpu.memory_space<vmem>>, vector<1x1x1x16xf32>,
        %get3A_1057 = vector.shape_cast %get3A_1056 : vector<1x1x1x16xf32> to vector<16xf32>
        %gt3A_1058 = arith.constant 5.000000e-01 : f32
        %gt3A_1059 = vector.broadcast %gt3A_1058 : f32 to vector<16xf32>
        %gt3A_1060 = arith.cmpf ogt, %get3A_1057, %gt3A_1059 : vector<16xf32>
        %select_n3A_1061 = arith.select %gt3A_1060, %broadcast_in_dim3A_40, %broadcast_in_dim3A_38 : vector<16xi1>, vector<16xf32>
        %select_n3A_1062 = arith.select %gt3A_1060, %get3A_1049, %broadcast_in_dim3A_38 : vector<16xi1>, vector<16xf32>
        %select_n3A_1063 = arith.select %gt3A_1060, %get3A_1057, %broadcast_in_dim3A_38 : vector<16xi1>, vector<16xf32>
        %get3A_1064 = arith.constant 2 : i32
        %get3A_1065 = arith.constant 0 : i32
        %get3A_1066 = arith.index_cast %get3A_1064 : i32 to index
        %get3A_1067 = arith.index_cast %get3A_1065 : i32 to index
        %get3A_1068 = arith.index_cast %scan3A_972 : i32 to index
        %get3A_1069 = arith.constant 64 : index
        %get3A_1070 = tpu.vector_load %arg5[%get3A_1066, %get3A_1067, %get3A_1068, %get3A_1069] {strides = array<i32>} : memref<5x1x96x96xf32, #tpu.memory_space<vmem>>, vector<1x1x1x16xf32>,
        %get3A_1071 = vector.shape_cast %get3A_1070 : vector<1x1x1x16xf32> to vector<16xf32>
        %get3A_1072 = arith.constant 2 : i32
        %get3A_1073 = arith.constant 0 : i32
        %get3A_1074 = arith.index_cast %get3A_1072 : i32 to index
        %get3A_1075 = arith.index_cast %get3A_1073 : i32 to index
        %get3A_1076 = arith.index_cast %scan3A_972 : i32 to index
        %get3A_1077 = arith.constant 64 : index
        %get3A_1078 = tpu.vector_load %arg6[%get3A_1074, %get3A_1075, %get3A_1076, %get3A_1077] {strides = array<i32>} : memref<5x1x96x96xf32, #tpu.memory_space<vmem>>, vector<1x1x1x16xf32>,
        %get3A_1079 = vector.shape_cast %get3A_1078 : vector<1x1x1x16xf32> to vector<16xf32>
        %gt3A_1080 = arith.constant 5.000000e-01 : f32
        %gt3A_1081 = vector.broadcast %gt3A_1080 : f32 to vector<16xf32>
        %gt3A_1082 = arith.cmpf ogt, %get3A_1079, %gt3A_1081 : vector<16xf32>
        %select_n3A_1083 = arith.select %gt3A_1082, %broadcast_in_dim3A_40, %broadcast_in_dim3A_38 : vector<16xi1>, vector<16xf32>
        %select_n3A_1084 = arith.select %gt3A_1082, %get3A_1071, %broadcast_in_dim3A_38 : vector<16xi1>, vector<16xf32>
        %select_n3A_1085 = arith.select %gt3A_1082, %get3A_1079, %broadcast_in_dim3A_38 : vector<16xi1>, vector<16xf32>
        %get3A_1086 = arith.constant 2 : i32
        %get3A_1087 = arith.constant 0 : i32
        %get3A_1088 = arith.index_cast %get3A_1086 : i32 to index
        %get3A_1089 = arith.index_cast %get3A_1087 : i32 to index
        %get3A_1090 = arith.index_cast %scan3A_972 : i32 to index
        %get3A_1091 = arith.constant 80 : index
        %get3A_1092 = tpu.vector_load %arg5[%get3A_1088, %get3A_1089, %get3A_1090, %get3A_1091] {strides = array<i32>} : memref<5x1x96x96xf32, #tpu.memory_space<vmem>>, vector<1x1x1x16xf32>,
        %get3A_1093 = vector.shape_cast %get3A_1092 : vector<1x1x1x16xf32> to vector<16xf32>
        %get3A_1094 = arith.constant 2 : i32
        %get3A_1095 = arith.constant 0 : i32
        %get3A_1096 = arith.index_cast %get3A_1094 : i32 to index
        %get3A_1097 = arith.index_cast %get3A_1095 : i32 to index
        %get3A_1098 = arith.index_cast %scan3A_972 : i32 to index
        %get3A_1099 = arith.constant 80 : index
        %get3A_1100 = tpu.vector_load %arg6[%get3A_1096, %get3A_1097, %get3A_1098, %get3A_1099] {strides = array<i32>} : memref<5x1x96x96xf32, #tpu.memory_space<vmem>>, vector<1x1x1x16xf32>,
        %get3A_1101 = vector.shape_cast %get3A_1100 : vector<1x1x1x16xf32> to vector<16xf32>
        %gt3A_1102 = arith.constant 5.000000e-01 : f32
        %gt3A_1103 = vector.broadcast %gt3A_1102 : f32 to vector<16xf32>
        %gt3A_1104 = arith.cmpf ogt, %get3A_1101, %gt3A_1103 : vector<16xf32>
        %select_n3A_1105 = arith.select %gt3A_1104, %broadcast_in_dim3A_40, %broadcast_in_dim3A_38 : vector<16xi1>, vector<16xf32>
        %select_n3A_1106 = arith.select %gt3A_1104, %get3A_1093, %broadcast_in_dim3A_38 : vector<16xi1>, vector<16xf32>
        %select_n3A_1107 = arith.select %gt3A_1104, %get3A_1101, %broadcast_in_dim3A_38 : vector<16xi1>, vector<16xf32>
        %add3A_1108 = arith.addf %select_n3A_995, %select_n3A_1017 : vector<16xf32>
        %add3A_1109 = arith.addf %select_n3A_1039, %select_n3A_1061 : vector<16xf32>
        %add3A_1110 = arith.addf %select_n3A_1083, %select_n3A_1105 : vector<16xf32>
        %add3A_1111 = arith.addf %add3A_1108, %add3A_1109 : vector<16xf32>
        %add3A_1112 = arith.addf %add3A_1111, %add3A_1110 : vector<16xf32>
        %add3A_1113 = arith.addf %scan3A_973, %add3A_1112 : vector<16xf32>
        %add3A_1114 = arith.addf %select_n3A_996, %select_n3A_1018 : vector<16xf32>
        %add3A_1115 = arith.addf %select_n3A_1040, %select_n3A_1062 : vector<16xf32>
        %add3A_1116 = arith.addf %select_n3A_1084, %select_n3A_1106 : vector<16xf32>
        %add3A_1117 = arith.addf %add3A_1114, %add3A_1115 : vector<16xf32>
        %add3A_1118 = arith.addf %add3A_1117, %add3A_1116 : vector<16xf32>
        %add3A_1119 = arith.addf %scan3A_974, %add3A_1118 : vector<16xf32>
        %add3A_1120 = arith.addf %select_n3A_997, %select_n3A_1019 : vector<16xf32>
        %add3A_1121 = arith.addf %select_n3A_1041, %select_n3A_1063 : vector<16xf32>
        %add3A_1122 = arith.addf %select_n3A_1085, %select_n3A_1107 : vector<16xf32>
        %add3A_1123 = arith.addf %add3A_1120, %add3A_1121 : vector<16xf32>
        %add3A_1124 = arith.addf %add3A_1123, %add3A_1122 : vector<16xf32>
        %add3A_1125 = arith.addf %scan3A_975, %add3A_1124 : vector<16xf32>
        %add3A_1126 = arith.addf %get3A_984, %get3A_1005 : vector<16xf32>
        %add3A_1127 = arith.addf %get3A_1027, %get3A_1049 : vector<16xf32>
        %add3A_1128 = arith.addf %get3A_1071, %get3A_1093 : vector<16xf32>
        %add3A_1129 = arith.addf %add3A_1126, %add3A_1127 : vector<16xf32>
        %add3A_1130 = arith.addf %add3A_1129, %add3A_1128 : vector<16xf32>
        %add3A_1131 = arith.addf %scan3A_976, %add3A_1130 : vector<16xf32>
        %add3A_1132 = arith.addf %get3A_992, %get3A_1013 : vector<16xf32>
        %add3A_1133 = arith.addf %get3A_1035, %get3A_1057 : vector<16xf32>
        %add3A_1134 = arith.addf %get3A_1079, %get3A_1101 : vector<16xf32>
        %add3A_1135 = arith.addf %add3A_1132, %add3A_1133 : vector<16xf32>
        %add3A_1136 = arith.addf %add3A_1135, %add3A_1134 : vector<16xf32>
        %add3A_1137 = arith.addf %scan3A_977, %add3A_1136 : vector<16xf32>
        scf.yield %add3A_1113, %add3A_1119, %add3A_1125, %add3A_1131, %add3A_1137 : vector<16xf32>, vector<16xf32>, vector<16xf32>, vector<16xf32>, vector<16xf32>
      }
      %scan3A_838 = arith.constant 96 : i32
      %add3A_839 = arith.addf %add3A_775, %scan3A_837#0 : vector<16xf32>
      %add3A_840 = arith.addf %add3A_776, %scan3A_837#1 : vector<16xf32>
      %add3A_841 = arith.addf %add3A_777, %scan3A_837#2 : vector<16xf32>
      %add3A_842 = arith.addf %add3A_778, %scan3A_837#3 : vector<16xf32>
      %add3A_843 = arith.addf %add3A_779, %scan3A_837#4 : vector<16xf32>
      %mul3A_844 = arith.constant 5 : i32
      %mul3A_845 = arith.muli %scan3A_648, %mul3A_844 : i32
      %add3A_846 = arith.constant 3 : i32
      %add3A_847 = arith.addi %mul3A_845, %add3A_846 : i32
      %mul3A_848 = arith.constant 1 : i32
      %mul3A_849 = arith.muli %add3A_847, %mul3A_848 : i32
      %add3A_850 = arith.addi %add3A_37, %mul3A_849 : i32
      %mul3A_851 = arith.constant 1 : i32
      %mul3A_852 = arith.muli %add3A_847, %mul3A_851 : i32
      %add3A_853 = arith.addi %add3A_37, %mul3A_852 : i32
      %dma_wait3A_854 = arith.constant 3 : i32
      %dma_wait3A_855 = arith.constant 0 : i32
      %dma_wait3A_856 = arith.constant 0 : i32
      %dma_wait3A_857 = arith.constant 0 : i32
      %dma_wait3A_858 = tpu.memref_slice %arg5[%dma_wait3A_854, %dma_wait3A_855, %dma_wait3A_856, %dma_wait3A_857] : memref<5x1x96x96xf32, #tpu.memory_space<vmem>> -> memref<1x1x96x96xf32, #tpu.memory_space<vmem>>
      %dma_wait3A_859 = tpu.memref_squeeze %dma_wait3A_858 : memref<1x1x96x96xf32, #tpu.memory_space<vmem>> -> memref<1x96x96xf32, #tpu.memory_space<vmem>>
      %dma_wait3A_860 = arith.constant 0 : i32
      %dma_wait3A_861 = arith.constant 0 : i32
      %dma_wait3A_862 = tpu.memref_slice %arg2[%add3A_850, %dma_wait3A_860, %dma_wait3A_861] : memref<1536x96x96xf32, #tpu.memory_space<hbm>> -> memref<1x96x96xf32, #tpu.memory_space<hbm>>
      %dma_wait3A_863 = arith.constant 0 : i32
      %dma_wait3A_864 = arith.constant 0 : i32
      %dma_wait3A_865 = arith.constant 0 : i32
      %dma_wait3A_866 = tpu.memref_slice %arg5[%dma_wait3A_854, %dma_wait3A_863, %dma_wait3A_864, %dma_wait3A_865] : memref<5x1x96x96xf32, #tpu.memory_space<vmem>> -> memref<1x1x96x96xf32, #tpu.memory_space<vmem>>
      %dma_wait3A_867 = tpu.memref_squeeze %dma_wait3A_866 : memref<1x1x96x96xf32, #tpu.memory_space<vmem>> -> memref<1x96x96xf32, #tpu.memory_space<vmem>>
      %dma_wait3A_868 = arith.constant 0 : i32
      %dma_wait3A_869 = arith.constant 0 : i32
      %dma_wait3A_870 = tpu.memref_slice %arg2[%add3A_850, %dma_wait3A_868, %dma_wait3A_869] : memref<1536x96x96xf32, #tpu.memory_space<hbm>> -> memref<1x96x96xf32, #tpu.memory_space<hbm>>
      tpu.wait_dma2 semaphore(%arg14 : memref<!tpu.dma_semaphore, #tpu.memory_space<semaphore_mem>>) src(%dma_wait3A_870 : memref<1x96x96xf32, #tpu.memory_space<hbm>>) dst(%dma_wait3A_867 : memref<1x96x96xf32, #tpu.memory_space<vmem>>)
      %dma_wait3A_871 = arith.constant 3 : i32
      %dma_wait3A_872 = arith.constant 0 : i32
      %dma_wait3A_873 = arith.constant 0 : i32
      %dma_wait3A_874 = arith.constant 0 : i32
      %dma_wait3A_875 = tpu.memref_slice %arg6[%dma_wait3A_871, %dma_wait3A_872, %dma_wait3A_873, %dma_wait3A_874] : memref<5x1x96x96xf32, #tpu.memory_space<vmem>> -> memref<1x1x96x96xf32, #tpu.memory_space<vmem>>
      %dma_wait3A_876 = tpu.memref_squeeze %dma_wait3A_875 : memref<1x1x96x96xf32, #tpu.memory_space<vmem>> -> memref<1x96x96xf32, #tpu.memory_space<vmem>>
      %dma_wait3A_877 = arith.constant 0 : i32
      %dma_wait3A_878 = arith.constant 0 : i32
      %dma_wait3A_879 = tpu.memref_slice %arg3[%add3A_853, %dma_wait3A_877, %dma_wait3A_878] : memref<1536x96x96xf32, #tpu.memory_space<hbm>> -> memref<1x96x96xf32, #tpu.memory_space<hbm>>
      %dma_wait3A_880 = arith.constant 0 : i32
      %dma_wait3A_881 = arith.constant 0 : i32
      %dma_wait3A_882 = arith.constant 0 : i32
      %dma_wait3A_883 = tpu.memref_slice %arg6[%dma_wait3A_871, %dma_wait3A_880, %dma_wait3A_881, %dma_wait3A_882] : memref<5x1x96x96xf32, #tpu.memory_space<vmem>> -> memref<1x1x96x96xf32, #tpu.memory_space<vmem>>
      %dma_wait3A_884 = tpu.memref_squeeze %dma_wait3A_883 : memref<1x1x96x96xf32, #tpu.memory_space<vmem>> -> memref<1x96x96xf32, #tpu.memory_space<vmem>>
      %dma_wait3A_885 = arith.constant 0 : i32
      %dma_wait3A_886 = arith.constant 0 : i32
      %dma_wait3A_887 = tpu.memref_slice %arg3[%add3A_853, %dma_wait3A_885, %dma_wait3A_886] : memref<1536x96x96xf32, #tpu.memory_space<hbm>> -> memref<1x96x96xf32, #tpu.memory_space<hbm>>
      tpu.wait_dma2 semaphore(%arg15 : memref<!tpu.dma_semaphore, #tpu.memory_space<semaphore_mem>>) src(%dma_wait3A_887 : memref<1x96x96xf32, #tpu.memory_space<hbm>>) dst(%dma_wait3A_884 : memref<1x96x96xf32, #tpu.memory_space<vmem>>)
      %add3A_888 = arith.constant 5 : i32
      %add3A_889 = arith.addi %add3A_847, %add3A_888 : i32
      %sub3A_890 = arith.constant 1 : i32
      %sub3A_891 = arith.subi %add3A_889, %sub3A_890 : i32
      %lt3A_892 = arith.constant 21 : i32
      %lt3A_893 = arith.cmpi slt, %sub3A_891, %lt3A_892 : i32
      %convert_element_type3A_894 = arith.extui %lt3A_893 : i1 to i32
      %cond3A_895 = arith.constant 0 : i32
      %cond3A_896 = arith.cmpi ne, %convert_element_type3A_894, %cond3A_895 : i32
      scf.if %cond3A_896 {
        %mul3A_972 = arith.constant 1 : i32
        %mul3A_973 = arith.muli %sub3A_891, %mul3A_972 : i32
        %add3A_974 = arith.addi %add3A_37, %mul3A_973 : i32
        %dma_start3A_975 = arith.constant 2 : i32
        %dma_start3A_976 = arith.constant 0 : i32
        %dma_start3A_977 = arith.constant 0 : i32
        %dma_start3A_978 = arith.constant 0 : i32
        %dma_start3A_979 = tpu.memref_slice %arg5[%dma_start3A_975, %dma_start3A_976, %dma_start3A_977, %dma_start3A_978] : memref<5x1x96x96xf32, #tpu.memory_space<vmem>> -> memref<1x1x96x96xf32, #tpu.memory_space<vmem>>
        %dma_start3A_980 = tpu.memref_squeeze %dma_start3A_979 : memref<1x1x96x96xf32, #tpu.memory_space<vmem>> -> memref<1x96x96xf32, #tpu.memory_space<vmem>>
        %dma_start3A_981 = arith.constant 0 : i32
        %dma_start3A_982 = arith.constant 0 : i32
        %dma_start3A_983 = tpu.memref_slice %arg2[%add3A_974, %dma_start3A_981, %dma_start3A_982] : memref<1536x96x96xf32, #tpu.memory_space<hbm>> -> memref<1x96x96xf32, #tpu.memory_space<hbm>>
        %dma_start3A_984 = arith.constant 0 : i32
        %dma_start3A_985 = arith.constant 0 : i32
        %dma_start3A_986 = arith.constant 0 : i32
        %dma_start3A_987 = tpu.memref_slice %arg5[%dma_start3A_975, %dma_start3A_984, %dma_start3A_985, %dma_start3A_986] : memref<5x1x96x96xf32, #tpu.memory_space<vmem>> -> memref<1x1x96x96xf32, #tpu.memory_space<vmem>>
        %dma_start3A_988 = tpu.memref_squeeze %dma_start3A_987 : memref<1x1x96x96xf32, #tpu.memory_space<vmem>> -> memref<1x96x96xf32, #tpu.memory_space<vmem>>
        %dma_start3A_989 = arith.constant 0 : i32
        %dma_start3A_990 = arith.constant 0 : i32
        %dma_start3A_991 = tpu.memref_slice %arg2[%add3A_974, %dma_start3A_989, %dma_start3A_990] : memref<1536x96x96xf32, #tpu.memory_space<hbm>> -> memref<1x96x96xf32, #tpu.memory_space<hbm>>
        tpu.enqueue_dma source(%dma_start3A_991 : memref<1x96x96xf32, #tpu.memory_space<hbm>>) target(%dma_start3A_988 : memref<1x96x96xf32, #tpu.memory_space<vmem>>) target_semaphore(%arg12 : memref<!tpu.dma_semaphore, #tpu.memory_space<semaphore_mem>>)
        %dma_start3A_992 = arith.constant 2 : i32
        %dma_start3A_993 = arith.constant 0 : i32
        %dma_start3A_994 = arith.constant 0 : i32
        %dma_start3A_995 = arith.constant 0 : i32
        %dma_start3A_996 = tpu.memref_slice %arg6[%dma_start3A_992, %dma_start3A_993, %dma_start3A_994, %dma_start3A_995] : memref<5x1x96x96xf32, #tpu.memory_space<vmem>> -> memref<1x1x96x96xf32, #tpu.memory_space<vmem>>
        %dma_start3A_997 = tpu.memref_squeeze %dma_start3A_996 : memref<1x1x96x96xf32, #tpu.memory_space<vmem>> -> memref<1x96x96xf32, #tpu.memory_space<vmem>>
        %dma_start3A_998 = arith.constant 0 : i32
        %dma_start3A_999 = arith.constant 0 : i32
        %dma_start3A_1000 = tpu.memref_slice %arg3[%add3A_974, %dma_start3A_998, %dma_start3A_999] : memref<1536x96x96xf32, #tpu.memory_space<hbm>> -> memref<1x96x96xf32, #tpu.memory_space<hbm>>
        %dma_start3A_1001 = arith.constant 0 : i32
        %dma_start3A_1002 = arith.constant 0 : i32
        %dma_start3A_1003 = arith.constant 0 : i32
        %dma_start3A_1004 = tpu.memref_slice %arg6[%dma_start3A_992, %dma_start3A_1001, %dma_start3A_1002, %dma_start3A_1003] : memref<5x1x96x96xf32, #tpu.memory_space<vmem>> -> memref<1x1x96x96xf32, #tpu.memory_space<vmem>>
        %dma_start3A_1005 = tpu.memref_squeeze %dma_start3A_1004 : memref<1x1x96x96xf32, #tpu.memory_space<vmem>> -> memref<1x96x96xf32, #tpu.memory_space<vmem>>
        %dma_start3A_1006 = arith.constant 0 : i32
        %dma_start3A_1007 = arith.constant 0 : i32
        %dma_start3A_1008 = tpu.memref_slice %arg3[%add3A_974, %dma_start3A_1006, %dma_start3A_1007] : memref<1536x96x96xf32, #tpu.memory_space<hbm>> -> memref<1x96x96xf32, #tpu.memory_space<hbm>>
        tpu.enqueue_dma source(%dma_start3A_1008 : memref<1x96x96xf32, #tpu.memory_space<hbm>>) target(%dma_start3A_1005 : memref<1x96x96xf32, #tpu.memory_space<vmem>>) target_semaphore(%arg13 : memref<!tpu.dma_semaphore, #tpu.memory_space<semaphore_mem>>)
      } else {
      }
      %scan3A_897 = arith.constant 0 : i32
      %scan3A_898 = arith.constant 96 : i32
      %scan3A_899 = arith.addi %scan3A_897, %scan3A_898 : i32
      %scan3A_900 = arith.constant 1 : i32
      %scan3A_901:5 = scf.for %scan3A_972 = %scan3A_897 to %scan3A_899 step %scan3A_900 iter_args(%scan3A_973 = %broadcast_in_dim3A_38, %scan3A_974 = %broadcast_in_dim3A_38, %scan3A_975 = %broadcast_in_dim3A_38, %scan3A_976 = %broadcast_in_dim3A_38, %scan3A_977 = %broadcast_in_dim3A_38) -> (vector<16xf32>, vector<16xf32>, vector<16xf32>, vector<16xf32>, vector<16xf32>)  : i32 {
        %get3A = arith.constant 3 : i32
        %get3A_978 = arith.constant 0 : i32
        %get3A_979 = arith.index_cast %get3A : i32 to index
        %get3A_980 = arith.index_cast %get3A_978 : i32 to index
        %get3A_981 = arith.index_cast %scan3A_972 : i32 to index
        %get3A_982 = arith.constant 0 : index
        %get3A_983 = tpu.vector_load %arg5[%get3A_979, %get3A_980, %get3A_981, %get3A_982] {strides = array<i32>} : memref<5x1x96x96xf32, #tpu.memory_space<vmem>>, vector<1x1x1x16xf32>,
        %get3A_984 = vector.shape_cast %get3A_983 : vector<1x1x1x16xf32> to vector<16xf32>
        %get3A_985 = arith.constant 3 : i32
        %get3A_986 = arith.constant 0 : i32
        %get3A_987 = arith.index_cast %get3A_985 : i32 to index
        %get3A_988 = arith.index_cast %get3A_986 : i32 to index
        %get3A_989 = arith.index_cast %scan3A_972 : i32 to index
        %get3A_990 = arith.constant 0 : index
        %get3A_991 = tpu.vector_load %arg6[%get3A_987, %get3A_988, %get3A_989, %get3A_990] {strides = array<i32>} : memref<5x1x96x96xf32, #tpu.memory_space<vmem>>, vector<1x1x1x16xf32>,
        %get3A_992 = vector.shape_cast %get3A_991 : vector<1x1x1x16xf32> to vector<16xf32>
        %gt3A = arith.constant 5.000000e-01 : f32
        %gt3A_993 = vector.broadcast %gt3A : f32 to vector<16xf32>
        %gt3A_994 = arith.cmpf ogt, %get3A_992, %gt3A_993 : vector<16xf32>
        %select_n3A_995 = arith.select %gt3A_994, %broadcast_in_dim3A_40, %broadcast_in_dim3A_38 : vector<16xi1>, vector<16xf32>
        %select_n3A_996 = arith.select %gt3A_994, %get3A_984, %broadcast_in_dim3A_38 : vector<16xi1>, vector<16xf32>
        %select_n3A_997 = arith.select %gt3A_994, %get3A_992, %broadcast_in_dim3A_38 : vector<16xi1>, vector<16xf32>
        %get3A_998 = arith.constant 3 : i32
        %get3A_999 = arith.constant 0 : i32
        %get3A_1000 = arith.index_cast %get3A_998 : i32 to index
        %get3A_1001 = arith.index_cast %get3A_999 : i32 to index
        %get3A_1002 = arith.index_cast %scan3A_972 : i32 to index
        %get3A_1003 = arith.constant 16 : index
        %get3A_1004 = tpu.vector_load %arg5[%get3A_1000, %get3A_1001, %get3A_1002, %get3A_1003] {strides = array<i32>} : memref<5x1x96x96xf32, #tpu.memory_space<vmem>>, vector<1x1x1x16xf32>,
        %get3A_1005 = vector.shape_cast %get3A_1004 : vector<1x1x1x16xf32> to vector<16xf32>
        %get3A_1006 = arith.constant 3 : i32
        %get3A_1007 = arith.constant 0 : i32
        %get3A_1008 = arith.index_cast %get3A_1006 : i32 to index
        %get3A_1009 = arith.index_cast %get3A_1007 : i32 to index
        %get3A_1010 = arith.index_cast %scan3A_972 : i32 to index
        %get3A_1011 = arith.constant 16 : index
        %get3A_1012 = tpu.vector_load %arg6[%get3A_1008, %get3A_1009, %get3A_1010, %get3A_1011] {strides = array<i32>} : memref<5x1x96x96xf32, #tpu.memory_space<vmem>>, vector<1x1x1x16xf32>,
        %get3A_1013 = vector.shape_cast %get3A_1012 : vector<1x1x1x16xf32> to vector<16xf32>
        %gt3A_1014 = arith.constant 5.000000e-01 : f32
        %gt3A_1015 = vector.broadcast %gt3A_1014 : f32 to vector<16xf32>
        %gt3A_1016 = arith.cmpf ogt, %get3A_1013, %gt3A_1015 : vector<16xf32>
        %select_n3A_1017 = arith.select %gt3A_1016, %broadcast_in_dim3A_40, %broadcast_in_dim3A_38 : vector<16xi1>, vector<16xf32>
        %select_n3A_1018 = arith.select %gt3A_1016, %get3A_1005, %broadcast_in_dim3A_38 : vector<16xi1>, vector<16xf32>
        %select_n3A_1019 = arith.select %gt3A_1016, %get3A_1013, %broadcast_in_dim3A_38 : vector<16xi1>, vector<16xf32>
        %get3A_1020 = arith.constant 3 : i32
        %get3A_1021 = arith.constant 0 : i32
        %get3A_1022 = arith.index_cast %get3A_1020 : i32 to index
        %get3A_1023 = arith.index_cast %get3A_1021 : i32 to index
        %get3A_1024 = arith.index_cast %scan3A_972 : i32 to index
        %get3A_1025 = arith.constant 32 : index
        %get3A_1026 = tpu.vector_load %arg5[%get3A_1022, %get3A_1023, %get3A_1024, %get3A_1025] {strides = array<i32>} : memref<5x1x96x96xf32, #tpu.memory_space<vmem>>, vector<1x1x1x16xf32>,
        %get3A_1027 = vector.shape_cast %get3A_1026 : vector<1x1x1x16xf32> to vector<16xf32>
        %get3A_1028 = arith.constant 3 : i32
        %get3A_1029 = arith.constant 0 : i32
        %get3A_1030 = arith.index_cast %get3A_1028 : i32 to index
        %get3A_1031 = arith.index_cast %get3A_1029 : i32 to index
        %get3A_1032 = arith.index_cast %scan3A_972 : i32 to index
        %get3A_1033 = arith.constant 32 : index
        %get3A_1034 = tpu.vector_load %arg6[%get3A_1030, %get3A_1031, %get3A_1032, %get3A_1033] {strides = array<i32>} : memref<5x1x96x96xf32, #tpu.memory_space<vmem>>, vector<1x1x1x16xf32>,
        %get3A_1035 = vector.shape_cast %get3A_1034 : vector<1x1x1x16xf32> to vector<16xf32>
        %gt3A_1036 = arith.constant 5.000000e-01 : f32
        %gt3A_1037 = vector.broadcast %gt3A_1036 : f32 to vector<16xf32>
        %gt3A_1038 = arith.cmpf ogt, %get3A_1035, %gt3A_1037 : vector<16xf32>
        %select_n3A_1039 = arith.select %gt3A_1038, %broadcast_in_dim3A_40, %broadcast_in_dim3A_38 : vector<16xi1>, vector<16xf32>
        %select_n3A_1040 = arith.select %gt3A_1038, %get3A_1027, %broadcast_in_dim3A_38 : vector<16xi1>, vector<16xf32>
        %select_n3A_1041 = arith.select %gt3A_1038, %get3A_1035, %broadcast_in_dim3A_38 : vector<16xi1>, vector<16xf32>
        %get3A_1042 = arith.constant 3 : i32
        %get3A_1043 = arith.constant 0 : i32
        %get3A_1044 = arith.index_cast %get3A_1042 : i32 to index
        %get3A_1045 = arith.index_cast %get3A_1043 : i32 to index
        %get3A_1046 = arith.index_cast %scan3A_972 : i32 to index
        %get3A_1047 = arith.constant 48 : index
        %get3A_1048 = tpu.vector_load %arg5[%get3A_1044, %get3A_1045, %get3A_1046, %get3A_1047] {strides = array<i32>} : memref<5x1x96x96xf32, #tpu.memory_space<vmem>>, vector<1x1x1x16xf32>,
        %get3A_1049 = vector.shape_cast %get3A_1048 : vector<1x1x1x16xf32> to vector<16xf32>
        %get3A_1050 = arith.constant 3 : i32
        %get3A_1051 = arith.constant 0 : i32
        %get3A_1052 = arith.index_cast %get3A_1050 : i32 to index
        %get3A_1053 = arith.index_cast %get3A_1051 : i32 to index
        %get3A_1054 = arith.index_cast %scan3A_972 : i32 to index
        %get3A_1055 = arith.constant 48 : index
        %get3A_1056 = tpu.vector_load %arg6[%get3A_1052, %get3A_1053, %get3A_1054, %get3A_1055] {strides = array<i32>} : memref<5x1x96x96xf32, #tpu.memory_space<vmem>>, vector<1x1x1x16xf32>,
        %get3A_1057 = vector.shape_cast %get3A_1056 : vector<1x1x1x16xf32> to vector<16xf32>
        %gt3A_1058 = arith.constant 5.000000e-01 : f32
        %gt3A_1059 = vector.broadcast %gt3A_1058 : f32 to vector<16xf32>
        %gt3A_1060 = arith.cmpf ogt, %get3A_1057, %gt3A_1059 : vector<16xf32>
        %select_n3A_1061 = arith.select %gt3A_1060, %broadcast_in_dim3A_40, %broadcast_in_dim3A_38 : vector<16xi1>, vector<16xf32>
        %select_n3A_1062 = arith.select %gt3A_1060, %get3A_1049, %broadcast_in_dim3A_38 : vector<16xi1>, vector<16xf32>
        %select_n3A_1063 = arith.select %gt3A_1060, %get3A_1057, %broadcast_in_dim3A_38 : vector<16xi1>, vector<16xf32>
        %get3A_1064 = arith.constant 3 : i32
        %get3A_1065 = arith.constant 0 : i32
        %get3A_1066 = arith.index_cast %get3A_1064 : i32 to index
        %get3A_1067 = arith.index_cast %get3A_1065 : i32 to index
        %get3A_1068 = arith.index_cast %scan3A_972 : i32 to index
        %get3A_1069 = arith.constant 64 : index
        %get3A_1070 = tpu.vector_load %arg5[%get3A_1066, %get3A_1067, %get3A_1068, %get3A_1069] {strides = array<i32>} : memref<5x1x96x96xf32, #tpu.memory_space<vmem>>, vector<1x1x1x16xf32>,
        %get3A_1071 = vector.shape_cast %get3A_1070 : vector<1x1x1x16xf32> to vector<16xf32>
        %get3A_1072 = arith.constant 3 : i32
        %get3A_1073 = arith.constant 0 : i32
        %get3A_1074 = arith.index_cast %get3A_1072 : i32 to index
        %get3A_1075 = arith.index_cast %get3A_1073 : i32 to index
        %get3A_1076 = arith.index_cast %scan3A_972 : i32 to index
        %get3A_1077 = arith.constant 64 : index
        %get3A_1078 = tpu.vector_load %arg6[%get3A_1074, %get3A_1075, %get3A_1076, %get3A_1077] {strides = array<i32>} : memref<5x1x96x96xf32, #tpu.memory_space<vmem>>, vector<1x1x1x16xf32>,
        %get3A_1079 = vector.shape_cast %get3A_1078 : vector<1x1x1x16xf32> to vector<16xf32>
        %gt3A_1080 = arith.constant 5.000000e-01 : f32
        %gt3A_1081 = vector.broadcast %gt3A_1080 : f32 to vector<16xf32>
        %gt3A_1082 = arith.cmpf ogt, %get3A_1079, %gt3A_1081 : vector<16xf32>
        %select_n3A_1083 = arith.select %gt3A_1082, %broadcast_in_dim3A_40, %broadcast_in_dim3A_38 : vector<16xi1>, vector<16xf32>
        %select_n3A_1084 = arith.select %gt3A_1082, %get3A_1071, %broadcast_in_dim3A_38 : vector<16xi1>, vector<16xf32>
        %select_n3A_1085 = arith.select %gt3A_1082, %get3A_1079, %broadcast_in_dim3A_38 : vector<16xi1>, vector<16xf32>
        %get3A_1086 = arith.constant 3 : i32
        %get3A_1087 = arith.constant 0 : i32
        %get3A_1088 = arith.index_cast %get3A_1086 : i32 to index
        %get3A_1089 = arith.index_cast %get3A_1087 : i32 to index
        %get3A_1090 = arith.index_cast %scan3A_972 : i32 to index
        %get3A_1091 = arith.constant 80 : index
        %get3A_1092 = tpu.vector_load %arg5[%get3A_1088, %get3A_1089, %get3A_1090, %get3A_1091] {strides = array<i32>} : memref<5x1x96x96xf32, #tpu.memory_space<vmem>>, vector<1x1x1x16xf32>,
        %get3A_1093 = vector.shape_cast %get3A_1092 : vector<1x1x1x16xf32> to vector<16xf32>
        %get3A_1094 = arith.constant 3 : i32
        %get3A_1095 = arith.constant 0 : i32
        %get3A_1096 = arith.index_cast %get3A_1094 : i32 to index
        %get3A_1097 = arith.index_cast %get3A_1095 : i32 to index
        %get3A_1098 = arith.index_cast %scan3A_972 : i32 to index
        %get3A_1099 = arith.constant 80 : index
        %get3A_1100 = tpu.vector_load %arg6[%get3A_1096, %get3A_1097, %get3A_1098, %get3A_1099] {strides = array<i32>} : memref<5x1x96x96xf32, #tpu.memory_space<vmem>>, vector<1x1x1x16xf32>,
        %get3A_1101 = vector.shape_cast %get3A_1100 : vector<1x1x1x16xf32> to vector<16xf32>
        %gt3A_1102 = arith.constant 5.000000e-01 : f32
        %gt3A_1103 = vector.broadcast %gt3A_1102 : f32 to vector<16xf32>
        %gt3A_1104 = arith.cmpf ogt, %get3A_1101, %gt3A_1103 : vector<16xf32>
        %select_n3A_1105 = arith.select %gt3A_1104, %broadcast_in_dim3A_40, %broadcast_in_dim3A_38 : vector<16xi1>, vector<16xf32>
        %select_n3A_1106 = arith.select %gt3A_1104, %get3A_1093, %broadcast_in_dim3A_38 : vector<16xi1>, vector<16xf32>
        %select_n3A_1107 = arith.select %gt3A_1104, %get3A_1101, %broadcast_in_dim3A_38 : vector<16xi1>, vector<16xf32>
        %add3A_1108 = arith.addf %select_n3A_995, %select_n3A_1017 : vector<16xf32>
        %add3A_1109 = arith.addf %select_n3A_1039, %select_n3A_1061 : vector<16xf32>
        %add3A_1110 = arith.addf %select_n3A_1083, %select_n3A_1105 : vector<16xf32>
        %add3A_1111 = arith.addf %add3A_1108, %add3A_1109 : vector<16xf32>
        %add3A_1112 = arith.addf %add3A_1111, %add3A_1110 : vector<16xf32>
        %add3A_1113 = arith.addf %scan3A_973, %add3A_1112 : vector<16xf32>
        %add3A_1114 = arith.addf %select_n3A_996, %select_n3A_1018 : vector<16xf32>
        %add3A_1115 = arith.addf %select_n3A_1040, %select_n3A_1062 : vector<16xf32>
        %add3A_1116 = arith.addf %select_n3A_1084, %select_n3A_1106 : vector<16xf32>
        %add3A_1117 = arith.addf %add3A_1114, %add3A_1115 : vector<16xf32>
        %add3A_1118 = arith.addf %add3A_1117, %add3A_1116 : vector<16xf32>
        %add3A_1119 = arith.addf %scan3A_974, %add3A_1118 : vector<16xf32>
        %add3A_1120 = arith.addf %select_n3A_997, %select_n3A_1019 : vector<16xf32>
        %add3A_1121 = arith.addf %select_n3A_1041, %select_n3A_1063 : vector<16xf32>
        %add3A_1122 = arith.addf %select_n3A_1085, %select_n3A_1107 : vector<16xf32>
        %add3A_1123 = arith.addf %add3A_1120, %add3A_1121 : vector<16xf32>
        %add3A_1124 = arith.addf %add3A_1123, %add3A_1122 : vector<16xf32>
        %add3A_1125 = arith.addf %scan3A_975, %add3A_1124 : vector<16xf32>
        %add3A_1126 = arith.addf %get3A_984, %get3A_1005 : vector<16xf32>
        %add3A_1127 = arith.addf %get3A_1027, %get3A_1049 : vector<16xf32>
        %add3A_1128 = arith.addf %get3A_1071, %get3A_1093 : vector<16xf32>
        %add3A_1129 = arith.addf %add3A_1126, %add3A_1127 : vector<16xf32>
        %add3A_1130 = arith.addf %add3A_1129, %add3A_1128 : vector<16xf32>
        %add3A_1131 = arith.addf %scan3A_976, %add3A_1130 : vector<16xf32>
        %add3A_1132 = arith.addf %get3A_992, %get3A_1013 : vector<16xf32>
        %add3A_1133 = arith.addf %get3A_1035, %get3A_1057 : vector<16xf32>
        %add3A_1134 = arith.addf %get3A_1079, %get3A_1101 : vector<16xf32>
        %add3A_1135 = arith.addf %add3A_1132, %add3A_1133 : vector<16xf32>
        %add3A_1136 = arith.addf %add3A_1135, %add3A_1134 : vector<16xf32>
        %add3A_1137 = arith.addf %scan3A_977, %add3A_1136 : vector<16xf32>
        scf.yield %add3A_1113, %add3A_1119, %add3A_1125, %add3A_1131, %add3A_1137 : vector<16xf32>, vector<16xf32>, vector<16xf32>, vector<16xf32>, vector<16xf32>
      }
      %scan3A_902 = arith.constant 96 : i32
      %add3A_903 = arith.addf %add3A_839, %scan3A_901#0 : vector<16xf32>
      %add3A_904 = arith.addf %add3A_840, %scan3A_901#1 : vector<16xf32>
      %add3A_905 = arith.addf %add3A_841, %scan3A_901#2 : vector<16xf32>
      %add3A_906 = arith.addf %add3A_842, %scan3A_901#3 : vector<16xf32>
      %add3A_907 = arith.addf %add3A_843, %scan3A_901#4 : vector<16xf32>
      %mul3A_908 = arith.constant 5 : i32
      %mul3A_909 = arith.muli %scan3A_648, %mul3A_908 : i32
      %add3A_910 = arith.constant 4 : i32
      %add3A_911 = arith.addi %mul3A_909, %add3A_910 : i32
      %mul3A_912 = arith.constant 1 : i32
      %mul3A_913 = arith.muli %add3A_911, %mul3A_912 : i32
      %add3A_914 = arith.addi %add3A_37, %mul3A_913 : i32
      %mul3A_915 = arith.constant 1 : i32
      %mul3A_916 = arith.muli %add3A_911, %mul3A_915 : i32
      %add3A_917 = arith.addi %add3A_37, %mul3A_916 : i32
      %dma_wait3A_918 = arith.constant 4 : i32
      %dma_wait3A_919 = arith.constant 0 : i32
      %dma_wait3A_920 = arith.constant 0 : i32
      %dma_wait3A_921 = arith.constant 0 : i32
      %dma_wait3A_922 = tpu.memref_slice %arg5[%dma_wait3A_918, %dma_wait3A_919, %dma_wait3A_920, %dma_wait3A_921] : memref<5x1x96x96xf32, #tpu.memory_space<vmem>> -> memref<1x1x96x96xf32, #tpu.memory_space<vmem>>
      %dma_wait3A_923 = tpu.memref_squeeze %dma_wait3A_922 : memref<1x1x96x96xf32, #tpu.memory_space<vmem>> -> memref<1x96x96xf32, #tpu.memory_space<vmem>>
      %dma_wait3A_924 = arith.constant 0 : i32
      %dma_wait3A_925 = arith.constant 0 : i32
      %dma_wait3A_926 = tpu.memref_slice %arg2[%add3A_914, %dma_wait3A_924, %dma_wait3A_925] : memref<1536x96x96xf32, #tpu.memory_space<hbm>> -> memref<1x96x96xf32, #tpu.memory_space<hbm>>
      %dma_wait3A_927 = arith.constant 0 : i32
      %dma_wait3A_928 = arith.constant 0 : i32
      %dma_wait3A_929 = arith.constant 0 : i32
      %dma_wait3A_930 = tpu.memref_slice %arg5[%dma_wait3A_918, %dma_wait3A_927, %dma_wait3A_928, %dma_wait3A_929] : memref<5x1x96x96xf32, #tpu.memory_space<vmem>> -> memref<1x1x96x96xf32, #tpu.memory_space<vmem>>
      %dma_wait3A_931 = tpu.memref_squeeze %dma_wait3A_930 : memref<1x1x96x96xf32, #tpu.memory_space<vmem>> -> memref<1x96x96xf32, #tpu.memory_space<vmem>>
      %dma_wait3A_932 = arith.constant 0 : i32
      %dma_wait3A_933 = arith.constant 0 : i32
      %dma_wait3A_934 = tpu.memref_slice %arg2[%add3A_914, %dma_wait3A_932, %dma_wait3A_933] : memref<1536x96x96xf32, #tpu.memory_space<hbm>> -> memref<1x96x96xf32, #tpu.memory_space<hbm>>
      tpu.wait_dma2 semaphore(%arg16 : memref<!tpu.dma_semaphore, #tpu.memory_space<semaphore_mem>>) src(%dma_wait3A_934 : memref<1x96x96xf32, #tpu.memory_space<hbm>>) dst(%dma_wait3A_931 : memref<1x96x96xf32, #tpu.memory_space<vmem>>)
      %dma_wait3A_935 = arith.constant 4 : i32
      %dma_wait3A_936 = arith.constant 0 : i32
      %dma_wait3A_937 = arith.constant 0 : i32
      %dma_wait3A_938 = arith.constant 0 : i32
      %dma_wait3A_939 = tpu.memref_slice %arg6[%dma_wait3A_935, %dma_wait3A_936, %dma_wait3A_937, %dma_wait3A_938] : memref<5x1x96x96xf32, #tpu.memory_space<vmem>> -> memref<1x1x96x96xf32, #tpu.memory_space<vmem>>
      %dma_wait3A_940 = tpu.memref_squeeze %dma_wait3A_939 : memref<1x1x96x96xf32, #tpu.memory_space<vmem>> -> memref<1x96x96xf32, #tpu.memory_space<vmem>>
      %dma_wait3A_941 = arith.constant 0 : i32
      %dma_wait3A_942 = arith.constant 0 : i32
      %dma_wait3A_943 = tpu.memref_slice %arg3[%add3A_917, %dma_wait3A_941, %dma_wait3A_942] : memref<1536x96x96xf32, #tpu.memory_space<hbm>> -> memref<1x96x96xf32, #tpu.memory_space<hbm>>
      %dma_wait3A_944 = arith.constant 0 : i32
      %dma_wait3A_945 = arith.constant 0 : i32
      %dma_wait3A_946 = arith.constant 0 : i32
      %dma_wait3A_947 = tpu.memref_slice %arg6[%dma_wait3A_935, %dma_wait3A_944, %dma_wait3A_945, %dma_wait3A_946] : memref<5x1x96x96xf32, #tpu.memory_space<vmem>> -> memref<1x1x96x96xf32, #tpu.memory_space<vmem>>
      %dma_wait3A_948 = tpu.memref_squeeze %dma_wait3A_947 : memref<1x1x96x96xf32, #tpu.memory_space<vmem>> -> memref<1x96x96xf32, #tpu.memory_space<vmem>>
      %dma_wait3A_949 = arith.constant 0 : i32
      %dma_wait3A_950 = arith.constant 0 : i32
      %dma_wait3A_951 = tpu.memref_slice %arg3[%add3A_917, %dma_wait3A_949, %dma_wait3A_950] : memref<1536x96x96xf32, #tpu.memory_space<hbm>> -> memref<1x96x96xf32, #tpu.memory_space<hbm>>
      tpu.wait_dma2 semaphore(%arg17 : memref<!tpu.dma_semaphore, #tpu.memory_space<semaphore_mem>>) src(%dma_wait3A_951 : memref<1x96x96xf32, #tpu.memory_space<hbm>>) dst(%dma_wait3A_948 : memref<1x96x96xf32, #tpu.memory_space<vmem>>)
      %add3A_952 = arith.constant 5 : i32
      %add3A_953 = arith.addi %add3A_911, %add3A_952 : i32
      %sub3A_954 = arith.constant 1 : i32
      %sub3A_955 = arith.subi %add3A_953, %sub3A_954 : i32
      %lt3A_956 = arith.constant 21 : i32
      %lt3A_957 = arith.cmpi slt, %sub3A_955, %lt3A_956 : i32
      %convert_element_type3A_958 = arith.extui %lt3A_957 : i1 to i32
      %cond3A_959 = arith.constant 0 : i32
      %cond3A_960 = arith.cmpi ne, %convert_element_type3A_958, %cond3A_959 : i32
      scf.if %cond3A_960 {
        %mul3A_972 = arith.constant 1 : i32
        %mul3A_973 = arith.muli %sub3A_955, %mul3A_972 : i32
        %add3A_974 = arith.addi %add3A_37, %mul3A_973 : i32
        %dma_start3A_975 = arith.constant 3 : i32
        %dma_start3A_976 = arith.constant 0 : i32
        %dma_start3A_977 = arith.constant 0 : i32
        %dma_start3A_978 = arith.constant 0 : i32
        %dma_start3A_979 = tpu.memref_slice %arg5[%dma_start3A_975, %dma_start3A_976, %dma_start3A_977, %dma_start3A_978] : memref<5x1x96x96xf32, #tpu.memory_space<vmem>> -> memref<1x1x96x96xf32, #tpu.memory_space<vmem>>
        %dma_start3A_980 = tpu.memref_squeeze %dma_start3A_979 : memref<1x1x96x96xf32, #tpu.memory_space<vmem>> -> memref<1x96x96xf32, #tpu.memory_space<vmem>>
        %dma_start3A_981 = arith.constant 0 : i32
        %dma_start3A_982 = arith.constant 0 : i32
        %dma_start3A_983 = tpu.memref_slice %arg2[%add3A_974, %dma_start3A_981, %dma_start3A_982] : memref<1536x96x96xf32, #tpu.memory_space<hbm>> -> memref<1x96x96xf32, #tpu.memory_space<hbm>>
        %dma_start3A_984 = arith.constant 0 : i32
        %dma_start3A_985 = arith.constant 0 : i32
        %dma_start3A_986 = arith.constant 0 : i32
        %dma_start3A_987 = tpu.memref_slice %arg5[%dma_start3A_975, %dma_start3A_984, %dma_start3A_985, %dma_start3A_986] : memref<5x1x96x96xf32, #tpu.memory_space<vmem>> -> memref<1x1x96x96xf32, #tpu.memory_space<vmem>>
        %dma_start3A_988 = tpu.memref_squeeze %dma_start3A_987 : memref<1x1x96x96xf32, #tpu.memory_space<vmem>> -> memref<1x96x96xf32, #tpu.memory_space<vmem>>
        %dma_start3A_989 = arith.constant 0 : i32
        %dma_start3A_990 = arith.constant 0 : i32
        %dma_start3A_991 = tpu.memref_slice %arg2[%add3A_974, %dma_start3A_989, %dma_start3A_990] : memref<1536x96x96xf32, #tpu.memory_space<hbm>> -> memref<1x96x96xf32, #tpu.memory_space<hbm>>
        tpu.enqueue_dma source(%dma_start3A_991 : memref<1x96x96xf32, #tpu.memory_space<hbm>>) target(%dma_start3A_988 : memref<1x96x96xf32, #tpu.memory_space<vmem>>) target_semaphore(%arg14 : memref<!tpu.dma_semaphore, #tpu.memory_space<semaphore_mem>>)
        %dma_start3A_992 = arith.constant 3 : i32
        %dma_start3A_993 = arith.constant 0 : i32
        %dma_start3A_994 = arith.constant 0 : i32
        %dma_start3A_995 = arith.constant 0 : i32
        %dma_start3A_996 = tpu.memref_slice %arg6[%dma_start3A_992, %dma_start3A_993, %dma_start3A_994, %dma_start3A_995] : memref<5x1x96x96xf32, #tpu.memory_space<vmem>> -> memref<1x1x96x96xf32, #tpu.memory_space<vmem>>
        %dma_start3A_997 = tpu.memref_squeeze %dma_start3A_996 : memref<1x1x96x96xf32, #tpu.memory_space<vmem>> -> memref<1x96x96xf32, #tpu.memory_space<vmem>>
        %dma_start3A_998 = arith.constant 0 : i32
        %dma_start3A_999 = arith.constant 0 : i32
        %dma_start3A_1000 = tpu.memref_slice %arg3[%add3A_974, %dma_start3A_998, %dma_start3A_999] : memref<1536x96x96xf32, #tpu.memory_space<hbm>> -> memref<1x96x96xf32, #tpu.memory_space<hbm>>
        %dma_start3A_1001 = arith.constant 0 : i32
        %dma_start3A_1002 = arith.constant 0 : i32
        %dma_start3A_1003 = arith.constant 0 : i32
        %dma_start3A_1004 = tpu.memref_slice %arg6[%dma_start3A_992, %dma_start3A_1001, %dma_start3A_1002, %dma_start3A_1003] : memref<5x1x96x96xf32, #tpu.memory_space<vmem>> -> memref<1x1x96x96xf32, #tpu.memory_space<vmem>>
        %dma_start3A_1005 = tpu.memref_squeeze %dma_start3A_1004 : memref<1x1x96x96xf32, #tpu.memory_space<vmem>> -> memref<1x96x96xf32, #tpu.memory_space<vmem>>
        %dma_start3A_1006 = arith.constant 0 : i32
        %dma_start3A_1007 = arith.constant 0 : i32
        %dma_start3A_1008 = tpu.memref_slice %arg3[%add3A_974, %dma_start3A_1006, %dma_start3A_1007] : memref<1536x96x96xf32, #tpu.memory_space<hbm>> -> memref<1x96x96xf32, #tpu.memory_space<hbm>>
        tpu.enqueue_dma source(%dma_start3A_1008 : memref<1x96x96xf32, #tpu.memory_space<hbm>>) target(%dma_start3A_1005 : memref<1x96x96xf32, #tpu.memory_space<vmem>>) target_semaphore(%arg15 : memref<!tpu.dma_semaphore, #tpu.memory_space<semaphore_mem>>)
      } else {
      }
      %scan3A_961 = arith.constant 0 : i32
      %scan3A_962 = arith.constant 96 : i32
      %scan3A_963 = arith.addi %scan3A_961, %scan3A_962 : i32
      %scan3A_964 = arith.constant 1 : i32
      %scan3A_965:5 = scf.for %scan3A_972 = %scan3A_961 to %scan3A_963 step %scan3A_964 iter_args(%scan3A_973 = %broadcast_in_dim3A_38, %scan3A_974 = %broadcast_in_dim3A_38, %scan3A_975 = %broadcast_in_dim3A_38, %scan3A_976 = %broadcast_in_dim3A_38, %scan3A_977 = %broadcast_in_dim3A_38) -> (vector<16xf32>, vector<16xf32>, vector<16xf32>, vector<16xf32>, vector<16xf32>)  : i32 {
        %get3A = arith.constant 4 : i32
        %get3A_978 = arith.constant 0 : i32
        %get3A_979 = arith.index_cast %get3A : i32 to index
        %get3A_980 = arith.index_cast %get3A_978 : i32 to index
        %get3A_981 = arith.index_cast %scan3A_972 : i32 to index
        %get3A_982 = arith.constant 0 : index
        %get3A_983 = tpu.vector_load %arg5[%get3A_979, %get3A_980, %get3A_981, %get3A_982] {strides = array<i32>} : memref<5x1x96x96xf32, #tpu.memory_space<vmem>>, vector<1x1x1x16xf32>,
        %get3A_984 = vector.shape_cast %get3A_983 : vector<1x1x1x16xf32> to vector<16xf32>
        %get3A_985 = arith.constant 4 : i32
        %get3A_986 = arith.constant 0 : i32
        %get3A_987 = arith.index_cast %get3A_985 : i32 to index
        %get3A_988 = arith.index_cast %get3A_986 : i32 to index
        %get3A_989 = arith.index_cast %scan3A_972 : i32 to index
        %get3A_990 = arith.constant 0 : index
        %get3A_991 = tpu.vector_load %arg6[%get3A_987, %get3A_988, %get3A_989, %get3A_990] {strides = array<i32>} : memref<5x1x96x96xf32, #tpu.memory_space<vmem>>, vector<1x1x1x16xf32>,
        %get3A_992 = vector.shape_cast %get3A_991 : vector<1x1x1x16xf32> to vector<16xf32>
        %gt3A = arith.constant 5.000000e-01 : f32
        %gt3A_993 = vector.broadcast %gt3A : f32 to vector<16xf32>
        %gt3A_994 = arith.cmpf ogt, %get3A_992, %gt3A_993 : vector<16xf32>
        %select_n3A_995 = arith.select %gt3A_994, %broadcast_in_dim3A_40, %broadcast_in_dim3A_38 : vector<16xi1>, vector<16xf32>
        %select_n3A_996 = arith.select %gt3A_994, %get3A_984, %broadcast_in_dim3A_38 : vector<16xi1>, vector<16xf32>
        %select_n3A_997 = arith.select %gt3A_994, %get3A_992, %broadcast_in_dim3A_38 : vector<16xi1>, vector<16xf32>
        %get3A_998 = arith.constant 4 : i32
        %get3A_999 = arith.constant 0 : i32
        %get3A_1000 = arith.index_cast %get3A_998 : i32 to index
        %get3A_1001 = arith.index_cast %get3A_999 : i32 to index
        %get3A_1002 = arith.index_cast %scan3A_972 : i32 to index
        %get3A_1003 = arith.constant 16 : index
        %get3A_1004 = tpu.vector_load %arg5[%get3A_1000, %get3A_1001, %get3A_1002, %get3A_1003] {strides = array<i32>} : memref<5x1x96x96xf32, #tpu.memory_space<vmem>>, vector<1x1x1x16xf32>,
        %get3A_1005 = vector.shape_cast %get3A_1004 : vector<1x1x1x16xf32> to vector<16xf32>
        %get3A_1006 = arith.constant 4 : i32
        %get3A_1007 = arith.constant 0 : i32
        %get3A_1008 = arith.index_cast %get3A_1006 : i32 to index
        %get3A_1009 = arith.index_cast %get3A_1007 : i32 to index
        %get3A_1010 = arith.index_cast %scan3A_972 : i32 to index
        %get3A_1011 = arith.constant 16 : index
        %get3A_1012 = tpu.vector_load %arg6[%get3A_1008, %get3A_1009, %get3A_1010, %get3A_1011] {strides = array<i32>} : memref<5x1x96x96xf32, #tpu.memory_space<vmem>>, vector<1x1x1x16xf32>,
        %get3A_1013 = vector.shape_cast %get3A_1012 : vector<1x1x1x16xf32> to vector<16xf32>
        %gt3A_1014 = arith.constant 5.000000e-01 : f32
        %gt3A_1015 = vector.broadcast %gt3A_1014 : f32 to vector<16xf32>
        %gt3A_1016 = arith.cmpf ogt, %get3A_1013, %gt3A_1015 : vector<16xf32>
        %select_n3A_1017 = arith.select %gt3A_1016, %broadcast_in_dim3A_40, %broadcast_in_dim3A_38 : vector<16xi1>, vector<16xf32>
        %select_n3A_1018 = arith.select %gt3A_1016, %get3A_1005, %broadcast_in_dim3A_38 : vector<16xi1>, vector<16xf32>
        %select_n3A_1019 = arith.select %gt3A_1016, %get3A_1013, %broadcast_in_dim3A_38 : vector<16xi1>, vector<16xf32>
        %get3A_1020 = arith.constant 4 : i32
        %get3A_1021 = arith.constant 0 : i32
        %get3A_1022 = arith.index_cast %get3A_1020 : i32 to index
        %get3A_1023 = arith.index_cast %get3A_1021 : i32 to index
        %get3A_1024 = arith.index_cast %scan3A_972 : i32 to index
        %get3A_1025 = arith.constant 32 : index
        %get3A_1026 = tpu.vector_load %arg5[%get3A_1022, %get3A_1023, %get3A_1024, %get3A_1025] {strides = array<i32>} : memref<5x1x96x96xf32, #tpu.memory_space<vmem>>, vector<1x1x1x16xf32>,
        %get3A_1027 = vector.shape_cast %get3A_1026 : vector<1x1x1x16xf32> to vector<16xf32>
        %get3A_1028 = arith.constant 4 : i32
        %get3A_1029 = arith.constant 0 : i32
        %get3A_1030 = arith.index_cast %get3A_1028 : i32 to index
        %get3A_1031 = arith.index_cast %get3A_1029 : i32 to index
        %get3A_1032 = arith.index_cast %scan3A_972 : i32 to index
        %get3A_1033 = arith.constant 32 : index
        %get3A_1034 = tpu.vector_load %arg6[%get3A_1030, %get3A_1031, %get3A_1032, %get3A_1033] {strides = array<i32>} : memref<5x1x96x96xf32, #tpu.memory_space<vmem>>, vector<1x1x1x16xf32>,
        %get3A_1035 = vector.shape_cast %get3A_1034 : vector<1x1x1x16xf32> to vector<16xf32>
        %gt3A_1036 = arith.constant 5.000000e-01 : f32
        %gt3A_1037 = vector.broadcast %gt3A_1036 : f32 to vector<16xf32>
        %gt3A_1038 = arith.cmpf ogt, %get3A_1035, %gt3A_1037 : vector<16xf32>
        %select_n3A_1039 = arith.select %gt3A_1038, %broadcast_in_dim3A_40, %broadcast_in_dim3A_38 : vector<16xi1>, vector<16xf32>
        %select_n3A_1040 = arith.select %gt3A_1038, %get3A_1027, %broadcast_in_dim3A_38 : vector<16xi1>, vector<16xf32>
        %select_n3A_1041 = arith.select %gt3A_1038, %get3A_1035, %broadcast_in_dim3A_38 : vector<16xi1>, vector<16xf32>
        %get3A_1042 = arith.constant 4 : i32
        %get3A_1043 = arith.constant 0 : i32
        %get3A_1044 = arith.index_cast %get3A_1042 : i32 to index
        %get3A_1045 = arith.index_cast %get3A_1043 : i32 to index
        %get3A_1046 = arith.index_cast %scan3A_972 : i32 to index
        %get3A_1047 = arith.constant 48 : index
        %get3A_1048 = tpu.vector_load %arg5[%get3A_1044, %get3A_1045, %get3A_1046, %get3A_1047] {strides = array<i32>} : memref<5x1x96x96xf32, #tpu.memory_space<vmem>>, vector<1x1x1x16xf32>,
        %get3A_1049 = vector.shape_cast %get3A_1048 : vector<1x1x1x16xf32> to vector<16xf32>
        %get3A_1050 = arith.constant 4 : i32
        %get3A_1051 = arith.constant 0 : i32
        %get3A_1052 = arith.index_cast %get3A_1050 : i32 to index
        %get3A_1053 = arith.index_cast %get3A_1051 : i32 to index
        %get3A_1054 = arith.index_cast %scan3A_972 : i32 to index
        %get3A_1055 = arith.constant 48 : index
        %get3A_1056 = tpu.vector_load %arg6[%get3A_1052, %get3A_1053, %get3A_1054, %get3A_1055] {strides = array<i32>} : memref<5x1x96x96xf32, #tpu.memory_space<vmem>>, vector<1x1x1x16xf32>,
        %get3A_1057 = vector.shape_cast %get3A_1056 : vector<1x1x1x16xf32> to vector<16xf32>
        %gt3A_1058 = arith.constant 5.000000e-01 : f32
        %gt3A_1059 = vector.broadcast %gt3A_1058 : f32 to vector<16xf32>
        %gt3A_1060 = arith.cmpf ogt, %get3A_1057, %gt3A_1059 : vector<16xf32>
        %select_n3A_1061 = arith.select %gt3A_1060, %broadcast_in_dim3A_40, %broadcast_in_dim3A_38 : vector<16xi1>, vector<16xf32>
        %select_n3A_1062 = arith.select %gt3A_1060, %get3A_1049, %broadcast_in_dim3A_38 : vector<16xi1>, vector<16xf32>
        %select_n3A_1063 = arith.select %gt3A_1060, %get3A_1057, %broadcast_in_dim3A_38 : vector<16xi1>, vector<16xf32>
        %get3A_1064 = arith.constant 4 : i32
        %get3A_1065 = arith.constant 0 : i32
        %get3A_1066 = arith.index_cast %get3A_1064 : i32 to index
        %get3A_1067 = arith.index_cast %get3A_1065 : i32 to index
        %get3A_1068 = arith.index_cast %scan3A_972 : i32 to index
        %get3A_1069 = arith.constant 64 : index
        %get3A_1070 = tpu.vector_load %arg5[%get3A_1066, %get3A_1067, %get3A_1068, %get3A_1069] {strides = array<i32>} : memref<5x1x96x96xf32, #tpu.memory_space<vmem>>, vector<1x1x1x16xf32>,
        %get3A_1071 = vector.shape_cast %get3A_1070 : vector<1x1x1x16xf32> to vector<16xf32>
        %get3A_1072 = arith.constant 4 : i32
        %get3A_1073 = arith.constant 0 : i32
        %get3A_1074 = arith.index_cast %get3A_1072 : i32 to index
        %get3A_1075 = arith.index_cast %get3A_1073 : i32 to index
        %get3A_1076 = arith.index_cast %scan3A_972 : i32 to index
        %get3A_1077 = arith.constant 64 : index
        %get3A_1078 = tpu.vector_load %arg6[%get3A_1074, %get3A_1075, %get3A_1076, %get3A_1077] {strides = array<i32>} : memref<5x1x96x96xf32, #tpu.memory_space<vmem>>, vector<1x1x1x16xf32>,
        %get3A_1079 = vector.shape_cast %get3A_1078 : vector<1x1x1x16xf32> to vector<16xf32>
        %gt3A_1080 = arith.constant 5.000000e-01 : f32
        %gt3A_1081 = vector.broadcast %gt3A_1080 : f32 to vector<16xf32>
        %gt3A_1082 = arith.cmpf ogt, %get3A_1079, %gt3A_1081 : vector<16xf32>
        %select_n3A_1083 = arith.select %gt3A_1082, %broadcast_in_dim3A_40, %broadcast_in_dim3A_38 : vector<16xi1>, vector<16xf32>
        %select_n3A_1084 = arith.select %gt3A_1082, %get3A_1071, %broadcast_in_dim3A_38 : vector<16xi1>, vector<16xf32>
        %select_n3A_1085 = arith.select %gt3A_1082, %get3A_1079, %broadcast_in_dim3A_38 : vector<16xi1>, vector<16xf32>
        %get3A_1086 = arith.constant 4 : i32
        %get3A_1087 = arith.constant 0 : i32
        %get3A_1088 = arith.index_cast %get3A_1086 : i32 to index
        %get3A_1089 = arith.index_cast %get3A_1087 : i32 to index
        %get3A_1090 = arith.index_cast %scan3A_972 : i32 to index
        %get3A_1091 = arith.constant 80 : index
        %get3A_1092 = tpu.vector_load %arg5[%get3A_1088, %get3A_1089, %get3A_1090, %get3A_1091] {strides = array<i32>} : memref<5x1x96x96xf32, #tpu.memory_space<vmem>>, vector<1x1x1x16xf32>,
        %get3A_1093 = vector.shape_cast %get3A_1092 : vector<1x1x1x16xf32> to vector<16xf32>
        %get3A_1094 = arith.constant 4 : i32
        %get3A_1095 = arith.constant 0 : i32
        %get3A_1096 = arith.index_cast %get3A_1094 : i32 to index
        %get3A_1097 = arith.index_cast %get3A_1095 : i32 to index
        %get3A_1098 = arith.index_cast %scan3A_972 : i32 to index
        %get3A_1099 = arith.constant 80 : index
        %get3A_1100 = tpu.vector_load %arg6[%get3A_1096, %get3A_1097, %get3A_1098, %get3A_1099] {strides = array<i32>} : memref<5x1x96x96xf32, #tpu.memory_space<vmem>>, vector<1x1x1x16xf32>,
        %get3A_1101 = vector.shape_cast %get3A_1100 : vector<1x1x1x16xf32> to vector<16xf32>
        %gt3A_1102 = arith.constant 5.000000e-01 : f32
        %gt3A_1103 = vector.broadcast %gt3A_1102 : f32 to vector<16xf32>
        %gt3A_1104 = arith.cmpf ogt, %get3A_1101, %gt3A_1103 : vector<16xf32>
        %select_n3A_1105 = arith.select %gt3A_1104, %broadcast_in_dim3A_40, %broadcast_in_dim3A_38 : vector<16xi1>, vector<16xf32>
        %select_n3A_1106 = arith.select %gt3A_1104, %get3A_1093, %broadcast_in_dim3A_38 : vector<16xi1>, vector<16xf32>
        %select_n3A_1107 = arith.select %gt3A_1104, %get3A_1101, %broadcast_in_dim3A_38 : vector<16xi1>, vector<16xf32>
        %add3A_1108 = arith.addf %select_n3A_995, %select_n3A_1017 : vector<16xf32>
        %add3A_1109 = arith.addf %select_n3A_1039, %select_n3A_1061 : vector<16xf32>
        %add3A_1110 = arith.addf %select_n3A_1083, %select_n3A_1105 : vector<16xf32>
        %add3A_1111 = arith.addf %add3A_1108, %add3A_1109 : vector<16xf32>
        %add3A_1112 = arith.addf %add3A_1111, %add3A_1110 : vector<16xf32>
        %add3A_1113 = arith.addf %scan3A_973, %add3A_1112 : vector<16xf32>
        %add3A_1114 = arith.addf %select_n3A_996, %select_n3A_1018 : vector<16xf32>
        %add3A_1115 = arith.addf %select_n3A_1040, %select_n3A_1062 : vector<16xf32>
        %add3A_1116 = arith.addf %select_n3A_1084, %select_n3A_1106 : vector<16xf32>
        %add3A_1117 = arith.addf %add3A_1114, %add3A_1115 : vector<16xf32>
        %add3A_1118 = arith.addf %add3A_1117, %add3A_1116 : vector<16xf32>
        %add3A_1119 = arith.addf %scan3A_974, %add3A_1118 : vector<16xf32>
        %add3A_1120 = arith.addf %select_n3A_997, %select_n3A_1019 : vector<16xf32>
        %add3A_1121 = arith.addf %select_n3A_1041, %select_n3A_1063 : vector<16xf32>
        %add3A_1122 = arith.addf %select_n3A_1085, %select_n3A_1107 : vector<16xf32>
        %add3A_1123 = arith.addf %add3A_1120, %add3A_1121 : vector<16xf32>
        %add3A_1124 = arith.addf %add3A_1123, %add3A_1122 : vector<16xf32>
        %add3A_1125 = arith.addf %scan3A_975, %add3A_1124 : vector<16xf32>
        %add3A_1126 = arith.addf %get3A_984, %get3A_1005 : vector<16xf32>
        %add3A_1127 = arith.addf %get3A_1027, %get3A_1049 : vector<16xf32>
        %add3A_1128 = arith.addf %get3A_1071, %get3A_1093 : vector<16xf32>
        %add3A_1129 = arith.addf %add3A_1126, %add3A_1127 : vector<16xf32>
        %add3A_1130 = arith.addf %add3A_1129, %add3A_1128 : vector<16xf32>
        %add3A_1131 = arith.addf %scan3A_976, %add3A_1130 : vector<16xf32>
        %add3A_1132 = arith.addf %get3A_992, %get3A_1013 : vector<16xf32>
        %add3A_1133 = arith.addf %get3A_1035, %get3A_1057 : vector<16xf32>
        %add3A_1134 = arith.addf %get3A_1079, %get3A_1101 : vector<16xf32>
        %add3A_1135 = arith.addf %add3A_1132, %add3A_1133 : vector<16xf32>
        %add3A_1136 = arith.addf %add3A_1135, %add3A_1134 : vector<16xf32>
        %add3A_1137 = arith.addf %scan3A_977, %add3A_1136 : vector<16xf32>
        scf.yield %add3A_1113, %add3A_1119, %add3A_1125, %add3A_1131, %add3A_1137 : vector<16xf32>, vector<16xf32>, vector<16xf32>, vector<16xf32>, vector<16xf32>
      }
      %scan3A_966 = arith.constant 96 : i32
      %add3A_967 = arith.addf %add3A_903, %scan3A_965#0 : vector<16xf32>
      %add3A_968 = arith.addf %add3A_904, %scan3A_965#1 : vector<16xf32>
      %add3A_969 = arith.addf %add3A_905, %scan3A_965#2 : vector<16xf32>
      %add3A_970 = arith.addf %add3A_906, %scan3A_965#3 : vector<16xf32>
      %add3A_971 = arith.addf %add3A_907, %scan3A_965#4 : vector<16xf32>
      scf.yield %add3A_967, %add3A_968, %add3A_969, %add3A_970, %add3A_971 : vector<16xf32>, vector<16xf32>, vector<16xf32>, vector<16xf32>, vector<16xf32>
    }
    %scan3A_188 = arith.constant 4 : i32
    %add3A_189 = arith.constant 20 : i32
    %add3A_190 = arith.addi %add3A_37, %add3A_189 : i32
    %dma_wait3A = arith.constant 0 : i32
    %dma_wait3A_191 = arith.constant 0 : i32
    %dma_wait3A_192 = arith.constant 0 : i32
    %dma_wait3A_193 = arith.constant 0 : i32
    %dma_wait3A_194 = tpu.memref_slice %arg5[%dma_wait3A, %dma_wait3A_191, %dma_wait3A_192, %dma_wait3A_193] : memref<5x1x96x96xf32, #tpu.memory_space<vmem>> -> memref<1x1x96x96xf32, #tpu.memory_space<vmem>>
    %dma_wait3A_195 = tpu.memref_squeeze %dma_wait3A_194 : memref<1x1x96x96xf32, #tpu.memory_space<vmem>> -> memref<1x96x96xf32, #tpu.memory_space<vmem>>
    %dma_wait3A_196 = arith.constant 0 : i32
    %dma_wait3A_197 = arith.constant 0 : i32
    %dma_wait3A_198 = tpu.memref_slice %arg2[%add3A_190, %dma_wait3A_196, %dma_wait3A_197] : memref<1536x96x96xf32, #tpu.memory_space<hbm>> -> memref<1x96x96xf32, #tpu.memory_space<hbm>>
    %dma_wait3A_199 = arith.constant 0 : i32
    %dma_wait3A_200 = arith.constant 0 : i32
    %dma_wait3A_201 = arith.constant 0 : i32
    %dma_wait3A_202 = tpu.memref_slice %arg5[%dma_wait3A, %dma_wait3A_199, %dma_wait3A_200, %dma_wait3A_201] : memref<5x1x96x96xf32, #tpu.memory_space<vmem>> -> memref<1x1x96x96xf32, #tpu.memory_space<vmem>>
    %dma_wait3A_203 = tpu.memref_squeeze %dma_wait3A_202 : memref<1x1x96x96xf32, #tpu.memory_space<vmem>> -> memref<1x96x96xf32, #tpu.memory_space<vmem>>
    %dma_wait3A_204 = arith.constant 0 : i32
    %dma_wait3A_205 = arith.constant 0 : i32
    %dma_wait3A_206 = tpu.memref_slice %arg2[%add3A_190, %dma_wait3A_204, %dma_wait3A_205] : memref<1536x96x96xf32, #tpu.memory_space<hbm>> -> memref<1x96x96xf32, #tpu.memory_space<hbm>>
    tpu.wait_dma2 semaphore(%arg8 : memref<!tpu.dma_semaphore, #tpu.memory_space<semaphore_mem>>) src(%dma_wait3A_206 : memref<1x96x96xf32, #tpu.memory_space<hbm>>) dst(%dma_wait3A_203 : memref<1x96x96xf32, #tpu.memory_space<vmem>>)
    %dma_wait3A_207 = arith.constant 0 : i32
    %dma_wait3A_208 = arith.constant 0 : i32
    %dma_wait3A_209 = arith.constant 0 : i32
    %dma_wait3A_210 = arith.constant 0 : i32
    %dma_wait3A_211 = tpu.memref_slice %arg6[%dma_wait3A_207, %dma_wait3A_208, %dma_wait3A_209, %dma_wait3A_210] : memref<5x1x96x96xf32, #tpu.memory_space<vmem>> -> memref<1x1x96x96xf32, #tpu.memory_space<vmem>>
    %dma_wait3A_212 = tpu.memref_squeeze %dma_wait3A_211 : memref<1x1x96x96xf32, #tpu.memory_space<vmem>> -> memref<1x96x96xf32, #tpu.memory_space<vmem>>
    %dma_wait3A_213 = arith.constant 0 : i32
    %dma_wait3A_214 = arith.constant 0 : i32
    %dma_wait3A_215 = tpu.memref_slice %arg3[%add3A_190, %dma_wait3A_213, %dma_wait3A_214] : memref<1536x96x96xf32, #tpu.memory_space<hbm>> -> memref<1x96x96xf32, #tpu.memory_space<hbm>>
    %dma_wait3A_216 = arith.constant 0 : i32
    %dma_wait3A_217 = arith.constant 0 : i32
    %dma_wait3A_218 = arith.constant 0 : i32
    %dma_wait3A_219 = tpu.memref_slice %arg6[%dma_wait3A_207, %dma_wait3A_216, %dma_wait3A_217, %dma_wait3A_218] : memref<5x1x96x96xf32, #tpu.memory_space<vmem>> -> memref<1x1x96x96xf32, #tpu.memory_space<vmem>>
    %dma_wait3A_220 = tpu.memref_squeeze %dma_wait3A_219 : memref<1x1x96x96xf32, #tpu.memory_space<vmem>> -> memref<1x96x96xf32, #tpu.memory_space<vmem>>
    %dma_wait3A_221 = arith.constant 0 : i32
    %dma_wait3A_222 = arith.constant 0 : i32
    %dma_wait3A_223 = tpu.memref_slice %arg3[%add3A_190, %dma_wait3A_221, %dma_wait3A_222] : memref<1536x96x96xf32, #tpu.memory_space<hbm>> -> memref<1x96x96xf32, #tpu.memory_space<hbm>>
    tpu.wait_dma2 semaphore(%arg9 : memref<!tpu.dma_semaphore, #tpu.memory_space<semaphore_mem>>) src(%dma_wait3A_223 : memref<1x96x96xf32, #tpu.memory_space<hbm>>) dst(%dma_wait3A_220 : memref<1x96x96xf32, #tpu.memory_space<vmem>>)
    %scan3A_224 = arith.constant 0 : i32
    %scan3A_225 = arith.constant 96 : i32
    %scan3A_226 = arith.addi %scan3A_224, %scan3A_225 : i32
    %scan3A_227 = arith.constant 1 : i32
    %scan3A_228:5 = scf.for %scan3A_648 = %scan3A_224 to %scan3A_226 step %scan3A_227 iter_args(%scan3A_649 = %broadcast_in_dim3A_38, %scan3A_650 = %broadcast_in_dim3A_38, %scan3A_651 = %broadcast_in_dim3A_38, %scan3A_652 = %broadcast_in_dim3A_38, %scan3A_653 = %broadcast_in_dim3A_38) -> (vector<16xf32>, vector<16xf32>, vector<16xf32>, vector<16xf32>, vector<16xf32>)  : i32 {
      %get3A = arith.constant 0 : i32
      %get3A_654 = arith.constant 0 : i32
      %get3A_655 = arith.index_cast %get3A : i32 to index
      %get3A_656 = arith.index_cast %get3A_654 : i32 to index
      %get3A_657 = arith.index_cast %scan3A_648 : i32 to index
      %get3A_658 = arith.constant 0 : index
      %get3A_659 = tpu.vector_load %arg5[%get3A_655, %get3A_656, %get3A_657, %get3A_658] {strides = array<i32>} : memref<5x1x96x96xf32, #tpu.memory_space<vmem>>, vector<1x1x1x16xf32>,
      %get3A_660 = vector.shape_cast %get3A_659 : vector<1x1x1x16xf32> to vector<16xf32>
      %get3A_661 = arith.constant 0 : i32
      %get3A_662 = arith.constant 0 : i32
      %get3A_663 = arith.index_cast %get3A_661 : i32 to index
      %get3A_664 = arith.index_cast %get3A_662 : i32 to index
      %get3A_665 = arith.index_cast %scan3A_648 : i32 to index
      %get3A_666 = arith.constant 0 : index
      %get3A_667 = tpu.vector_load %arg6[%get3A_663, %get3A_664, %get3A_665, %get3A_666] {strides = array<i32>} : memref<5x1x96x96xf32, #tpu.memory_space<vmem>>, vector<1x1x1x16xf32>,
      %get3A_668 = vector.shape_cast %get3A_667 : vector<1x1x1x16xf32> to vector<16xf32>
      %gt3A = arith.constant 5.000000e-01 : f32
      %gt3A_669 = vector.broadcast %gt3A : f32 to vector<16xf32>
      %gt3A_670 = arith.cmpf ogt, %get3A_668, %gt3A_669 : vector<16xf32>
      %select_n3A_671 = arith.select %gt3A_670, %broadcast_in_dim3A_40, %broadcast_in_dim3A_38 : vector<16xi1>, vector<16xf32>
      %select_n3A_672 = arith.select %gt3A_670, %get3A_660, %broadcast_in_dim3A_38 : vector<16xi1>, vector<16xf32>
      %select_n3A_673 = arith.select %gt3A_670, %get3A_668, %broadcast_in_dim3A_38 : vector<16xi1>, vector<16xf32>
      %get3A_674 = arith.constant 0 : i32
      %get3A_675 = arith.constant 0 : i32
      %get3A_676 = arith.index_cast %get3A_674 : i32 to index
      %get3A_677 = arith.index_cast %get3A_675 : i32 to index
      %get3A_678 = arith.index_cast %scan3A_648 : i32 to index
      %get3A_679 = arith.constant 16 : index
      %get3A_680 = tpu.vector_load %arg5[%get3A_676, %get3A_677, %get3A_678, %get3A_679] {strides = array<i32>} : memref<5x1x96x96xf32, #tpu.memory_space<vmem>>, vector<1x1x1x16xf32>,
      %get3A_681 = vector.shape_cast %get3A_680 : vector<1x1x1x16xf32> to vector<16xf32>
      %get3A_682 = arith.constant 0 : i32
      %get3A_683 = arith.constant 0 : i32
      %get3A_684 = arith.index_cast %get3A_682 : i32 to index
      %get3A_685 = arith.index_cast %get3A_683 : i32 to index
      %get3A_686 = arith.index_cast %scan3A_648 : i32 to index
      %get3A_687 = arith.constant 16 : index
      %get3A_688 = tpu.vector_load %arg6[%get3A_684, %get3A_685, %get3A_686, %get3A_687] {strides = array<i32>} : memref<5x1x96x96xf32, #tpu.memory_space<vmem>>, vector<1x1x1x16xf32>,
      %get3A_689 = vector.shape_cast %get3A_688 : vector<1x1x1x16xf32> to vector<16xf32>
      %gt3A_690 = arith.constant 5.000000e-01 : f32
      %gt3A_691 = vector.broadcast %gt3A_690 : f32 to vector<16xf32>
      %gt3A_692 = arith.cmpf ogt, %get3A_689, %gt3A_691 : vector<16xf32>
      %select_n3A_693 = arith.select %gt3A_692, %broadcast_in_dim3A_40, %broadcast_in_dim3A_38 : vector<16xi1>, vector<16xf32>
      %select_n3A_694 = arith.select %gt3A_692, %get3A_681, %broadcast_in_dim3A_38 : vector<16xi1>, vector<16xf32>
      %select_n3A_695 = arith.select %gt3A_692, %get3A_689, %broadcast_in_dim3A_38 : vector<16xi1>, vector<16xf32>
      %get3A_696 = arith.constant 0 : i32
      %get3A_697 = arith.constant 0 : i32
      %get3A_698 = arith.index_cast %get3A_696 : i32 to index
      %get3A_699 = arith.index_cast %get3A_697 : i32 to index
      %get3A_700 = arith.index_cast %scan3A_648 : i32 to index
      %get3A_701 = arith.constant 32 : index
      %get3A_702 = tpu.vector_load %arg5[%get3A_698, %get3A_699, %get3A_700, %get3A_701] {strides = array<i32>} : memref<5x1x96x96xf32, #tpu.memory_space<vmem>>, vector<1x1x1x16xf32>,
      %get3A_703 = vector.shape_cast %get3A_702 : vector<1x1x1x16xf32> to vector<16xf32>
      %get3A_704 = arith.constant 0 : i32
      %get3A_705 = arith.constant 0 : i32
      %get3A_706 = arith.index_cast %get3A_704 : i32 to index
      %get3A_707 = arith.index_cast %get3A_705 : i32 to index
      %get3A_708 = arith.index_cast %scan3A_648 : i32 to index
      %get3A_709 = arith.constant 32 : index
      %get3A_710 = tpu.vector_load %arg6[%get3A_706, %get3A_707, %get3A_708, %get3A_709] {strides = array<i32>} : memref<5x1x96x96xf32, #tpu.memory_space<vmem>>, vector<1x1x1x16xf32>,
      %get3A_711 = vector.shape_cast %get3A_710 : vector<1x1x1x16xf32> to vector<16xf32>
      %gt3A_712 = arith.constant 5.000000e-01 : f32
      %gt3A_713 = vector.broadcast %gt3A_712 : f32 to vector<16xf32>
      %gt3A_714 = arith.cmpf ogt, %get3A_711, %gt3A_713 : vector<16xf32>
      %select_n3A_715 = arith.select %gt3A_714, %broadcast_in_dim3A_40, %broadcast_in_dim3A_38 : vector<16xi1>, vector<16xf32>
      %select_n3A_716 = arith.select %gt3A_714, %get3A_703, %broadcast_in_dim3A_38 : vector<16xi1>, vector<16xf32>
      %select_n3A_717 = arith.select %gt3A_714, %get3A_711, %broadcast_in_dim3A_38 : vector<16xi1>, vector<16xf32>
      %get3A_718 = arith.constant 0 : i32
      %get3A_719 = arith.constant 0 : i32
      %get3A_720 = arith.index_cast %get3A_718 : i32 to index
      %get3A_721 = arith.index_cast %get3A_719 : i32 to index
      %get3A_722 = arith.index_cast %scan3A_648 : i32 to index
      %get3A_723 = arith.constant 48 : index
      %get3A_724 = tpu.vector_load %arg5[%get3A_720, %get3A_721, %get3A_722, %get3A_723] {strides = array<i32>} : memref<5x1x96x96xf32, #tpu.memory_space<vmem>>, vector<1x1x1x16xf32>,
      %get3A_725 = vector.shape_cast %get3A_724 : vector<1x1x1x16xf32> to vector<16xf32>
      %get3A_726 = arith.constant 0 : i32
      %get3A_727 = arith.constant 0 : i32
      %get3A_728 = arith.index_cast %get3A_726 : i32 to index
      %get3A_729 = arith.index_cast %get3A_727 : i32 to index
      %get3A_730 = arith.index_cast %scan3A_648 : i32 to index
      %get3A_731 = arith.constant 48 : index
      %get3A_732 = tpu.vector_load %arg6[%get3A_728, %get3A_729, %get3A_730, %get3A_731] {strides = array<i32>} : memref<5x1x96x96xf32, #tpu.memory_space<vmem>>, vector<1x1x1x16xf32>,
      %get3A_733 = vector.shape_cast %get3A_732 : vector<1x1x1x16xf32> to vector<16xf32>
      %gt3A_734 = arith.constant 5.000000e-01 : f32
      %gt3A_735 = vector.broadcast %gt3A_734 : f32 to vector<16xf32>
      %gt3A_736 = arith.cmpf ogt, %get3A_733, %gt3A_735 : vector<16xf32>
      %select_n3A_737 = arith.select %gt3A_736, %broadcast_in_dim3A_40, %broadcast_in_dim3A_38 : vector<16xi1>, vector<16xf32>
      %select_n3A_738 = arith.select %gt3A_736, %get3A_725, %broadcast_in_dim3A_38 : vector<16xi1>, vector<16xf32>
      %select_n3A_739 = arith.select %gt3A_736, %get3A_733, %broadcast_in_dim3A_38 : vector<16xi1>, vector<16xf32>
      %get3A_740 = arith.constant 0 : i32
      %get3A_741 = arith.constant 0 : i32
      %get3A_742 = arith.index_cast %get3A_740 : i32 to index
      %get3A_743 = arith.index_cast %get3A_741 : i32 to index
      %get3A_744 = arith.index_cast %scan3A_648 : i32 to index
      %get3A_745 = arith.constant 64 : index
      %get3A_746 = tpu.vector_load %arg5[%get3A_742, %get3A_743, %get3A_744, %get3A_745] {strides = array<i32>} : memref<5x1x96x96xf32, #tpu.memory_space<vmem>>, vector<1x1x1x16xf32>,
      %get3A_747 = vector.shape_cast %get3A_746 : vector<1x1x1x16xf32> to vector<16xf32>
      %get3A_748 = arith.constant 0 : i32
      %get3A_749 = arith.constant 0 : i32
      %get3A_750 = arith.index_cast %get3A_748 : i32 to index
      %get3A_751 = arith.index_cast %get3A_749 : i32 to index
      %get3A_752 = arith.index_cast %scan3A_648 : i32 to index
      %get3A_753 = arith.constant 64 : index
      %get3A_754 = tpu.vector_load %arg6[%get3A_750, %get3A_751, %get3A_752, %get3A_753] {strides = array<i32>} : memref<5x1x96x96xf32, #tpu.memory_space<vmem>>, vector<1x1x1x16xf32>,
      %get3A_755 = vector.shape_cast %get3A_754 : vector<1x1x1x16xf32> to vector<16xf32>
      %gt3A_756 = arith.constant 5.000000e-01 : f32
      %gt3A_757 = vector.broadcast %gt3A_756 : f32 to vector<16xf32>
      %gt3A_758 = arith.cmpf ogt, %get3A_755, %gt3A_757 : vector<16xf32>
      %select_n3A_759 = arith.select %gt3A_758, %broadcast_in_dim3A_40, %broadcast_in_dim3A_38 : vector<16xi1>, vector<16xf32>
      %select_n3A_760 = arith.select %gt3A_758, %get3A_747, %broadcast_in_dim3A_38 : vector<16xi1>, vector<16xf32>
      %select_n3A_761 = arith.select %gt3A_758, %get3A_755, %broadcast_in_dim3A_38 : vector<16xi1>, vector<16xf32>
      %get3A_762 = arith.constant 0 : i32
      %get3A_763 = arith.constant 0 : i32
      %get3A_764 = arith.index_cast %get3A_762 : i32 to index
      %get3A_765 = arith.index_cast %get3A_763 : i32 to index
      %get3A_766 = arith.index_cast %scan3A_648 : i32 to index
      %get3A_767 = arith.constant 80 : index
      %get3A_768 = tpu.vector_load %arg5[%get3A_764, %get3A_765, %get3A_766, %get3A_767] {strides = array<i32>} : memref<5x1x96x96xf32, #tpu.memory_space<vmem>>, vector<1x1x1x16xf32>,
      %get3A_769 = vector.shape_cast %get3A_768 : vector<1x1x1x16xf32> to vector<16xf32>
      %get3A_770 = arith.constant 0 : i32
      %get3A_771 = arith.constant 0 : i32
      %get3A_772 = arith.index_cast %get3A_770 : i32 to index
      %get3A_773 = arith.index_cast %get3A_771 : i32 to index
      %get3A_774 = arith.index_cast %scan3A_648 : i32 to index
      %get3A_775 = arith.constant 80 : index
      %get3A_776 = tpu.vector_load %arg6[%get3A_772, %get3A_773, %get3A_774, %get3A_775] {strides = array<i32>} : memref<5x1x96x96xf32, #tpu.memory_space<vmem>>, vector<1x1x1x16xf32>,
      %get3A_777 = vector.shape_cast %get3A_776 : vector<1x1x1x16xf32> to vector<16xf32>
      %gt3A_778 = arith.constant 5.000000e-01 : f32
      %gt3A_779 = vector.broadcast %gt3A_778 : f32 to vector<16xf32>
      %gt3A_780 = arith.cmpf ogt, %get3A_777, %gt3A_779 : vector<16xf32>
      %select_n3A_781 = arith.select %gt3A_780, %broadcast_in_dim3A_40, %broadcast_in_dim3A_38 : vector<16xi1>, vector<16xf32>
      %select_n3A_782 = arith.select %gt3A_780, %get3A_769, %broadcast_in_dim3A_38 : vector<16xi1>, vector<16xf32>
      %select_n3A_783 = arith.select %gt3A_780, %get3A_777, %broadcast_in_dim3A_38 : vector<16xi1>, vector<16xf32>
      %add3A_784 = arith.addf %select_n3A_671, %select_n3A_693 : vector<16xf32>
      %add3A_785 = arith.addf %select_n3A_715, %select_n3A_737 : vector<16xf32>
      %add3A_786 = arith.addf %select_n3A_759, %select_n3A_781 : vector<16xf32>
      %add3A_787 = arith.addf %add3A_784, %add3A_785 : vector<16xf32>
      %add3A_788 = arith.addf %add3A_787, %add3A_786 : vector<16xf32>
      %add3A_789 = arith.addf %scan3A_649, %add3A_788 : vector<16xf32>
      %add3A_790 = arith.addf %select_n3A_672, %select_n3A_694 : vector<16xf32>
      %add3A_791 = arith.addf %select_n3A_716, %select_n3A_738 : vector<16xf32>
      %add3A_792 = arith.addf %select_n3A_760, %select_n3A_782 : vector<16xf32>
      %add3A_793 = arith.addf %add3A_790, %add3A_791 : vector<16xf32>
      %add3A_794 = arith.addf %add3A_793, %add3A_792 : vector<16xf32>
      %add3A_795 = arith.addf %scan3A_650, %add3A_794 : vector<16xf32>
      %add3A_796 = arith.addf %select_n3A_673, %select_n3A_695 : vector<16xf32>
      %add3A_797 = arith.addf %select_n3A_717, %select_n3A_739 : vector<16xf32>
      %add3A_798 = arith.addf %select_n3A_761, %select_n3A_783 : vector<16xf32>
      %add3A_799 = arith.addf %add3A_796, %add3A_797 : vector<16xf32>
      %add3A_800 = arith.addf %add3A_799, %add3A_798 : vector<16xf32>
      %add3A_801 = arith.addf %scan3A_651, %add3A_800 : vector<16xf32>
      %add3A_802 = arith.addf %get3A_660, %get3A_681 : vector<16xf32>
      %add3A_803 = arith.addf %get3A_703, %get3A_725 : vector<16xf32>
      %add3A_804 = arith.addf %get3A_747, %get3A_769 : vector<16xf32>
      %add3A_805 = arith.addf %add3A_802, %add3A_803 : vector<16xf32>
      %add3A_806 = arith.addf %add3A_805, %add3A_804 : vector<16xf32>
      %add3A_807 = arith.addf %scan3A_652, %add3A_806 : vector<16xf32>
      %add3A_808 = arith.addf %get3A_668, %get3A_689 : vector<16xf32>
      %add3A_809 = arith.addf %get3A_711, %get3A_733 : vector<16xf32>
      %add3A_810 = arith.addf %get3A_755, %get3A_777 : vector<16xf32>
      %add3A_811 = arith.addf %add3A_808, %add3A_809 : vector<16xf32>
      %add3A_812 = arith.addf %add3A_811, %add3A_810 : vector<16xf32>
      %add3A_813 = arith.addf %scan3A_653, %add3A_812 : vector<16xf32>
      scf.yield %add3A_789, %add3A_795, %add3A_801, %add3A_807, %add3A_813 : vector<16xf32>, vector<16xf32>, vector<16xf32>, vector<16xf32>, vector<16xf32>
    }
    %scan3A_229 = arith.constant 96 : i32
    %add3A_230 = arith.addf %scan3A_187#0, %scan3A_228#0 : vector<16xf32>
    %add3A_231 = arith.addf %scan3A_187#1, %scan3A_228#1 : vector<16xf32>
    %add3A_232 = arith.addf %scan3A_187#2, %scan3A_228#2 : vector<16xf32>
    %add3A_233 = arith.addf %scan3A_187#3, %scan3A_228#3 : vector<16xf32>
    %add3A_234 = arith.addf %scan3A_187#4, %scan3A_228#4 : vector<16xf32>
    %swap3A = arith.constant 0 : i32
    %swap3A_235 = arith.index_cast %swap3A : i32 to index
    %swap3A_236 = arith.constant 0 : index
    %swap3A_237 = tpu.vector_load %arg7[%swap3A_235, %swap3A_236] {strides = array<i32>} : memref<8x128xf32, #tpu.memory_space<vmem>>, vector<1x16xf32>,
    %swap3A_238 = vector.shape_cast %swap3A_237 : vector<1x16xf32> to vector<16xf32>
    %swap3A_239 = vector.shape_cast %broadcast_in_dim3A_38 : vector<16xf32> to vector<1x16xf32>
    tpu.vector_store %arg7[%swap3A_235, %swap3A_236], %swap3A_239 {strides = array<i32>} : memref<8x128xf32, #tpu.memory_space<vmem>>, vector<1x16xf32>,
    %swap3A_240 = arith.constant 0 : i32
    %swap3A_241 = arith.index_cast %swap3A_240 : i32 to index
    %swap3A_242 = arith.constant 16 : index
    %swap3A_243 = tpu.vector_load %arg7[%swap3A_241, %swap3A_242] {strides = array<i32>} : memref<8x128xf32, #tpu.memory_space<vmem>>, vector<1x16xf32>,
    %swap3A_244 = vector.shape_cast %swap3A_243 : vector<1x16xf32> to vector<16xf32>
    %swap3A_245 = vector.shape_cast %broadcast_in_dim3A_38 : vector<16xf32> to vector<1x16xf32>
    tpu.vector_store %arg7[%swap3A_241, %swap3A_242], %swap3A_245 {strides = array<i32>} : memref<8x128xf32, #tpu.memory_space<vmem>>, vector<1x16xf32>,
    %swap3A_246 = arith.constant 0 : i32
    %swap3A_247 = arith.index_cast %swap3A_246 : i32 to index
    %swap3A_248 = arith.constant 32 : index
    %swap3A_249 = tpu.vector_load %arg7[%swap3A_247, %swap3A_248] {strides = array<i32>} : memref<8x128xf32, #tpu.memory_space<vmem>>, vector<1x16xf32>,
    %swap3A_250 = vector.shape_cast %swap3A_249 : vector<1x16xf32> to vector<16xf32>
    %swap3A_251 = vector.shape_cast %broadcast_in_dim3A_38 : vector<16xf32> to vector<1x16xf32>
    tpu.vector_store %arg7[%swap3A_247, %swap3A_248], %swap3A_251 {strides = array<i32>} : memref<8x128xf32, #tpu.memory_space<vmem>>, vector<1x16xf32>,
    %swap3A_252 = arith.constant 0 : i32
    %swap3A_253 = arith.index_cast %swap3A_252 : i32 to index
    %swap3A_254 = arith.constant 48 : index
    %swap3A_255 = tpu.vector_load %arg7[%swap3A_253, %swap3A_254] {strides = array<i32>} : memref<8x128xf32, #tpu.memory_space<vmem>>, vector<1x16xf32>,
    %swap3A_256 = vector.shape_cast %swap3A_255 : vector<1x16xf32> to vector<16xf32>
    %swap3A_257 = vector.shape_cast %broadcast_in_dim3A_38 : vector<16xf32> to vector<1x16xf32>
    tpu.vector_store %arg7[%swap3A_253, %swap3A_254], %swap3A_257 {strides = array<i32>} : memref<8x128xf32, #tpu.memory_space<vmem>>, vector<1x16xf32>,
    %swap3A_258 = arith.constant 0 : i32
    %swap3A_259 = arith.index_cast %swap3A_258 : i32 to index
    %swap3A_260 = arith.constant 64 : index
    %swap3A_261 = tpu.vector_load %arg7[%swap3A_259, %swap3A_260] {strides = array<i32>} : memref<8x128xf32, #tpu.memory_space<vmem>>, vector<1x16xf32>,
    %swap3A_262 = vector.shape_cast %swap3A_261 : vector<1x16xf32> to vector<16xf32>
    %swap3A_263 = vector.shape_cast %broadcast_in_dim3A_38 : vector<16xf32> to vector<1x16xf32>
    tpu.vector_store %arg7[%swap3A_259, %swap3A_260], %swap3A_263 {strides = array<i32>} : memref<8x128xf32, #tpu.memory_space<vmem>>, vector<1x16xf32>,
    %swap3A_264 = arith.constant 0 : i32
    %swap3A_265 = arith.index_cast %swap3A_264 : i32 to index
    %swap3A_266 = arith.constant 80 : index
    %swap3A_267 = tpu.vector_load %arg7[%swap3A_265, %swap3A_266] {strides = array<i32>} : memref<8x128xf32, #tpu.memory_space<vmem>>, vector<1x16xf32>,
    %swap3A_268 = vector.shape_cast %swap3A_267 : vector<1x16xf32> to vector<16xf32>
    %swap3A_269 = vector.shape_cast %broadcast_in_dim3A_38 : vector<16xf32> to vector<1x16xf32>
    tpu.vector_store %arg7[%swap3A_265, %swap3A_266], %swap3A_269 {strides = array<i32>} : memref<8x128xf32, #tpu.memory_space<vmem>>, vector<1x16xf32>,
    %swap3A_270 = arith.constant 0 : i32
    %swap3A_271 = arith.index_cast %swap3A_270 : i32 to index
    %swap3A_272 = arith.constant 96 : index
    %swap3A_273 = tpu.vector_load %arg7[%swap3A_271, %swap3A_272] {strides = array<i32>} : memref<8x128xf32, #tpu.memory_space<vmem>>, vector<1x16xf32>,
    %swap3A_274 = vector.shape_cast %swap3A_273 : vector<1x16xf32> to vector<16xf32>
    %swap3A_275 = vector.shape_cast %broadcast_in_dim3A_38 : vector<16xf32> to vector<1x16xf32>
    tpu.vector_store %arg7[%swap3A_271, %swap3A_272], %swap3A_275 {strides = array<i32>} : memref<8x128xf32, #tpu.memory_space<vmem>>, vector<1x16xf32>,
    %swap3A_276 = arith.constant 0 : i32
    %swap3A_277 = arith.index_cast %swap3A_276 : i32 to index
    %swap3A_278 = arith.constant 112 : index
    %swap3A_279 = tpu.vector_load %arg7[%swap3A_277, %swap3A_278] {strides = array<i32>} : memref<8x128xf32, #tpu.memory_space<vmem>>, vector<1x16xf32>,
    %swap3A_280 = vector.shape_cast %swap3A_279 : vector<1x16xf32> to vector<16xf32>
    %swap3A_281 = vector.shape_cast %broadcast_in_dim3A_38 : vector<16xf32> to vector<1x16xf32>
    tpu.vector_store %arg7[%swap3A_277, %swap3A_278], %swap3A_281 {strides = array<i32>} : memref<8x128xf32, #tpu.memory_space<vmem>>, vector<1x16xf32>,
    %swap3A_282 = arith.constant 1 : i32
    %swap3A_283 = arith.index_cast %swap3A_282 : i32 to index
    %swap3A_284 = arith.constant 0 : index
    %swap3A_285 = tpu.vector_load %arg7[%swap3A_283, %swap3A_284] {strides = array<i32>} : memref<8x128xf32, #tpu.memory_space<vmem>>, vector<1x16xf32>,
    %swap3A_286 = vector.shape_cast %swap3A_285 : vector<1x16xf32> to vector<16xf32>
    %swap3A_287 = vector.shape_cast %broadcast_in_dim3A_38 : vector<16xf32> to vector<1x16xf32>
    tpu.vector_store %arg7[%swap3A_283, %swap3A_284], %swap3A_287 {strides = array<i32>} : memref<8x128xf32, #tpu.memory_space<vmem>>, vector<1x16xf32>,
    %swap3A_288 = arith.constant 1 : i32
    %swap3A_289 = arith.index_cast %swap3A_288 : i32 to index
    %swap3A_290 = arith.constant 16 : index
    %swap3A_291 = tpu.vector_load %arg7[%swap3A_289, %swap3A_290] {strides = array<i32>} : memref<8x128xf32, #tpu.memory_space<vmem>>, vector<1x16xf32>,
    %swap3A_292 = vector.shape_cast %swap3A_291 : vector<1x16xf32> to vector<16xf32>
    %swap3A_293 = vector.shape_cast %broadcast_in_dim3A_38 : vector<16xf32> to vector<1x16xf32>
    tpu.vector_store %arg7[%swap3A_289, %swap3A_290], %swap3A_293 {strides = array<i32>} : memref<8x128xf32, #tpu.memory_space<vmem>>, vector<1x16xf32>,
    %swap3A_294 = arith.constant 1 : i32
    %swap3A_295 = arith.index_cast %swap3A_294 : i32 to index
    %swap3A_296 = arith.constant 32 : index
    %swap3A_297 = tpu.vector_load %arg7[%swap3A_295, %swap3A_296] {strides = array<i32>} : memref<8x128xf32, #tpu.memory_space<vmem>>, vector<1x16xf32>,
    %swap3A_298 = vector.shape_cast %swap3A_297 : vector<1x16xf32> to vector<16xf32>
    %swap3A_299 = vector.shape_cast %broadcast_in_dim3A_38 : vector<16xf32> to vector<1x16xf32>
    tpu.vector_store %arg7[%swap3A_295, %swap3A_296], %swap3A_299 {strides = array<i32>} : memref<8x128xf32, #tpu.memory_space<vmem>>, vector<1x16xf32>,
    %swap3A_300 = arith.constant 1 : i32
    %swap3A_301 = arith.index_cast %swap3A_300 : i32 to index
    %swap3A_302 = arith.constant 48 : index
    %swap3A_303 = tpu.vector_load %arg7[%swap3A_301, %swap3A_302] {strides = array<i32>} : memref<8x128xf32, #tpu.memory_space<vmem>>, vector<1x16xf32>,
    %swap3A_304 = vector.shape_cast %swap3A_303 : vector<1x16xf32> to vector<16xf32>
    %swap3A_305 = vector.shape_cast %broadcast_in_dim3A_38 : vector<16xf32> to vector<1x16xf32>
    tpu.vector_store %arg7[%swap3A_301, %swap3A_302], %swap3A_305 {strides = array<i32>} : memref<8x128xf32, #tpu.memory_space<vmem>>, vector<1x16xf32>,
    %swap3A_306 = arith.constant 1 : i32
    %swap3A_307 = arith.index_cast %swap3A_306 : i32 to index
    %swap3A_308 = arith.constant 64 : index
    %swap3A_309 = tpu.vector_load %arg7[%swap3A_307, %swap3A_308] {strides = array<i32>} : memref<8x128xf32, #tpu.memory_space<vmem>>, vector<1x16xf32>,
    %swap3A_310 = vector.shape_cast %swap3A_309 : vector<1x16xf32> to vector<16xf32>
    %swap3A_311 = vector.shape_cast %broadcast_in_dim3A_38 : vector<16xf32> to vector<1x16xf32>
    tpu.vector_store %arg7[%swap3A_307, %swap3A_308], %swap3A_311 {strides = array<i32>} : memref<8x128xf32, #tpu.memory_space<vmem>>, vector<1x16xf32>,
    %swap3A_312 = arith.constant 1 : i32
    %swap3A_313 = arith.index_cast %swap3A_312 : i32 to index
    %swap3A_314 = arith.constant 80 : index
    %swap3A_315 = tpu.vector_load %arg7[%swap3A_313, %swap3A_314] {strides = array<i32>} : memref<8x128xf32, #tpu.memory_space<vmem>>, vector<1x16xf32>,
    %swap3A_316 = vector.shape_cast %swap3A_315 : vector<1x16xf32> to vector<16xf32>
    %swap3A_317 = vector.shape_cast %broadcast_in_dim3A_38 : vector<16xf32> to vector<1x16xf32>
    tpu.vector_store %arg7[%swap3A_313, %swap3A_314], %swap3A_317 {strides = array<i32>} : memref<8x128xf32, #tpu.memory_space<vmem>>, vector<1x16xf32>,
    %swap3A_318 = arith.constant 1 : i32
    %swap3A_319 = arith.index_cast %swap3A_318 : i32 to index
    %swap3A_320 = arith.constant 96 : index
    %swap3A_321 = tpu.vector_load %arg7[%swap3A_319, %swap3A_320] {strides = array<i32>} : memref<8x128xf32, #tpu.memory_space<vmem>>, vector<1x16xf32>,
    %swap3A_322 = vector.shape_cast %swap3A_321 : vector<1x16xf32> to vector<16xf32>
    %swap3A_323 = vector.shape_cast %broadcast_in_dim3A_38 : vector<16xf32> to vector<1x16xf32>
    tpu.vector_store %arg7[%swap3A_319, %swap3A_320], %swap3A_323 {strides = array<i32>} : memref<8x128xf32, #tpu.memory_space<vmem>>, vector<1x16xf32>,
    %swap3A_324 = arith.constant 1 : i32
    %swap3A_325 = arith.index_cast %swap3A_324 : i32 to index
    %swap3A_326 = arith.constant 112 : index
    %swap3A_327 = tpu.vector_load %arg7[%swap3A_325, %swap3A_326] {strides = array<i32>} : memref<8x128xf32, #tpu.memory_space<vmem>>, vector<1x16xf32>,
    %swap3A_328 = vector.shape_cast %swap3A_327 : vector<1x16xf32> to vector<16xf32>
    %swap3A_329 = vector.shape_cast %broadcast_in_dim3A_38 : vector<16xf32> to vector<1x16xf32>
    tpu.vector_store %arg7[%swap3A_325, %swap3A_326], %swap3A_329 {strides = array<i32>} : memref<8x128xf32, #tpu.memory_space<vmem>>, vector<1x16xf32>,
    %swap3A_330 = arith.constant 2 : i32
    %swap3A_331 = arith.index_cast %swap3A_330 : i32 to index
    %swap3A_332 = arith.constant 0 : index
    %swap3A_333 = tpu.vector_load %arg7[%swap3A_331, %swap3A_332] {strides = array<i32>} : memref<8x128xf32, #tpu.memory_space<vmem>>, vector<1x16xf32>,
    %swap3A_334 = vector.shape_cast %swap3A_333 : vector<1x16xf32> to vector<16xf32>
    %swap3A_335 = vector.shape_cast %broadcast_in_dim3A_38 : vector<16xf32> to vector<1x16xf32>
    tpu.vector_store %arg7[%swap3A_331, %swap3A_332], %swap3A_335 {strides = array<i32>} : memref<8x128xf32, #tpu.memory_space<vmem>>, vector<1x16xf32>,
    %swap3A_336 = arith.constant 2 : i32
    %swap3A_337 = arith.index_cast %swap3A_336 : i32 to index
    %swap3A_338 = arith.constant 16 : index
    %swap3A_339 = tpu.vector_load %arg7[%swap3A_337, %swap3A_338] {strides = array<i32>} : memref<8x128xf32, #tpu.memory_space<vmem>>, vector<1x16xf32>,
    %swap3A_340 = vector.shape_cast %swap3A_339 : vector<1x16xf32> to vector<16xf32>
    %swap3A_341 = vector.shape_cast %broadcast_in_dim3A_38 : vector<16xf32> to vector<1x16xf32>
    tpu.vector_store %arg7[%swap3A_337, %swap3A_338], %swap3A_341 {strides = array<i32>} : memref<8x128xf32, #tpu.memory_space<vmem>>, vector<1x16xf32>,
    %swap3A_342 = arith.constant 2 : i32
    %swap3A_343 = arith.index_cast %swap3A_342 : i32 to index
    %swap3A_344 = arith.constant 32 : index
    %swap3A_345 = tpu.vector_load %arg7[%swap3A_343, %swap3A_344] {strides = array<i32>} : memref<8x128xf32, #tpu.memory_space<vmem>>, vector<1x16xf32>,
    %swap3A_346 = vector.shape_cast %swap3A_345 : vector<1x16xf32> to vector<16xf32>
    %swap3A_347 = vector.shape_cast %broadcast_in_dim3A_38 : vector<16xf32> to vector<1x16xf32>
    tpu.vector_store %arg7[%swap3A_343, %swap3A_344], %swap3A_347 {strides = array<i32>} : memref<8x128xf32, #tpu.memory_space<vmem>>, vector<1x16xf32>,
    %swap3A_348 = arith.constant 2 : i32
    %swap3A_349 = arith.index_cast %swap3A_348 : i32 to index
    %swap3A_350 = arith.constant 48 : index
    %swap3A_351 = tpu.vector_load %arg7[%swap3A_349, %swap3A_350] {strides = array<i32>} : memref<8x128xf32, #tpu.memory_space<vmem>>, vector<1x16xf32>,
    %swap3A_352 = vector.shape_cast %swap3A_351 : vector<1x16xf32> to vector<16xf32>
    %swap3A_353 = vector.shape_cast %broadcast_in_dim3A_38 : vector<16xf32> to vector<1x16xf32>
    tpu.vector_store %arg7[%swap3A_349, %swap3A_350], %swap3A_353 {strides = array<i32>} : memref<8x128xf32, #tpu.memory_space<vmem>>, vector<1x16xf32>,
    %swap3A_354 = arith.constant 2 : i32
    %swap3A_355 = arith.index_cast %swap3A_354 : i32 to index
    %swap3A_356 = arith.constant 64 : index
    %swap3A_357 = tpu.vector_load %arg7[%swap3A_355, %swap3A_356] {strides = array<i32>} : memref<8x128xf32, #tpu.memory_space<vmem>>, vector<1x16xf32>,
    %swap3A_358 = vector.shape_cast %swap3A_357 : vector<1x16xf32> to vector<16xf32>
    %swap3A_359 = vector.shape_cast %broadcast_in_dim3A_38 : vector<16xf32> to vector<1x16xf32>
    tpu.vector_store %arg7[%swap3A_355, %swap3A_356], %swap3A_359 {strides = array<i32>} : memref<8x128xf32, #tpu.memory_space<vmem>>, vector<1x16xf32>,
    %swap3A_360 = arith.constant 2 : i32
    %swap3A_361 = arith.index_cast %swap3A_360 : i32 to index
    %swap3A_362 = arith.constant 80 : index
    %swap3A_363 = tpu.vector_load %arg7[%swap3A_361, %swap3A_362] {strides = array<i32>} : memref<8x128xf32, #tpu.memory_space<vmem>>, vector<1x16xf32>,
    %swap3A_364 = vector.shape_cast %swap3A_363 : vector<1x16xf32> to vector<16xf32>
    %swap3A_365 = vector.shape_cast %broadcast_in_dim3A_38 : vector<16xf32> to vector<1x16xf32>
    tpu.vector_store %arg7[%swap3A_361, %swap3A_362], %swap3A_365 {strides = array<i32>} : memref<8x128xf32, #tpu.memory_space<vmem>>, vector<1x16xf32>,
    %swap3A_366 = arith.constant 2 : i32
    %swap3A_367 = arith.index_cast %swap3A_366 : i32 to index
    %swap3A_368 = arith.constant 96 : index
    %swap3A_369 = tpu.vector_load %arg7[%swap3A_367, %swap3A_368] {strides = array<i32>} : memref<8x128xf32, #tpu.memory_space<vmem>>, vector<1x16xf32>,
    %swap3A_370 = vector.shape_cast %swap3A_369 : vector<1x16xf32> to vector<16xf32>
    %swap3A_371 = vector.shape_cast %broadcast_in_dim3A_38 : vector<16xf32> to vector<1x16xf32>
    tpu.vector_store %arg7[%swap3A_367, %swap3A_368], %swap3A_371 {strides = array<i32>} : memref<8x128xf32, #tpu.memory_space<vmem>>, vector<1x16xf32>,
    %swap3A_372 = arith.constant 2 : i32
    %swap3A_373 = arith.index_cast %swap3A_372 : i32 to index
    %swap3A_374 = arith.constant 112 : index
    %swap3A_375 = tpu.vector_load %arg7[%swap3A_373, %swap3A_374] {strides = array<i32>} : memref<8x128xf32, #tpu.memory_space<vmem>>, vector<1x16xf32>,
    %swap3A_376 = vector.shape_cast %swap3A_375 : vector<1x16xf32> to vector<16xf32>
    %swap3A_377 = vector.shape_cast %broadcast_in_dim3A_38 : vector<16xf32> to vector<1x16xf32>
    tpu.vector_store %arg7[%swap3A_373, %swap3A_374], %swap3A_377 {strides = array<i32>} : memref<8x128xf32, #tpu.memory_space<vmem>>, vector<1x16xf32>,
    %swap3A_378 = arith.constant 3 : i32
    %swap3A_379 = arith.index_cast %swap3A_378 : i32 to index
    %swap3A_380 = arith.constant 0 : index
    %swap3A_381 = tpu.vector_load %arg7[%swap3A_379, %swap3A_380] {strides = array<i32>} : memref<8x128xf32, #tpu.memory_space<vmem>>, vector<1x16xf32>,
    %swap3A_382 = vector.shape_cast %swap3A_381 : vector<1x16xf32> to vector<16xf32>
    %swap3A_383 = vector.shape_cast %broadcast_in_dim3A_38 : vector<16xf32> to vector<1x16xf32>
    tpu.vector_store %arg7[%swap3A_379, %swap3A_380], %swap3A_383 {strides = array<i32>} : memref<8x128xf32, #tpu.memory_space<vmem>>, vector<1x16xf32>,
    %swap3A_384 = arith.constant 3 : i32
    %swap3A_385 = arith.index_cast %swap3A_384 : i32 to index
    %swap3A_386 = arith.constant 16 : index
    %swap3A_387 = tpu.vector_load %arg7[%swap3A_385, %swap3A_386] {strides = array<i32>} : memref<8x128xf32, #tpu.memory_space<vmem>>, vector<1x16xf32>,
    %swap3A_388 = vector.shape_cast %swap3A_387 : vector<1x16xf32> to vector<16xf32>
    %swap3A_389 = vector.shape_cast %broadcast_in_dim3A_38 : vector<16xf32> to vector<1x16xf32>
    tpu.vector_store %arg7[%swap3A_385, %swap3A_386], %swap3A_389 {strides = array<i32>} : memref<8x128xf32, #tpu.memory_space<vmem>>, vector<1x16xf32>,
    %swap3A_390 = arith.constant 3 : i32
    %swap3A_391 = arith.index_cast %swap3A_390 : i32 to index
    %swap3A_392 = arith.constant 32 : index
    %swap3A_393 = tpu.vector_load %arg7[%swap3A_391, %swap3A_392] {strides = array<i32>} : memref<8x128xf32, #tpu.memory_space<vmem>>, vector<1x16xf32>,
    %swap3A_394 = vector.shape_cast %swap3A_393 : vector<1x16xf32> to vector<16xf32>
    %swap3A_395 = vector.shape_cast %broadcast_in_dim3A_38 : vector<16xf32> to vector<1x16xf32>
    tpu.vector_store %arg7[%swap3A_391, %swap3A_392], %swap3A_395 {strides = array<i32>} : memref<8x128xf32, #tpu.memory_space<vmem>>, vector<1x16xf32>,
    %swap3A_396 = arith.constant 3 : i32
    %swap3A_397 = arith.index_cast %swap3A_396 : i32 to index
    %swap3A_398 = arith.constant 48 : index
    %swap3A_399 = tpu.vector_load %arg7[%swap3A_397, %swap3A_398] {strides = array<i32>} : memref<8x128xf32, #tpu.memory_space<vmem>>, vector<1x16xf32>,
    %swap3A_400 = vector.shape_cast %swap3A_399 : vector<1x16xf32> to vector<16xf32>
    %swap3A_401 = vector.shape_cast %broadcast_in_dim3A_38 : vector<16xf32> to vector<1x16xf32>
    tpu.vector_store %arg7[%swap3A_397, %swap3A_398], %swap3A_401 {strides = array<i32>} : memref<8x128xf32, #tpu.memory_space<vmem>>, vector<1x16xf32>,
    %swap3A_402 = arith.constant 3 : i32
    %swap3A_403 = arith.index_cast %swap3A_402 : i32 to index
    %swap3A_404 = arith.constant 64 : index
    %swap3A_405 = tpu.vector_load %arg7[%swap3A_403, %swap3A_404] {strides = array<i32>} : memref<8x128xf32, #tpu.memory_space<vmem>>, vector<1x16xf32>,
    %swap3A_406 = vector.shape_cast %swap3A_405 : vector<1x16xf32> to vector<16xf32>
    %swap3A_407 = vector.shape_cast %broadcast_in_dim3A_38 : vector<16xf32> to vector<1x16xf32>
    tpu.vector_store %arg7[%swap3A_403, %swap3A_404], %swap3A_407 {strides = array<i32>} : memref<8x128xf32, #tpu.memory_space<vmem>>, vector<1x16xf32>,
    %swap3A_408 = arith.constant 3 : i32
    %swap3A_409 = arith.index_cast %swap3A_408 : i32 to index
    %swap3A_410 = arith.constant 80 : index
    %swap3A_411 = tpu.vector_load %arg7[%swap3A_409, %swap3A_410] {strides = array<i32>} : memref<8x128xf32, #tpu.memory_space<vmem>>, vector<1x16xf32>,
    %swap3A_412 = vector.shape_cast %swap3A_411 : vector<1x16xf32> to vector<16xf32>
    %swap3A_413 = vector.shape_cast %broadcast_in_dim3A_38 : vector<16xf32> to vector<1x16xf32>
    tpu.vector_store %arg7[%swap3A_409, %swap3A_410], %swap3A_413 {strides = array<i32>} : memref<8x128xf32, #tpu.memory_space<vmem>>, vector<1x16xf32>,
    %swap3A_414 = arith.constant 3 : i32
    %swap3A_415 = arith.index_cast %swap3A_414 : i32 to index
    %swap3A_416 = arith.constant 96 : index
    %swap3A_417 = tpu.vector_load %arg7[%swap3A_415, %swap3A_416] {strides = array<i32>} : memref<8x128xf32, #tpu.memory_space<vmem>>, vector<1x16xf32>,
    %swap3A_418 = vector.shape_cast %swap3A_417 : vector<1x16xf32> to vector<16xf32>
    %swap3A_419 = vector.shape_cast %broadcast_in_dim3A_38 : vector<16xf32> to vector<1x16xf32>
    tpu.vector_store %arg7[%swap3A_415, %swap3A_416], %swap3A_419 {strides = array<i32>} : memref<8x128xf32, #tpu.memory_space<vmem>>, vector<1x16xf32>,
    %swap3A_420 = arith.constant 3 : i32
    %swap3A_421 = arith.index_cast %swap3A_420 : i32 to index
    %swap3A_422 = arith.constant 112 : index
    %swap3A_423 = tpu.vector_load %arg7[%swap3A_421, %swap3A_422] {strides = array<i32>} : memref<8x128xf32, #tpu.memory_space<vmem>>, vector<1x16xf32>,
    %swap3A_424 = vector.shape_cast %swap3A_423 : vector<1x16xf32> to vector<16xf32>
    %swap3A_425 = vector.shape_cast %broadcast_in_dim3A_38 : vector<16xf32> to vector<1x16xf32>
    tpu.vector_store %arg7[%swap3A_421, %swap3A_422], %swap3A_425 {strides = array<i32>} : memref<8x128xf32, #tpu.memory_space<vmem>>, vector<1x16xf32>,
    %swap3A_426 = arith.constant 4 : i32
    %swap3A_427 = arith.index_cast %swap3A_426 : i32 to index
    %swap3A_428 = arith.constant 0 : index
    %swap3A_429 = tpu.vector_load %arg7[%swap3A_427, %swap3A_428] {strides = array<i32>} : memref<8x128xf32, #tpu.memory_space<vmem>>, vector<1x16xf32>,
    %swap3A_430 = vector.shape_cast %swap3A_429 : vector<1x16xf32> to vector<16xf32>
    %swap3A_431 = vector.shape_cast %broadcast_in_dim3A_38 : vector<16xf32> to vector<1x16xf32>
    tpu.vector_store %arg7[%swap3A_427, %swap3A_428], %swap3A_431 {strides = array<i32>} : memref<8x128xf32, #tpu.memory_space<vmem>>, vector<1x16xf32>,
    %swap3A_432 = arith.constant 4 : i32
    %swap3A_433 = arith.index_cast %swap3A_432 : i32 to index
    %swap3A_434 = arith.constant 16 : index
    %swap3A_435 = tpu.vector_load %arg7[%swap3A_433, %swap3A_434] {strides = array<i32>} : memref<8x128xf32, #tpu.memory_space<vmem>>, vector<1x16xf32>,
    %swap3A_436 = vector.shape_cast %swap3A_435 : vector<1x16xf32> to vector<16xf32>
    %swap3A_437 = vector.shape_cast %broadcast_in_dim3A_38 : vector<16xf32> to vector<1x16xf32>
    tpu.vector_store %arg7[%swap3A_433, %swap3A_434], %swap3A_437 {strides = array<i32>} : memref<8x128xf32, #tpu.memory_space<vmem>>, vector<1x16xf32>,
    %swap3A_438 = arith.constant 4 : i32
    %swap3A_439 = arith.index_cast %swap3A_438 : i32 to index
    %swap3A_440 = arith.constant 32 : index
    %swap3A_441 = tpu.vector_load %arg7[%swap3A_439, %swap3A_440] {strides = array<i32>} : memref<8x128xf32, #tpu.memory_space<vmem>>, vector<1x16xf32>,
    %swap3A_442 = vector.shape_cast %swap3A_441 : vector<1x16xf32> to vector<16xf32>
    %swap3A_443 = vector.shape_cast %broadcast_in_dim3A_38 : vector<16xf32> to vector<1x16xf32>
    tpu.vector_store %arg7[%swap3A_439, %swap3A_440], %swap3A_443 {strides = array<i32>} : memref<8x128xf32, #tpu.memory_space<vmem>>, vector<1x16xf32>,
    %swap3A_444 = arith.constant 4 : i32
    %swap3A_445 = arith.index_cast %swap3A_444 : i32 to index
    %swap3A_446 = arith.constant 48 : index
    %swap3A_447 = tpu.vector_load %arg7[%swap3A_445, %swap3A_446] {strides = array<i32>} : memref<8x128xf32, #tpu.memory_space<vmem>>, vector<1x16xf32>,
    %swap3A_448 = vector.shape_cast %swap3A_447 : vector<1x16xf32> to vector<16xf32>
    %swap3A_449 = vector.shape_cast %broadcast_in_dim3A_38 : vector<16xf32> to vector<1x16xf32>
    tpu.vector_store %arg7[%swap3A_445, %swap3A_446], %swap3A_449 {strides = array<i32>} : memref<8x128xf32, #tpu.memory_space<vmem>>, vector<1x16xf32>,
    %swap3A_450 = arith.constant 4 : i32
    %swap3A_451 = arith.index_cast %swap3A_450 : i32 to index
    %swap3A_452 = arith.constant 64 : index
    %swap3A_453 = tpu.vector_load %arg7[%swap3A_451, %swap3A_452] {strides = array<i32>} : memref<8x128xf32, #tpu.memory_space<vmem>>, vector<1x16xf32>,
    %swap3A_454 = vector.shape_cast %swap3A_453 : vector<1x16xf32> to vector<16xf32>
    %swap3A_455 = vector.shape_cast %broadcast_in_dim3A_38 : vector<16xf32> to vector<1x16xf32>
    tpu.vector_store %arg7[%swap3A_451, %swap3A_452], %swap3A_455 {strides = array<i32>} : memref<8x128xf32, #tpu.memory_space<vmem>>, vector<1x16xf32>,
    %swap3A_456 = arith.constant 4 : i32
    %swap3A_457 = arith.index_cast %swap3A_456 : i32 to index
    %swap3A_458 = arith.constant 80 : index
    %swap3A_459 = tpu.vector_load %arg7[%swap3A_457, %swap3A_458] {strides = array<i32>} : memref<8x128xf32, #tpu.memory_space<vmem>>, vector<1x16xf32>,
    %swap3A_460 = vector.shape_cast %swap3A_459 : vector<1x16xf32> to vector<16xf32>
    %swap3A_461 = vector.shape_cast %broadcast_in_dim3A_38 : vector<16xf32> to vector<1x16xf32>
    tpu.vector_store %arg7[%swap3A_457, %swap3A_458], %swap3A_461 {strides = array<i32>} : memref<8x128xf32, #tpu.memory_space<vmem>>, vector<1x16xf32>,
    %swap3A_462 = arith.constant 4 : i32
    %swap3A_463 = arith.index_cast %swap3A_462 : i32 to index
    %swap3A_464 = arith.constant 96 : index
    %swap3A_465 = tpu.vector_load %arg7[%swap3A_463, %swap3A_464] {strides = array<i32>} : memref<8x128xf32, #tpu.memory_space<vmem>>, vector<1x16xf32>,
    %swap3A_466 = vector.shape_cast %swap3A_465 : vector<1x16xf32> to vector<16xf32>
    %swap3A_467 = vector.shape_cast %broadcast_in_dim3A_38 : vector<16xf32> to vector<1x16xf32>
    tpu.vector_store %arg7[%swap3A_463, %swap3A_464], %swap3A_467 {strides = array<i32>} : memref<8x128xf32, #tpu.memory_space<vmem>>, vector<1x16xf32>,
    %swap3A_468 = arith.constant 4 : i32
    %swap3A_469 = arith.index_cast %swap3A_468 : i32 to index
    %swap3A_470 = arith.constant 112 : index
    %swap3A_471 = tpu.vector_load %arg7[%swap3A_469, %swap3A_470] {strides = array<i32>} : memref<8x128xf32, #tpu.memory_space<vmem>>, vector<1x16xf32>,
    %swap3A_472 = vector.shape_cast %swap3A_471 : vector<1x16xf32> to vector<16xf32>
    %swap3A_473 = vector.shape_cast %broadcast_in_dim3A_38 : vector<16xf32> to vector<1x16xf32>
    tpu.vector_store %arg7[%swap3A_469, %swap3A_470], %swap3A_473 {strides = array<i32>} : memref<8x128xf32, #tpu.memory_space<vmem>>, vector<1x16xf32>,
    %swap3A_474 = arith.constant 5 : i32
    %swap3A_475 = arith.index_cast %swap3A_474 : i32 to index
    %swap3A_476 = arith.constant 0 : index
    %swap3A_477 = tpu.vector_load %arg7[%swap3A_475, %swap3A_476] {strides = array<i32>} : memref<8x128xf32, #tpu.memory_space<vmem>>, vector<1x16xf32>,
    %swap3A_478 = vector.shape_cast %swap3A_477 : vector<1x16xf32> to vector<16xf32>
    %swap3A_479 = vector.shape_cast %broadcast_in_dim3A_38 : vector<16xf32> to vector<1x16xf32>
    tpu.vector_store %arg7[%swap3A_475, %swap3A_476], %swap3A_479 {strides = array<i32>} : memref<8x128xf32, #tpu.memory_space<vmem>>, vector<1x16xf32>,
    %swap3A_480 = arith.constant 5 : i32
    %swap3A_481 = arith.index_cast %swap3A_480 : i32 to index
    %swap3A_482 = arith.constant 16 : index
    %swap3A_483 = tpu.vector_load %arg7[%swap3A_481, %swap3A_482] {strides = array<i32>} : memref<8x128xf32, #tpu.memory_space<vmem>>, vector<1x16xf32>,
    %swap3A_484 = vector.shape_cast %swap3A_483 : vector<1x16xf32> to vector<16xf32>
    %swap3A_485 = vector.shape_cast %broadcast_in_dim3A_38 : vector<16xf32> to vector<1x16xf32>
    tpu.vector_store %arg7[%swap3A_481, %swap3A_482], %swap3A_485 {strides = array<i32>} : memref<8x128xf32, #tpu.memory_space<vmem>>, vector<1x16xf32>,
    %swap3A_486 = arith.constant 5 : i32
    %swap3A_487 = arith.index_cast %swap3A_486 : i32 to index
    %swap3A_488 = arith.constant 32 : index
    %swap3A_489 = tpu.vector_load %arg7[%swap3A_487, %swap3A_488] {strides = array<i32>} : memref<8x128xf32, #tpu.memory_space<vmem>>, vector<1x16xf32>,
    %swap3A_490 = vector.shape_cast %swap3A_489 : vector<1x16xf32> to vector<16xf32>
    %swap3A_491 = vector.shape_cast %broadcast_in_dim3A_38 : vector<16xf32> to vector<1x16xf32>
    tpu.vector_store %arg7[%swap3A_487, %swap3A_488], %swap3A_491 {strides = array<i32>} : memref<8x128xf32, #tpu.memory_space<vmem>>, vector<1x16xf32>,
    %swap3A_492 = arith.constant 5 : i32
    %swap3A_493 = arith.index_cast %swap3A_492 : i32 to index
    %swap3A_494 = arith.constant 48 : index
    %swap3A_495 = tpu.vector_load %arg7[%swap3A_493, %swap3A_494] {strides = array<i32>} : memref<8x128xf32, #tpu.memory_space<vmem>>, vector<1x16xf32>,
    %swap3A_496 = vector.shape_cast %swap3A_495 : vector<1x16xf32> to vector<16xf32>
    %swap3A_497 = vector.shape_cast %broadcast_in_dim3A_38 : vector<16xf32> to vector<1x16xf32>
    tpu.vector_store %arg7[%swap3A_493, %swap3A_494], %swap3A_497 {strides = array<i32>} : memref<8x128xf32, #tpu.memory_space<vmem>>, vector<1x16xf32>,
    %swap3A_498 = arith.constant 5 : i32
    %swap3A_499 = arith.index_cast %swap3A_498 : i32 to index
    %swap3A_500 = arith.constant 64 : index
    %swap3A_501 = tpu.vector_load %arg7[%swap3A_499, %swap3A_500] {strides = array<i32>} : memref<8x128xf32, #tpu.memory_space<vmem>>, vector<1x16xf32>,
    %swap3A_502 = vector.shape_cast %swap3A_501 : vector<1x16xf32> to vector<16xf32>
    %swap3A_503 = vector.shape_cast %broadcast_in_dim3A_38 : vector<16xf32> to vector<1x16xf32>
    tpu.vector_store %arg7[%swap3A_499, %swap3A_500], %swap3A_503 {strides = array<i32>} : memref<8x128xf32, #tpu.memory_space<vmem>>, vector<1x16xf32>,
    %swap3A_504 = arith.constant 5 : i32
    %swap3A_505 = arith.index_cast %swap3A_504 : i32 to index
    %swap3A_506 = arith.constant 80 : index
    %swap3A_507 = tpu.vector_load %arg7[%swap3A_505, %swap3A_506] {strides = array<i32>} : memref<8x128xf32, #tpu.memory_space<vmem>>, vector<1x16xf32>,
    %swap3A_508 = vector.shape_cast %swap3A_507 : vector<1x16xf32> to vector<16xf32>
    %swap3A_509 = vector.shape_cast %broadcast_in_dim3A_38 : vector<16xf32> to vector<1x16xf32>
    tpu.vector_store %arg7[%swap3A_505, %swap3A_506], %swap3A_509 {strides = array<i32>} : memref<8x128xf32, #tpu.memory_space<vmem>>, vector<1x16xf32>,
    %swap3A_510 = arith.constant 5 : i32
    %swap3A_511 = arith.index_cast %swap3A_510 : i32 to index
    %swap3A_512 = arith.constant 96 : index
    %swap3A_513 = tpu.vector_load %arg7[%swap3A_511, %swap3A_512] {strides = array<i32>} : memref<8x128xf32, #tpu.memory_space<vmem>>, vector<1x16xf32>,
    %swap3A_514 = vector.shape_cast %swap3A_513 : vector<1x16xf32> to vector<16xf32>
    %swap3A_515 = vector.shape_cast %broadcast_in_dim3A_38 : vector<16xf32> to vector<1x16xf32>
    tpu.vector_store %arg7[%swap3A_511, %swap3A_512], %swap3A_515 {strides = array<i32>} : memref<8x128xf32, #tpu.memory_space<vmem>>, vector<1x16xf32>,
    %swap3A_516 = arith.constant 5 : i32
    %swap3A_517 = arith.index_cast %swap3A_516 : i32 to index
    %swap3A_518 = arith.constant 112 : index
    %swap3A_519 = tpu.vector_load %arg7[%swap3A_517, %swap3A_518] {strides = array<i32>} : memref<8x128xf32, #tpu.memory_space<vmem>>, vector<1x16xf32>,
    %swap3A_520 = vector.shape_cast %swap3A_519 : vector<1x16xf32> to vector<16xf32>
    %swap3A_521 = vector.shape_cast %broadcast_in_dim3A_38 : vector<16xf32> to vector<1x16xf32>
    tpu.vector_store %arg7[%swap3A_517, %swap3A_518], %swap3A_521 {strides = array<i32>} : memref<8x128xf32, #tpu.memory_space<vmem>>, vector<1x16xf32>,
    %swap3A_522 = arith.constant 6 : i32
    %swap3A_523 = arith.index_cast %swap3A_522 : i32 to index
    %swap3A_524 = arith.constant 0 : index
    %swap3A_525 = tpu.vector_load %arg7[%swap3A_523, %swap3A_524] {strides = array<i32>} : memref<8x128xf32, #tpu.memory_space<vmem>>, vector<1x16xf32>,
    %swap3A_526 = vector.shape_cast %swap3A_525 : vector<1x16xf32> to vector<16xf32>
    %swap3A_527 = vector.shape_cast %broadcast_in_dim3A_38 : vector<16xf32> to vector<1x16xf32>
    tpu.vector_store %arg7[%swap3A_523, %swap3A_524], %swap3A_527 {strides = array<i32>} : memref<8x128xf32, #tpu.memory_space<vmem>>, vector<1x16xf32>,
    %swap3A_528 = arith.constant 6 : i32
    %swap3A_529 = arith.index_cast %swap3A_528 : i32 to index
    %swap3A_530 = arith.constant 16 : index
    %swap3A_531 = tpu.vector_load %arg7[%swap3A_529, %swap3A_530] {strides = array<i32>} : memref<8x128xf32, #tpu.memory_space<vmem>>, vector<1x16xf32>,
    %swap3A_532 = vector.shape_cast %swap3A_531 : vector<1x16xf32> to vector<16xf32>
    %swap3A_533 = vector.shape_cast %broadcast_in_dim3A_38 : vector<16xf32> to vector<1x16xf32>
    tpu.vector_store %arg7[%swap3A_529, %swap3A_530], %swap3A_533 {strides = array<i32>} : memref<8x128xf32, #tpu.memory_space<vmem>>, vector<1x16xf32>,
    %swap3A_534 = arith.constant 6 : i32
    %swap3A_535 = arith.index_cast %swap3A_534 : i32 to index
    %swap3A_536 = arith.constant 32 : index
    %swap3A_537 = tpu.vector_load %arg7[%swap3A_535, %swap3A_536] {strides = array<i32>} : memref<8x128xf32, #tpu.memory_space<vmem>>, vector<1x16xf32>,
    %swap3A_538 = vector.shape_cast %swap3A_537 : vector<1x16xf32> to vector<16xf32>
    %swap3A_539 = vector.shape_cast %broadcast_in_dim3A_38 : vector<16xf32> to vector<1x16xf32>
    tpu.vector_store %arg7[%swap3A_535, %swap3A_536], %swap3A_539 {strides = array<i32>} : memref<8x128xf32, #tpu.memory_space<vmem>>, vector<1x16xf32>,
    %swap3A_540 = arith.constant 6 : i32
    %swap3A_541 = arith.index_cast %swap3A_540 : i32 to index
    %swap3A_542 = arith.constant 48 : index
    %swap3A_543 = tpu.vector_load %arg7[%swap3A_541, %swap3A_542] {strides = array<i32>} : memref<8x128xf32, #tpu.memory_space<vmem>>, vector<1x16xf32>,
    %swap3A_544 = vector.shape_cast %swap3A_543 : vector<1x16xf32> to vector<16xf32>
    %swap3A_545 = vector.shape_cast %broadcast_in_dim3A_38 : vector<16xf32> to vector<1x16xf32>
    tpu.vector_store %arg7[%swap3A_541, %swap3A_542], %swap3A_545 {strides = array<i32>} : memref<8x128xf32, #tpu.memory_space<vmem>>, vector<1x16xf32>,
    %swap3A_546 = arith.constant 6 : i32
    %swap3A_547 = arith.index_cast %swap3A_546 : i32 to index
    %swap3A_548 = arith.constant 64 : index
    %swap3A_549 = tpu.vector_load %arg7[%swap3A_547, %swap3A_548] {strides = array<i32>} : memref<8x128xf32, #tpu.memory_space<vmem>>, vector<1x16xf32>,
    %swap3A_550 = vector.shape_cast %swap3A_549 : vector<1x16xf32> to vector<16xf32>
    %swap3A_551 = vector.shape_cast %broadcast_in_dim3A_38 : vector<16xf32> to vector<1x16xf32>
    tpu.vector_store %arg7[%swap3A_547, %swap3A_548], %swap3A_551 {strides = array<i32>} : memref<8x128xf32, #tpu.memory_space<vmem>>, vector<1x16xf32>,
    %swap3A_552 = arith.constant 6 : i32
    %swap3A_553 = arith.index_cast %swap3A_552 : i32 to index
    %swap3A_554 = arith.constant 80 : index
    %swap3A_555 = tpu.vector_load %arg7[%swap3A_553, %swap3A_554] {strides = array<i32>} : memref<8x128xf32, #tpu.memory_space<vmem>>, vector<1x16xf32>,
    %swap3A_556 = vector.shape_cast %swap3A_555 : vector<1x16xf32> to vector<16xf32>
    %swap3A_557 = vector.shape_cast %broadcast_in_dim3A_38 : vector<16xf32> to vector<1x16xf32>
    tpu.vector_store %arg7[%swap3A_553, %swap3A_554], %swap3A_557 {strides = array<i32>} : memref<8x128xf32, #tpu.memory_space<vmem>>, vector<1x16xf32>,
    %swap3A_558 = arith.constant 6 : i32
    %swap3A_559 = arith.index_cast %swap3A_558 : i32 to index
    %swap3A_560 = arith.constant 96 : index
    %swap3A_561 = tpu.vector_load %arg7[%swap3A_559, %swap3A_560] {strides = array<i32>} : memref<8x128xf32, #tpu.memory_space<vmem>>, vector<1x16xf32>,
    %swap3A_562 = vector.shape_cast %swap3A_561 : vector<1x16xf32> to vector<16xf32>
    %swap3A_563 = vector.shape_cast %broadcast_in_dim3A_38 : vector<16xf32> to vector<1x16xf32>
    tpu.vector_store %arg7[%swap3A_559, %swap3A_560], %swap3A_563 {strides = array<i32>} : memref<8x128xf32, #tpu.memory_space<vmem>>, vector<1x16xf32>,
    %swap3A_564 = arith.constant 6 : i32
    %swap3A_565 = arith.index_cast %swap3A_564 : i32 to index
    %swap3A_566 = arith.constant 112 : index
    %swap3A_567 = tpu.vector_load %arg7[%swap3A_565, %swap3A_566] {strides = array<i32>} : memref<8x128xf32, #tpu.memory_space<vmem>>, vector<1x16xf32>,
    %swap3A_568 = vector.shape_cast %swap3A_567 : vector<1x16xf32> to vector<16xf32>
    %swap3A_569 = vector.shape_cast %broadcast_in_dim3A_38 : vector<16xf32> to vector<1x16xf32>
    tpu.vector_store %arg7[%swap3A_565, %swap3A_566], %swap3A_569 {strides = array<i32>} : memref<8x128xf32, #tpu.memory_space<vmem>>, vector<1x16xf32>,
    %swap3A_570 = arith.constant 7 : i32
    %swap3A_571 = arith.index_cast %swap3A_570 : i32 to index
    %swap3A_572 = arith.constant 0 : index
    %swap3A_573 = tpu.vector_load %arg7[%swap3A_571, %swap3A_572] {strides = array<i32>} : memref<8x128xf32, #tpu.memory_space<vmem>>, vector<1x16xf32>,
    %swap3A_574 = vector.shape_cast %swap3A_573 : vector<1x16xf32> to vector<16xf32>
    %swap3A_575 = vector.shape_cast %broadcast_in_dim3A_38 : vector<16xf32> to vector<1x16xf32>
    tpu.vector_store %arg7[%swap3A_571, %swap3A_572], %swap3A_575 {strides = array<i32>} : memref<8x128xf32, #tpu.memory_space<vmem>>, vector<1x16xf32>,
    %swap3A_576 = arith.constant 7 : i32
    %swap3A_577 = arith.index_cast %swap3A_576 : i32 to index
    %swap3A_578 = arith.constant 16 : index
    %swap3A_579 = tpu.vector_load %arg7[%swap3A_577, %swap3A_578] {strides = array<i32>} : memref<8x128xf32, #tpu.memory_space<vmem>>, vector<1x16xf32>,
    %swap3A_580 = vector.shape_cast %swap3A_579 : vector<1x16xf32> to vector<16xf32>
    %swap3A_581 = vector.shape_cast %broadcast_in_dim3A_38 : vector<16xf32> to vector<1x16xf32>
    tpu.vector_store %arg7[%swap3A_577, %swap3A_578], %swap3A_581 {strides = array<i32>} : memref<8x128xf32, #tpu.memory_space<vmem>>, vector<1x16xf32>,
    %swap3A_582 = arith.constant 7 : i32
    %swap3A_583 = arith.index_cast %swap3A_582 : i32 to index
    %swap3A_584 = arith.constant 32 : index
    %swap3A_585 = tpu.vector_load %arg7[%swap3A_583, %swap3A_584] {strides = array<i32>} : memref<8x128xf32, #tpu.memory_space<vmem>>, vector<1x16xf32>,
    %swap3A_586 = vector.shape_cast %swap3A_585 : vector<1x16xf32> to vector<16xf32>
    %swap3A_587 = vector.shape_cast %broadcast_in_dim3A_38 : vector<16xf32> to vector<1x16xf32>
    tpu.vector_store %arg7[%swap3A_583, %swap3A_584], %swap3A_587 {strides = array<i32>} : memref<8x128xf32, #tpu.memory_space<vmem>>, vector<1x16xf32>,
    %swap3A_588 = arith.constant 7 : i32
    %swap3A_589 = arith.index_cast %swap3A_588 : i32 to index
    %swap3A_590 = arith.constant 48 : index
    %swap3A_591 = tpu.vector_load %arg7[%swap3A_589, %swap3A_590] {strides = array<i32>} : memref<8x128xf32, #tpu.memory_space<vmem>>, vector<1x16xf32>,
    %swap3A_592 = vector.shape_cast %swap3A_591 : vector<1x16xf32> to vector<16xf32>
    %swap3A_593 = vector.shape_cast %broadcast_in_dim3A_38 : vector<16xf32> to vector<1x16xf32>
    tpu.vector_store %arg7[%swap3A_589, %swap3A_590], %swap3A_593 {strides = array<i32>} : memref<8x128xf32, #tpu.memory_space<vmem>>, vector<1x16xf32>,
    %swap3A_594 = arith.constant 7 : i32
    %swap3A_595 = arith.index_cast %swap3A_594 : i32 to index
    %swap3A_596 = arith.constant 64 : index
    %swap3A_597 = tpu.vector_load %arg7[%swap3A_595, %swap3A_596] {strides = array<i32>} : memref<8x128xf32, #tpu.memory_space<vmem>>, vector<1x16xf32>,
    %swap3A_598 = vector.shape_cast %swap3A_597 : vector<1x16xf32> to vector<16xf32>
    %swap3A_599 = vector.shape_cast %broadcast_in_dim3A_38 : vector<16xf32> to vector<1x16xf32>
    tpu.vector_store %arg7[%swap3A_595, %swap3A_596], %swap3A_599 {strides = array<i32>} : memref<8x128xf32, #tpu.memory_space<vmem>>, vector<1x16xf32>,
    %swap3A_600 = arith.constant 7 : i32
    %swap3A_601 = arith.index_cast %swap3A_600 : i32 to index
    %swap3A_602 = arith.constant 80 : index
    %swap3A_603 = tpu.vector_load %arg7[%swap3A_601, %swap3A_602] {strides = array<i32>} : memref<8x128xf32, #tpu.memory_space<vmem>>, vector<1x16xf32>,
    %swap3A_604 = vector.shape_cast %swap3A_603 : vector<1x16xf32> to vector<16xf32>
    %swap3A_605 = vector.shape_cast %broadcast_in_dim3A_38 : vector<16xf32> to vector<1x16xf32>
    tpu.vector_store %arg7[%swap3A_601, %swap3A_602], %swap3A_605 {strides = array<i32>} : memref<8x128xf32, #tpu.memory_space<vmem>>, vector<1x16xf32>,
    %swap3A_606 = arith.constant 7 : i32
    %swap3A_607 = arith.index_cast %swap3A_606 : i32 to index
    %swap3A_608 = arith.constant 96 : index
    %swap3A_609 = tpu.vector_load %arg7[%swap3A_607, %swap3A_608] {strides = array<i32>} : memref<8x128xf32, #tpu.memory_space<vmem>>, vector<1x16xf32>,
    %swap3A_610 = vector.shape_cast %swap3A_609 : vector<1x16xf32> to vector<16xf32>
    %swap3A_611 = vector.shape_cast %broadcast_in_dim3A_38 : vector<16xf32> to vector<1x16xf32>
    tpu.vector_store %arg7[%swap3A_607, %swap3A_608], %swap3A_611 {strides = array<i32>} : memref<8x128xf32, #tpu.memory_space<vmem>>, vector<1x16xf32>,
    %swap3A_612 = arith.constant 7 : i32
    %swap3A_613 = arith.index_cast %swap3A_612 : i32 to index
    %swap3A_614 = arith.constant 112 : index
    %swap3A_615 = tpu.vector_load %arg7[%swap3A_613, %swap3A_614] {strides = array<i32>} : memref<8x128xf32, #tpu.memory_space<vmem>>, vector<1x16xf32>,
    %swap3A_616 = vector.shape_cast %swap3A_615 : vector<1x16xf32> to vector<16xf32>
    %swap3A_617 = vector.shape_cast %broadcast_in_dim3A_38 : vector<16xf32> to vector<1x16xf32>
    tpu.vector_store %arg7[%swap3A_613, %swap3A_614], %swap3A_617 {strides = array<i32>} : memref<8x128xf32, #tpu.memory_space<vmem>>, vector<1x16xf32>,
    %swap3A_618 = arith.constant 0 : i32
    %swap3A_619 = arith.index_cast %swap3A_618 : i32 to index
    %swap3A_620 = arith.constant 0 : index
    %swap3A_621 = tpu.vector_load %arg7[%swap3A_619, %swap3A_620] {strides = array<i32>} : memref<8x128xf32, #tpu.memory_space<vmem>>, vector<1x16xf32>,
    %swap3A_622 = vector.shape_cast %swap3A_621 : vector<1x16xf32> to vector<16xf32>
    %swap3A_623 = vector.shape_cast %add3A_230 : vector<16xf32> to vector<1x16xf32>
    tpu.vector_store %arg7[%swap3A_619, %swap3A_620], %swap3A_623 {strides = array<i32>} : memref<8x128xf32, #tpu.memory_space<vmem>>, vector<1x16xf32>,
    %swap3A_624 = arith.constant 1 : i32
    %swap3A_625 = arith.index_cast %swap3A_624 : i32 to index
    %swap3A_626 = arith.constant 0 : index
    %swap3A_627 = tpu.vector_load %arg7[%swap3A_625, %swap3A_626] {strides = array<i32>} : memref<8x128xf32, #tpu.memory_space<vmem>>, vector<1x16xf32>,
    %swap3A_628 = vector.shape_cast %swap3A_627 : vector<1x16xf32> to vector<16xf32>
    %swap3A_629 = vector.shape_cast %add3A_231 : vector<16xf32> to vector<1x16xf32>
    tpu.vector_store %arg7[%swap3A_625, %swap3A_626], %swap3A_629 {strides = array<i32>} : memref<8x128xf32, #tpu.memory_space<vmem>>, vector<1x16xf32>,
    %swap3A_630 = arith.constant 2 : i32
    %swap3A_631 = arith.index_cast %swap3A_630 : i32 to index
    %swap3A_632 = arith.constant 0 : index
    %swap3A_633 = tpu.vector_load %arg7[%swap3A_631, %swap3A_632] {strides = array<i32>} : memref<8x128xf32, #tpu.memory_space<vmem>>, vector<1x16xf32>,
    %swap3A_634 = vector.shape_cast %swap3A_633 : vector<1x16xf32> to vector<16xf32>
    %swap3A_635 = vector.shape_cast %add3A_232 : vector<16xf32> to vector<1x16xf32>
    tpu.vector_store %arg7[%swap3A_631, %swap3A_632], %swap3A_635 {strides = array<i32>} : memref<8x128xf32, #tpu.memory_space<vmem>>, vector<1x16xf32>,
    %swap3A_636 = arith.constant 3 : i32
    %swap3A_637 = arith.index_cast %swap3A_636 : i32 to index
    %swap3A_638 = arith.constant 0 : index
    %swap3A_639 = tpu.vector_load %arg7[%swap3A_637, %swap3A_638] {strides = array<i32>} : memref<8x128xf32, #tpu.memory_space<vmem>>, vector<1x16xf32>,
    %swap3A_640 = vector.shape_cast %swap3A_639 : vector<1x16xf32> to vector<16xf32>
    %swap3A_641 = vector.shape_cast %add3A_233 : vector<16xf32> to vector<1x16xf32>
    tpu.vector_store %arg7[%swap3A_637, %swap3A_638], %swap3A_641 {strides = array<i32>} : memref<8x128xf32, #tpu.memory_space<vmem>>, vector<1x16xf32>,
    %swap3A_642 = arith.constant 4 : i32
    %swap3A_643 = arith.index_cast %swap3A_642 : i32 to index
    %swap3A_644 = arith.constant 0 : index
    %swap3A_645 = tpu.vector_load %arg7[%swap3A_643, %swap3A_644] {strides = array<i32>} : memref<8x128xf32, #tpu.memory_space<vmem>>, vector<1x16xf32>,
    %swap3A_646 = vector.shape_cast %swap3A_645 : vector<1x16xf32> to vector<16xf32>
    %swap3A_647 = vector.shape_cast %add3A_234 : vector<16xf32> to vector<1x16xf32>
    tpu.vector_store %arg7[%swap3A_643, %swap3A_644], %swap3A_647 {strides = array<i32>} : memref<8x128xf32, #tpu.memory_space<vmem>>, vector<1x16xf32>,
    "tpu.region"() ({
      %run_scoped3A = tpu.sem_alloc : memref<!tpu.dma_semaphore, #tpu.memory_space<semaphore_mem>>
      %dma_start3A_648 = arith.constant 0 : i32
      %dma_start3A_649 = arith.constant 0 : i32
      %dma_start3A_650 = tpu.memref_slice %arg4[%select_n3A_30, %select_n3A, %dma_start3A_648, %dma_start3A_649] : memref<2x16x8x128xf32, #tpu.memory_space<hbm>> -> memref<1x1x8x128xf32, #tpu.memory_space<hbm>>
      %dma_start3A_651 = tpu.memref_squeeze %dma_start3A_650 : memref<1x1x8x128xf32, #tpu.memory_space<hbm>> -> memref<8x128xf32, #tpu.memory_space<hbm>>
      %dma_start3A_652 = arith.constant 0 : i32
      %dma_start3A_653 = arith.constant 0 : i32
      %dma_start3A_654 = tpu.memref_slice %arg4[%select_n3A_30, %select_n3A, %dma_start3A_652, %dma_start3A_653] : memref<2x16x8x128xf32, #tpu.memory_space<hbm>> -> memref<1x1x8x128xf32, #tpu.memory_space<hbm>>
      %dma_start3A_655 = tpu.memref_squeeze %dma_start3A_654 : memref<1x1x8x128xf32, #tpu.memory_space<hbm>> -> memref<8x128xf32, #tpu.memory_space<hbm>>
      tpu.enqueue_dma source(%arg7 : memref<8x128xf32, #tpu.memory_space<vmem>>) target(%dma_start3A_655 : memref<8x128xf32, #tpu.memory_space<hbm>>) target_semaphore(%run_scoped3A : memref<!tpu.dma_semaphore, #tpu.memory_space<semaphore_mem>>)
      %dma_wait3A_656 = arith.constant 0 : i32
      %dma_wait3A_657 = arith.constant 0 : i32
      %dma_wait3A_658 = tpu.memref_slice %arg4[%select_n3A_30, %select_n3A, %dma_wait3A_656, %dma_wait3A_657] : memref<2x16x8x128xf32, #tpu.memory_space<hbm>> -> memref<1x1x8x128xf32, #tpu.memory_space<hbm>>
      %dma_wait3A_659 = tpu.memref_squeeze %dma_wait3A_658 : memref<1x1x8x128xf32, #tpu.memory_space<hbm>> -> memref<8x128xf32, #tpu.memory_space<hbm>>
      %dma_wait3A_660 = arith.constant 0 : i32
      %dma_wait3A_661 = arith.constant 0 : i32
      %dma_wait3A_662 = tpu.memref_slice %arg4[%select_n3A_30, %select_n3A, %dma_wait3A_660, %dma_wait3A_661] : memref<2x16x8x128xf32, #tpu.memory_space<hbm>> -> memref<1x1x8x128xf32, #tpu.memory_space<hbm>>
      %dma_wait3A_663 = tpu.memref_squeeze %dma_wait3A_662 : memref<1x1x8x128xf32, #tpu.memory_space<hbm>> -> memref<8x128xf32, #tpu.memory_space<hbm>>
      tpu.wait_dma2 semaphore(%run_scoped3A : memref<!tpu.dma_semaphore, #tpu.memory_space<semaphore_mem>>) src(%arg7 : memref<8x128xf32, #tpu.memory_space<vmem>>) dst(%dma_wait3A_663 : memref<8x128xf32, #tpu.memory_space<hbm>>)
      tpu.yield
    }) : () -> ()
    return
  }
}

module attributes {stable_mosaic.version = 14 : i64} {
  func.func @_tc_partials_body(%arg0: i32, %arg1: i32, %arg2: memref<1x27x96x96xf32, #tpu.memory_space<vmem>>, %arg3: memref<1x27x96x96xf32, #tpu.memory_space<vmem>>, %arg4: memref<1x5x96xf32, #tpu.memory_space<vmem>>, %arg5: memref<5x96x96xf32, #tpu.memory_space<vmem>>) attributes {dimension_semantics = [#tpu.dimension_semantics<arbitrary>, #tpu.dimension_semantics<arbitrary>], iteration_bounds = array<i64: 16, 2>, scalar_prefetch = 0 : i64, scratch_operands = 1 : i64, tpu.core_type = #tpu.core_type<tc>, window_params = [{transform_indices = @transform_0, window_bounds = array<i64: 1, 27, 96, 96>}, {transform_indices = @transform_1, window_bounds = array<i64: 1, 27, 96, 96>}, {transform_indices = @transform_2, window_bounds = array<i64: 1, 5, 96>}]} {
    %get3A = arith.constant 0 : index
    %get3A_0 = arith.constant 0 : index
    %get3A_1 = arith.constant 0 : index
    %get3A_2 = arith.constant 0 : index
    %get3A_3 = vector.load %arg2[%get3A, %get3A_0, %get3A_1, %get3A_2] : memref<1x27x96x96xf32, #tpu.memory_space<vmem>>, vector<1x27x96x96xf32>
    %get3A_4 = vector.shape_cast %get3A_3 : vector<1x27x96x96xf32> to vector<27x96x96xf32>
    %get3A_5 = arith.constant 0 : index
    %get3A_6 = arith.constant 0 : index
    %get3A_7 = arith.constant 0 : index
    %get3A_8 = arith.constant 0 : index
    %get3A_9 = vector.load %arg3[%get3A_5, %get3A_6, %get3A_7, %get3A_8] : memref<1x27x96x96xf32, #tpu.memory_space<vmem>>, vector<1x27x96x96xf32>
    %get3A_10 = vector.shape_cast %get3A_9 : vector<1x27x96x96xf32> to vector<27x96x96xf32>
    %gt3A = arith.constant 5.000000e-01 : f32
    %gt3A_11 = vector.broadcast %gt3A : f32 to vector<27x96x96xf32>
    %gt3A_12 = arith.cmpf ogt, %get3A_10, %gt3A_11 : vector<27x96x96xf32>
    %convert_element_type3A = arith.extui %gt3A_12 : vector<27x96x96xi1> to vector<27x96x96xi32>
    %convert_element_type3A_13 = arith.sitofp %convert_element_type3A : vector<27x96x96xi32> to vector<27x96x96xf32>
    %reduce_sum3A = arith.constant dense<0.000000e+00> : vector<96x96xf32>
    %reduce_sum3A_14 = vector.multi_reduction <add>, %convert_element_type3A_13, %reduce_sum3A [0] : vector<27x96x96xf32> to vector<96x96xf32>
    %mul3A = arith.mulf %get3A_4, %convert_element_type3A_13 : vector<27x96x96xf32>
    %reduce_sum3A_15 = arith.constant dense<0.000000e+00> : vector<96x96xf32>
    %reduce_sum3A_16 = vector.multi_reduction <add>, %mul3A, %reduce_sum3A_15 [0] : vector<27x96x96xf32> to vector<96x96xf32>
    %mul3A_17 = arith.mulf %get3A_10, %convert_element_type3A_13 : vector<27x96x96xf32>
    %reduce_sum3A_18 = arith.constant dense<0.000000e+00> : vector<96x96xf32>
    %reduce_sum3A_19 = vector.multi_reduction <add>, %mul3A_17, %reduce_sum3A_18 [0] : vector<27x96x96xf32> to vector<96x96xf32>
    %reduce_sum3A_20 = arith.constant dense<0.000000e+00> : vector<96x96xf32>
    %reduce_sum3A_21 = vector.multi_reduction <add>, %get3A_4, %reduce_sum3A_20 [0] : vector<27x96x96xf32> to vector<96x96xf32>
    %reduce_sum3A_22 = arith.constant dense<0.000000e+00> : vector<96x96xf32>
    %reduce_sum3A_23 = vector.multi_reduction <add>, %get3A_10, %reduce_sum3A_22 [0] : vector<27x96x96xf32> to vector<96x96xf32>
    %eq3A = arith.constant 0 : i32
    %eq3A_24 = arith.cmpi eq, %arg1, %eq3A : i32
    %convert_element_type3A_25 = arith.extui %eq3A_24 : i1 to i32
    %cond3A = arith.constant 0 : i32
    %cond3A_26 = arith.cmpi ne, %convert_element_type3A_25, %cond3A : i32
    scf.if %cond3A_26 {
      %swap3A = arith.constant 0 : index
      %swap3A_77 = arith.constant 0 : index
      %swap3A_78 = arith.constant 0 : index
      %swap3A_79 = vector.load %arg5[%swap3A, %swap3A_77, %swap3A_78] : memref<5x96x96xf32, #tpu.memory_space<vmem>>, vector<1x96x96xf32>
      %swap3A_80 = vector.shape_cast %swap3A_79 : vector<1x96x96xf32> to vector<96x96xf32>
      %swap3A_81 = vector.shape_cast %reduce_sum3A_14 : vector<96x96xf32> to vector<1x96x96xf32>
      tpu.vector_store %arg5[%swap3A, %swap3A_77, %swap3A_78], %swap3A_81 {strides = array<i32>} : memref<5x96x96xf32, #tpu.memory_space<vmem>>, vector<1x96x96xf32>,
    } else {
    }
    %gt3A_27 = arith.constant 0 : i32
    %gt3A_28 = arith.cmpi sgt, %arg1, %gt3A_27 : i32
    %convert_element_type3A_29 = arith.extui %gt3A_28 : i1 to i32
    %cond3A_30 = arith.constant 0 : i32
    %cond3A_31 = arith.cmpi ne, %convert_element_type3A_29, %cond3A_30 : i32
    scf.if %cond3A_31 {
      %get3A_77 = arith.constant 0 : index
      %get3A_78 = arith.constant 0 : index
      %get3A_79 = arith.constant 0 : index
      %get3A_80 = vector.load %arg5[%get3A_77, %get3A_78, %get3A_79] : memref<5x96x96xf32, #tpu.memory_space<vmem>>, vector<1x96x96xf32>
      %get3A_81 = vector.shape_cast %get3A_80 : vector<1x96x96xf32> to vector<96x96xf32>
      %add3A = arith.addf %get3A_81, %reduce_sum3A_14 : vector<96x96xf32>
      %swap3A = arith.constant 0 : index
      %swap3A_82 = arith.constant 0 : index
      %swap3A_83 = arith.constant 0 : index
      %swap3A_84 = vector.load %arg5[%swap3A, %swap3A_82, %swap3A_83] : memref<5x96x96xf32, #tpu.memory_space<vmem>>, vector<1x96x96xf32>
      %swap3A_85 = vector.shape_cast %swap3A_84 : vector<1x96x96xf32> to vector<96x96xf32>
      %swap3A_86 = vector.shape_cast %add3A : vector<96x96xf32> to vector<1x96x96xf32>
      tpu.vector_store %arg5[%swap3A, %swap3A_82, %swap3A_83], %swap3A_86 {strides = array<i32>} : memref<5x96x96xf32, #tpu.memory_space<vmem>>, vector<1x96x96xf32>,
    } else {
    }
    %eq3A_32 = arith.constant 0 : i32
    %eq3A_33 = arith.cmpi eq, %arg1, %eq3A_32 : i32
    %convert_element_type3A_34 = arith.extui %eq3A_33 : i1 to i32
    %cond3A_35 = arith.constant 0 : i32
    %cond3A_36 = arith.cmpi ne, %convert_element_type3A_34, %cond3A_35 : i32
    scf.if %cond3A_36 {
      %swap3A = arith.constant 1 : index
      %swap3A_77 = arith.constant 0 : index
      %swap3A_78 = arith.constant 0 : index
      %swap3A_79 = vector.load %arg5[%swap3A, %swap3A_77, %swap3A_78] : memref<5x96x96xf32, #tpu.memory_space<vmem>>, vector<1x96x96xf32>
      %swap3A_80 = vector.shape_cast %swap3A_79 : vector<1x96x96xf32> to vector<96x96xf32>
      %swap3A_81 = vector.shape_cast %reduce_sum3A_16 : vector<96x96xf32> to vector<1x96x96xf32>
      tpu.vector_store %arg5[%swap3A, %swap3A_77, %swap3A_78], %swap3A_81 {strides = array<i32>} : memref<5x96x96xf32, #tpu.memory_space<vmem>>, vector<1x96x96xf32>,
    } else {
    }
    %gt3A_37 = arith.constant 0 : i32
    %gt3A_38 = arith.cmpi sgt, %arg1, %gt3A_37 : i32
    %convert_element_type3A_39 = arith.extui %gt3A_38 : i1 to i32
    %cond3A_40 = arith.constant 0 : i32
    %cond3A_41 = arith.cmpi ne, %convert_element_type3A_39, %cond3A_40 : i32
    scf.if %cond3A_41 {
      %get3A_77 = arith.constant 1 : index
      %get3A_78 = arith.constant 0 : index
      %get3A_79 = arith.constant 0 : index
      %get3A_80 = vector.load %arg5[%get3A_77, %get3A_78, %get3A_79] : memref<5x96x96xf32, #tpu.memory_space<vmem>>, vector<1x96x96xf32>
      %get3A_81 = vector.shape_cast %get3A_80 : vector<1x96x96xf32> to vector<96x96xf32>
      %add3A = arith.addf %get3A_81, %reduce_sum3A_16 : vector<96x96xf32>
      %swap3A = arith.constant 1 : index
      %swap3A_82 = arith.constant 0 : index
      %swap3A_83 = arith.constant 0 : index
      %swap3A_84 = vector.load %arg5[%swap3A, %swap3A_82, %swap3A_83] : memref<5x96x96xf32, #tpu.memory_space<vmem>>, vector<1x96x96xf32>
      %swap3A_85 = vector.shape_cast %swap3A_84 : vector<1x96x96xf32> to vector<96x96xf32>
      %swap3A_86 = vector.shape_cast %add3A : vector<96x96xf32> to vector<1x96x96xf32>
      tpu.vector_store %arg5[%swap3A, %swap3A_82, %swap3A_83], %swap3A_86 {strides = array<i32>} : memref<5x96x96xf32, #tpu.memory_space<vmem>>, vector<1x96x96xf32>,
    } else {
    }
    %eq3A_42 = arith.constant 0 : i32
    %eq3A_43 = arith.cmpi eq, %arg1, %eq3A_42 : i32
    %convert_element_type3A_44 = arith.extui %eq3A_43 : i1 to i32
    %cond3A_45 = arith.constant 0 : i32
    %cond3A_46 = arith.cmpi ne, %convert_element_type3A_44, %cond3A_45 : i32
    scf.if %cond3A_46 {
      %swap3A = arith.constant 2 : index
      %swap3A_77 = arith.constant 0 : index
      %swap3A_78 = arith.constant 0 : index
      %swap3A_79 = vector.load %arg5[%swap3A, %swap3A_77, %swap3A_78] : memref<5x96x96xf32, #tpu.memory_space<vmem>>, vector<1x96x96xf32>
      %swap3A_80 = vector.shape_cast %swap3A_79 : vector<1x96x96xf32> to vector<96x96xf32>
      %swap3A_81 = vector.shape_cast %reduce_sum3A_19 : vector<96x96xf32> to vector<1x96x96xf32>
      tpu.vector_store %arg5[%swap3A, %swap3A_77, %swap3A_78], %swap3A_81 {strides = array<i32>} : memref<5x96x96xf32, #tpu.memory_space<vmem>>, vector<1x96x96xf32>,
    } else {
    }
    %gt3A_47 = arith.constant 0 : i32
    %gt3A_48 = arith.cmpi sgt, %arg1, %gt3A_47 : i32
    %convert_element_type3A_49 = arith.extui %gt3A_48 : i1 to i32
    %cond3A_50 = arith.constant 0 : i32
    %cond3A_51 = arith.cmpi ne, %convert_element_type3A_49, %cond3A_50 : i32
    scf.if %cond3A_51 {
      %get3A_77 = arith.constant 2 : index
      %get3A_78 = arith.constant 0 : index
      %get3A_79 = arith.constant 0 : index
      %get3A_80 = vector.load %arg5[%get3A_77, %get3A_78, %get3A_79] : memref<5x96x96xf32, #tpu.memory_space<vmem>>, vector<1x96x96xf32>
      %get3A_81 = vector.shape_cast %get3A_80 : vector<1x96x96xf32> to vector<96x96xf32>
      %add3A = arith.addf %get3A_81, %reduce_sum3A_19 : vector<96x96xf32>
      %swap3A = arith.constant 2 : index
      %swap3A_82 = arith.constant 0 : index
      %swap3A_83 = arith.constant 0 : index
      %swap3A_84 = vector.load %arg5[%swap3A, %swap3A_82, %swap3A_83] : memref<5x96x96xf32, #tpu.memory_space<vmem>>, vector<1x96x96xf32>
      %swap3A_85 = vector.shape_cast %swap3A_84 : vector<1x96x96xf32> to vector<96x96xf32>
      %swap3A_86 = vector.shape_cast %add3A : vector<96x96xf32> to vector<1x96x96xf32>
      tpu.vector_store %arg5[%swap3A, %swap3A_82, %swap3A_83], %swap3A_86 {strides = array<i32>} : memref<5x96x96xf32, #tpu.memory_space<vmem>>, vector<1x96x96xf32>,
    } else {
    }
    %eq3A_52 = arith.constant 0 : i32
    %eq3A_53 = arith.cmpi eq, %arg1, %eq3A_52 : i32
    %convert_element_type3A_54 = arith.extui %eq3A_53 : i1 to i32
    %cond3A_55 = arith.constant 0 : i32
    %cond3A_56 = arith.cmpi ne, %convert_element_type3A_54, %cond3A_55 : i32
    scf.if %cond3A_56 {
      %swap3A = arith.constant 3 : index
      %swap3A_77 = arith.constant 0 : index
      %swap3A_78 = arith.constant 0 : index
      %swap3A_79 = vector.load %arg5[%swap3A, %swap3A_77, %swap3A_78] : memref<5x96x96xf32, #tpu.memory_space<vmem>>, vector<1x96x96xf32>
      %swap3A_80 = vector.shape_cast %swap3A_79 : vector<1x96x96xf32> to vector<96x96xf32>
      %swap3A_81 = vector.shape_cast %reduce_sum3A_21 : vector<96x96xf32> to vector<1x96x96xf32>
      tpu.vector_store %arg5[%swap3A, %swap3A_77, %swap3A_78], %swap3A_81 {strides = array<i32>} : memref<5x96x96xf32, #tpu.memory_space<vmem>>, vector<1x96x96xf32>,
    } else {
    }
    %gt3A_57 = arith.constant 0 : i32
    %gt3A_58 = arith.cmpi sgt, %arg1, %gt3A_57 : i32
    %convert_element_type3A_59 = arith.extui %gt3A_58 : i1 to i32
    %cond3A_60 = arith.constant 0 : i32
    %cond3A_61 = arith.cmpi ne, %convert_element_type3A_59, %cond3A_60 : i32
    scf.if %cond3A_61 {
      %get3A_77 = arith.constant 3 : index
      %get3A_78 = arith.constant 0 : index
      %get3A_79 = arith.constant 0 : index
      %get3A_80 = vector.load %arg5[%get3A_77, %get3A_78, %get3A_79] : memref<5x96x96xf32, #tpu.memory_space<vmem>>, vector<1x96x96xf32>
      %get3A_81 = vector.shape_cast %get3A_80 : vector<1x96x96xf32> to vector<96x96xf32>
      %add3A = arith.addf %get3A_81, %reduce_sum3A_21 : vector<96x96xf32>
      %swap3A = arith.constant 3 : index
      %swap3A_82 = arith.constant 0 : index
      %swap3A_83 = arith.constant 0 : index
      %swap3A_84 = vector.load %arg5[%swap3A, %swap3A_82, %swap3A_83] : memref<5x96x96xf32, #tpu.memory_space<vmem>>, vector<1x96x96xf32>
      %swap3A_85 = vector.shape_cast %swap3A_84 : vector<1x96x96xf32> to vector<96x96xf32>
      %swap3A_86 = vector.shape_cast %add3A : vector<96x96xf32> to vector<1x96x96xf32>
      tpu.vector_store %arg5[%swap3A, %swap3A_82, %swap3A_83], %swap3A_86 {strides = array<i32>} : memref<5x96x96xf32, #tpu.memory_space<vmem>>, vector<1x96x96xf32>,
    } else {
    }
    %eq3A_62 = arith.constant 0 : i32
    %eq3A_63 = arith.cmpi eq, %arg1, %eq3A_62 : i32
    %convert_element_type3A_64 = arith.extui %eq3A_63 : i1 to i32
    %cond3A_65 = arith.constant 0 : i32
    %cond3A_66 = arith.cmpi ne, %convert_element_type3A_64, %cond3A_65 : i32
    scf.if %cond3A_66 {
      %swap3A = arith.constant 4 : index
      %swap3A_77 = arith.constant 0 : index
      %swap3A_78 = arith.constant 0 : index
      %swap3A_79 = vector.load %arg5[%swap3A, %swap3A_77, %swap3A_78] : memref<5x96x96xf32, #tpu.memory_space<vmem>>, vector<1x96x96xf32>
      %swap3A_80 = vector.shape_cast %swap3A_79 : vector<1x96x96xf32> to vector<96x96xf32>
      %swap3A_81 = vector.shape_cast %reduce_sum3A_23 : vector<96x96xf32> to vector<1x96x96xf32>
      tpu.vector_store %arg5[%swap3A, %swap3A_77, %swap3A_78], %swap3A_81 {strides = array<i32>} : memref<5x96x96xf32, #tpu.memory_space<vmem>>, vector<1x96x96xf32>,
    } else {
    }
    %gt3A_67 = arith.constant 0 : i32
    %gt3A_68 = arith.cmpi sgt, %arg1, %gt3A_67 : i32
    %convert_element_type3A_69 = arith.extui %gt3A_68 : i1 to i32
    %cond3A_70 = arith.constant 0 : i32
    %cond3A_71 = arith.cmpi ne, %convert_element_type3A_69, %cond3A_70 : i32
    scf.if %cond3A_71 {
      %get3A_77 = arith.constant 4 : index
      %get3A_78 = arith.constant 0 : index
      %get3A_79 = arith.constant 0 : index
      %get3A_80 = vector.load %arg5[%get3A_77, %get3A_78, %get3A_79] : memref<5x96x96xf32, #tpu.memory_space<vmem>>, vector<1x96x96xf32>
      %get3A_81 = vector.shape_cast %get3A_80 : vector<1x96x96xf32> to vector<96x96xf32>
      %add3A = arith.addf %get3A_81, %reduce_sum3A_23 : vector<96x96xf32>
      %swap3A = arith.constant 4 : index
      %swap3A_82 = arith.constant 0 : index
      %swap3A_83 = arith.constant 0 : index
      %swap3A_84 = vector.load %arg5[%swap3A, %swap3A_82, %swap3A_83] : memref<5x96x96xf32, #tpu.memory_space<vmem>>, vector<1x96x96xf32>
      %swap3A_85 = vector.shape_cast %swap3A_84 : vector<1x96x96xf32> to vector<96x96xf32>
      %swap3A_86 = vector.shape_cast %add3A : vector<96x96xf32> to vector<1x96x96xf32>
      tpu.vector_store %arg5[%swap3A, %swap3A_82, %swap3A_83], %swap3A_86 {strides = array<i32>} : memref<5x96x96xf32, #tpu.memory_space<vmem>>, vector<1x96x96xf32>,
    } else {
    }
    %eq3A_72 = arith.constant 1 : i32
    %eq3A_73 = arith.cmpi eq, %arg1, %eq3A_72 : i32
    %convert_element_type3A_74 = arith.extui %eq3A_73 : i1 to i32
    %cond3A_75 = arith.constant 0 : i32
    %cond3A_76 = arith.cmpi ne, %convert_element_type3A_74, %cond3A_75 : i32
    scf.if %cond3A_76 {
      %get3A_77 = arith.constant 0 : index
      %get3A_78 = arith.constant 0 : index
      %get3A_79 = arith.constant 0 : index
      %get3A_80 = vector.load %arg5[%get3A_77, %get3A_78, %get3A_79] : memref<5x96x96xf32, #tpu.memory_space<vmem>>, vector<5x96x96xf32>
      %reduce_sum3A_81 = arith.constant dense<0.000000e+00> : vector<5x96xf32>
      %reduce_sum3A_82 = vector.multi_reduction <add>, %get3A_80, %reduce_sum3A_81 [1] : vector<5x96x96xf32> to vector<5x96xf32>
      %reshape3A = vector.shape_cast %reduce_sum3A_82 : vector<5x96xf32> to vector<1x5x96xf32>
      %swap3A = arith.constant 0 : index
      %swap3A_83 = arith.constant 0 : index
      %swap3A_84 = arith.constant 0 : index
      %swap3A_85 = vector.load %arg4[%swap3A, %swap3A_83, %swap3A_84] : memref<1x5x96xf32, #tpu.memory_space<vmem>>, vector<1x5x96xf32>
      tpu.vector_store %arg4[%swap3A, %swap3A_83, %swap3A_84], %reshape3A {strides = array<i32>} : memref<1x5x96xf32, #tpu.memory_space<vmem>>, vector<1x5x96xf32>,
    } else {
    }
    return
  }
  func.func @transform_0(%arg0: i32, %arg1: i32) -> (i32, i32, i32, i32) {
    %c0_i32 = arith.constant 0 : i32
    %c0_i32_0 = arith.constant 0 : i32
    %c0_i32_1 = arith.constant 0 : i32
    return %arg0, %arg1, %c0_i32, %c0_i32_0 : i32, i32, i32, i32
  }
  func.func @transform_1(%arg0: i32, %arg1: i32) -> (i32, i32, i32, i32) {
    %c0_i32 = arith.constant 0 : i32
    %c0_i32_0 = arith.constant 0 : i32
    %c0_i32_1 = arith.constant 0 : i32
    return %arg0, %arg1, %c0_i32, %c0_i32_0 : i32, i32, i32, i32
  }
  func.func @transform_2(%arg0: i32, %arg1: i32) -> (i32, i32, i32) {
    %c0_i32 = arith.constant 0 : i32
    %c0_i32_0 = arith.constant 0 : i32
    %c0_i32_1 = arith.constant 0 : i32
    return %arg0, %c0_i32, %c0_i32_0 : i32, i32, i32
  }
}

module attributes {stable_mosaic.version = 14 : i64} {
  func.func @_combine_body(%arg0: memref<2x16x8x128xf32, #tpu.memory_space<vmem>>, %arg1: memref<16x5x96xf32, #tpu.memory_space<vmem>>, %arg2: memref<1x1xf32, #tpu.memory_space<vmem>>) attributes {dimension_semantics = [], scalar_prefetch = 0 : i64, scratch_operands = 0 : i64, tpu.core_type = #tpu.core_type<tc>} {
    %get3A = arith.constant 0 : index
    %get3A_0 = arith.constant 0 : index
    %get3A_1 = arith.constant 0 : index
    %get3A_2 = arith.constant 0 : index
    %get3A_3 = vector.load %arg0[%get3A, %get3A_0, %get3A_1, %get3A_2] : memref<2x16x8x128xf32, #tpu.memory_space<vmem>>, vector<2x16x8x128xf32>
    %slice3A = vector.extract_strided_slice %get3A_3 {offsets = [0, 0, 0, 0], sizes = [1, 16, 8, 128], strides = [1, 1, 1, 1]} : vector<2x16x8x128xf32> to vector<1x16x8x128xf32>
    %squeeze3A = vector.shape_cast %slice3A : vector<1x16x8x128xf32> to vector<16x8x128xf32>
    %slice3A_4 = vector.extract_strided_slice %get3A_3 {offsets = [1, 0, 0, 0], sizes = [1, 16, 8, 128], strides = [1, 1, 1, 1]} : vector<2x16x8x128xf32> to vector<1x16x8x128xf32>
    %squeeze3A_5 = vector.shape_cast %slice3A_4 : vector<1x16x8x128xf32> to vector<16x8x128xf32>
    %add3A = arith.addf %squeeze3A, %squeeze3A_5 : vector<16x8x128xf32>
    %slice3A_6 = vector.extract_strided_slice %add3A {offsets = [0, 0, 0], sizes = [16, 5, 16], strides = [1, 1, 1]} : vector<16x8x128xf32> to vector<16x5x16xf32>
    %reduce_sum3A = arith.constant dense<0.000000e+00> : vector<16x5xf32>
    %reduce_sum3A_7 = vector.multi_reduction <add>, %slice3A_6, %reduce_sum3A [2] : vector<16x5x16xf32> to vector<16x5xf32>
    %get3A_8 = arith.constant 0 : index
    %get3A_9 = arith.constant 0 : index
    %get3A_10 = arith.constant 0 : index
    %get3A_11 = vector.load %arg1[%get3A_8, %get3A_9, %get3A_10] : memref<16x5x96xf32, #tpu.memory_space<vmem>>, vector<16x5x96xf32>
    %reduce_sum3A_12 = arith.constant dense<0.000000e+00> : vector<16x5xf32>
    %reduce_sum3A_13 = vector.multi_reduction <add>, %get3A_11, %reduce_sum3A_12 [2] : vector<16x5x96xf32> to vector<16x5xf32>
    %add3A_14 = arith.addf %reduce_sum3A_7, %reduce_sum3A_13 : vector<16x5xf32>
    %slice3A_15 = vector.extract_strided_slice %add3A_14 {offsets = [0, 0], sizes = [16, 1], strides = [1, 1]} : vector<16x5xf32> to vector<16x1xf32>
    %slice3A_16 = vector.extract_strided_slice %add3A_14 {offsets = [0, 1], sizes = [16, 1], strides = [1, 1]} : vector<16x5xf32> to vector<16x1xf32>
    %slice3A_17 = vector.extract_strided_slice %add3A_14 {offsets = [0, 2], sizes = [16, 1], strides = [1, 1]} : vector<16x5xf32> to vector<16x1xf32>
    %slice3A_18 = vector.extract_strided_slice %add3A_14 {offsets = [0, 3], sizes = [16, 1], strides = [1, 1]} : vector<16x5xf32> to vector<16x1xf32>
    %slice3A_19 = vector.extract_strided_slice %add3A_14 {offsets = [0, 4], sizes = [16, 1], strides = [1, 1]} : vector<16x5xf32> to vector<16x1xf32>
    %sub3A = arith.constant 8.847360e+05 : f32
    %sub3A_20 = vector.broadcast %sub3A : f32 to vector<16x1xf32>
    %sub3A_21 = arith.subf %sub3A_20, %slice3A_15 : vector<16x1xf32>
    %max3A = arith.constant 1.000000e+00 : f32
    %max3A_22 = vector.broadcast %max3A : f32 to vector<16x1xf32>
    %max3A_23 = arith.maximumf %slice3A_15, %max3A_22 : vector<16x1xf32>
    %max3A_24 = arith.constant 1.000000e+00 : f32
    %max3A_25 = vector.broadcast %max3A_24 : f32 to vector<16x1xf32>
    %max3A_26 = arith.maximumf %sub3A_21, %max3A_25 : vector<16x1xf32>
    %div3A = arith.divf %slice3A_16, %max3A_23 : vector<16x1xf32>
    %sub3A_27 = arith.subf %slice3A_18, %slice3A_16 : vector<16x1xf32>
    %div3A_28 = arith.divf %sub3A_27, %max3A_26 : vector<16x1xf32>
    %div3A_29 = arith.divf %slice3A_17, %max3A_23 : vector<16x1xf32>
    %sub3A_30 = arith.subf %slice3A_19, %slice3A_17 : vector<16x1xf32>
    %div3A_31 = arith.divf %sub3A_30, %max3A_26 : vector<16x1xf32>
    %gt3A = arith.constant 0.000000e+00 : f32
    %gt3A_32 = vector.broadcast %gt3A : f32 to vector<16x1xf32>
    %gt3A_33 = arith.cmpf ogt, %slice3A_15, %gt3A_32 : vector<16x1xf32>
    %gt3A_34 = arith.constant 0.000000e+00 : f32
    %gt3A_35 = vector.broadcast %gt3A_34 : f32 to vector<16x1xf32>
    %gt3A_36 = arith.cmpf ogt, %sub3A_21, %gt3A_35 : vector<16x1xf32>
    %and3A = arith.andi %gt3A_33, %gt3A_36 : vector<16x1xi1>
    %sub3A_37 = arith.subf %div3A, %div3A_28 : vector<16x1xf32>
    %sub3A_38 = arith.subf %div3A_29, %div3A_31 : vector<16x1xf32>
    %add3A_39 = arith.constant 9.99999993E-9 : f32
    %add3A_40 = vector.broadcast %add3A_39 : f32 to vector<16x1xf32>
    %add3A_41 = arith.addf %sub3A_38, %add3A_40 : vector<16x1xf32>
    %div3A_42 = arith.divf %sub3A_37, %add3A_41 : vector<16x1xf32>
    %convert_element_type3A = arith.extui %and3A : vector<16x1xi1> to vector<16x1xi32>
    %convert_element_type3A_43 = arith.sitofp %convert_element_type3A : vector<16x1xi32> to vector<16x1xf32>
    %reduce_sum3A_44 = vector.shape_cast %convert_element_type3A_43 : vector<16x1xf32> to vector<1x16x1xf32>
    %reduce_sum3A_45 = arith.constant dense<0.000000e+00> : vector<1xf32>
    %reduce_sum3A_46 = vector.multi_reduction <add>, %reduce_sum3A_44, %reduce_sum3A_45 [1, 2] : vector<1x16x1xf32> to vector<1xf32>
    %reduce_sum3A_47 = vector.shape_cast %reduce_sum3A_46 : vector<1xf32> to vector<1x1x1xf32>
    %reduce_sum3A_48 = vector.extract %reduce_sum3A_47[0, 0, 0] : f32 from vector<1x1x1xf32>
    %mul3A = arith.mulf %div3A_42, %convert_element_type3A_43 : vector<16x1xf32>
    %reduce_sum3A_49 = vector.shape_cast %mul3A : vector<16x1xf32> to vector<1x16x1xf32>
    %reduce_sum3A_50 = arith.constant dense<0.000000e+00> : vector<1xf32>
    %reduce_sum3A_51 = vector.multi_reduction <add>, %reduce_sum3A_49, %reduce_sum3A_50 [1, 2] : vector<1x16x1xf32> to vector<1xf32>
    %reduce_sum3A_52 = vector.shape_cast %reduce_sum3A_51 : vector<1xf32> to vector<1x1x1xf32>
    %reduce_sum3A_53 = vector.extract %reduce_sum3A_52[0, 0, 0] : f32 from vector<1x1x1xf32>
    %max3A_54 = arith.constant 1.000000e+00 : f32
    %max3A_55 = arith.maximumf %reduce_sum3A_48, %max3A_54 : f32
    %div3A_56 = arith.divf %reduce_sum3A_53, %max3A_55 : f32
    %gt3A_57 = arith.constant 0.000000e+00 : f32
    %gt3A_58 = arith.cmpf ogt, %reduce_sum3A_48, %gt3A_57 : f32
    %jit3A = arith.constant 1.000000e+00 : f32
    %select_n3A = arith.select %gt3A_58, %div3A_56, %jit3A : f32
    %broadcast_in_dim3A = vector.broadcast %select_n3A : f32 to vector<1x1xf32>
    %swap3A = arith.constant 0 : index
    %swap3A_59 = arith.constant 0 : index
    %swap3A_60 = vector.load %arg2[%swap3A, %swap3A_59] : memref<1x1xf32, #tpu.memory_space<vmem>>, vector<1x1xf32>
    tpu.vector_store %arg2[%swap3A, %swap3A_59], %broadcast_in_dim3A {strides = array<i32>} : memref<1x1xf32, #tpu.memory_space<vmem>>, vector<1x1xf32>,
    return
  }
}

</mosaic_0001>

<sc_bundles>
// kernel: kernel.5.cloned.1.call-start
scs
__scs_entry_jumppad:
0x0: {  	(pc) =	sbr.rel $0x88, $3  }
0x1: {  	(tag) =	ssettag $0x0;
	lr =	simm.s32 $0x1  }
0x2: {  	[smem:$0x3F9F] =	sst lr;
	_ =	strace $0xD0000000  }
0x3: {  	_ = 	snop  }
0x4: {  	_ = 	snop  }
0x5: {  	_ = 	snop  }
0x6: {  	_ = 	snop  }
0x7: {  	_ = 	snop  }
__scs_overlays_trampoline_lowered:
0x8: {  	[smem:$0x3FAE] =	sst s0  }
0x9: {  	[smem:$0x3FAF] =	sst s1  }
0xa: {  	[smem:$0x3FB0] =	sst s2  }
0xb: {  	[smem:$0x3FB1] =	sst s3  }
0xc: {  	[smem:$0x3FB2] =	sst s4  }
0xd: {  	[smem:$0x3FB3] =	sst s5  }
0xe: {  	[smem:$0x3FB4] =	sst s6  }
0xf: {  	[smem:$0x3FB5] =	sst s7  }
0x10: {  	[smem:$0x3FB6] =	sst s8  }
0x11: {  	[smem:$0x3FB7] =	sst s9;
	s0 =	simm.s32 @!p0 $0x0  }
0x12: {  	s1 =	sld [smem:$0x3F9D];
	s0 =	simm.s32 @p0 $0x1  }
0x13: {  	[smem:$0x3FB8] =	sst s0;
	s0 =	simm.s32 @!p1 $0x0  }
0x14: {  	s2 =	sld [smem:$0x3F9C];
	s0 =	simm.s32 @p1 $0x1  }
0x15: {  	[smem:$0x3FB9] =	sst s0;
	s0 =	simm.s32 @!p2 $0x0  }
0x16: {  	s3 =	sld [smem:$0x3FDB];
	s0 =	simm.s32 @p2 $0x1  }
0x17: {  	s4 =	simm.s32 $0x1BF5;
	[smem:$0x3FBB] =	sst s0  }
0x18: {  	s0 =	sld [smem:$0x3F9E];
	_ =	swait.ge [sflag:s4], $0x0  }
0x19: {  	s7 =	sld [smem:$0x3F9F]  }
0x1a: {  	s8 =	sadd.s32 $0xFFFFE003, lr  }
0x1b: {  	s9 =	sadd.s32 $0xFFFFFEF7, lr;
	s5 =	simm.s32 $0xFFFFFFFF;
	p2 =	slt.u32 s8, $0xFFFFF086  }
0x1c: {  	p1 =	slt.u32 s9, $0xF7A;
	s5 =	simm.s32 @!p2 $0x0  }
0x1d: {  	s5 =	simm.s32 @p1 $0x1;
	p0 =	seq.s32 s7, s2  }
0x1e: {  	s7 =	smul.u32 @!p0 $0xF7A, s2;
	p2 =	seq.s32 @!p0 s5, $0x0  }
0x1f: {  	s9 =	smul.u32 $0xF7A, s1;
	s8 =	simm.s32 @!p0 $0x1BF5;
	p2 =	por !p2, p0  }
0x20: {  	[sflag:s8] =	ssyncset.s32 @!p0 $0xFFFFF086;
	s6 =	sadd.s32 @!p0 s3, s7;
	s7 =	simm.s32 @!p0 $0x108  }
0x21: {  	s3 =	sadd.s32 s3, s9;
	s6 =	sadd.s32 @!p0 $0x88, s6;
	s7 =	simm.s32 @p2 $0x1082  }
0x22: {  	[simem:s7], [sflag:s8] =	dma.local @!p0 [hbm:s6], $0xF7A  }
0x23: {  	s9 =	sor.u32 $0xD0000000, s2;
	s6 =	simm.s32 $0x108;
	_ =	swait.ge @!p0 [sflag:s8], $0x0  }
0x24: {  	s3 =	sadd.s32 $0x88, s3;
	s6 =	simm.s32 @!p1 $0x1082;
	[sflag:s4] =	ssyncset.s32 $0xFFFFF086  }
0x25: {  	[simem:s6], [sflag:s4] =	dma.local [hbm:s3], $0xF7A  }
0x26: {  	[smem:$0x3F9F] =	sst s1;
	(tag) =	ssettag s2;
	_ =	strace s9  }
0x27: {  	s1 =	sld [smem:$0x3FAF]  }
0x28: {  	s2 =	sld [smem:$0x3FB0]  }
0x29: {  	s4 =	sld [smem:$0x3FB2]  }
0x2a: {  	p0 =	seq.s32 s5, $0x0;
	s5 =	sld [smem:$0x3FB3]  }
0x2b: {  	s6 =	sld [smem:$0x3FB4]  }
0x2c: {  	s7 =	sld [smem:$0x3FB5]  }
0x2d: {  	s3 =	simm.s32 $0x108;
	s8 =	sld [smem:$0x3FB6]  }
0x2e: {  	s3 =	simm.s32 @!p0 $0x1082;
	s9 =	sld [smem:$0x3FB7]  }
0x2f: {  	lr =	sadd.s32 s0, s3;
	s0 =	sld [smem:$0x3FAE]  }
0x30: {  	s3 =	sld [smem:$0x3FB1]  }
0x31: {  	[smem:$0x3FBA] =	sst s10  }
0x32: {  	s10 =	sld [smem:$0x3FB8];
	_ =	sdelay $0x3  }
0x33: {  	p0 =	seq.s32 s10, $0x1;
	s10 =	sld [smem:$0x3FBA];
	_ =	sdelay $0x3  }
0x34: {  	[smem:$0x3FBA] =	sst s10  }
0x35: {  	s10 =	sld [smem:$0x3FB9];
	_ =	sdelay $0x3  }
0x36: {  	p1 =	seq.s32 s10, $0x1;
	s10 =	sld [smem:$0x3FBA];
	_ =	sdelay $0x3  }
0x37: {  	[smem:$0x3FBA] =	sst s10  }
0x38: {  	s10 =	sld [smem:$0x3FBB]  }
0x39: {  	_ = 	snop;
	(pc) =	sbr.ind lr, $3  }
0x3a: {  	_ = 	snop  }
0x3b: {  	_ = 	snop  }
0x3c: {  	p2 =	seq.s32 s10, $0x1;
	s10 =	sld [smem:$0x3FBA]  }
0x3d: {  	_ =	shalt  }
0x3e: {  	_ =	shalt  }
0x3f: {  	_ =	shalt  }
0x40: {  	_ =	shalt  }
0x41: {  	_ =	shalt  }
0x42: {  	_ =	shalt  }
0x43: {  	_ =	shalt  }
0x44: {  	_ =	shalt  }
0x45: {  	_ =	shalt  }
0x46: {  	_ =	shalt  }
0x47: {  	_ =	shalt  }
0x48: {  	_ =	shalt  }
0x49: {  	_ =	shalt  }
0x4a: {  	_ =	shalt  }
0x4b: {  	_ =	shalt  }
0x4c: {  	_ =	shalt  }
0x4d: {  	_ =	shalt  }
0x4e: {  	_ =	shalt  }
0x4f: {  	_ =	shalt  }
0x50: {  	_ =	shalt  }
0x51: {  	_ =	shalt  }
0x52: {  	_ =	shalt  }
0x53: {  	_ =	shalt  }
0x54: {  	_ =	shalt  }
0x55: {  	_ =	shalt  }
0x56: {  	_ =	shalt  }
0x57: {  	_ =	shalt  }
0x58: {  	_ =	shalt  }
0x59: {  	_ =	shalt  }
0x5a: {  	_ =	shalt  }
0x5b: {  	_ =	shalt  }
0x5c: {  	_ =	shalt  }
0x5d: {  	_ =	shalt  }
0x5e: {  	_ =	shalt  }
0x5f: {  	_ =	shalt  }
0x60: {  	_ =	shalt  }
0x61: {  	_ =	shalt  }
0x62: {  	_ =	shalt  }
0x63: {  	_ =	shalt  }
0x64: {  	_ =	shalt  }
0x65: {  	_ =	shalt  }
0x66: {  	_ =	shalt  }
0x67: {  	_ =	shalt  }
0x68: {  	_ =	shalt  }
0x69: {  	_ =	shalt  }
0x6a: {  	_ =	shalt  }
0x6b: {  	_ =	shalt  }
0x6c: {  	_ =	shalt  }
0x6d: {  	_ =	shalt  }
0x6e: {  	_ =	shalt  }
0x6f: {  	_ =	shalt  }
0x70: {  	_ =	shalt  }
0x71: {  	_ =	shalt  }
0x72: {  	_ =	shalt  }
0x73: {  	_ =	shalt  }
0x74: {  	_ =	shalt  }
0x75: {  	_ =	shalt  }
0x76: {  	_ =	shalt  }
0x77: {  	_ =	shalt  }
0x78: {  	_ =	shalt  }
0x79: {  	_ =	shalt  }
0x7a: {  	_ =	shalt  }
0x7b: {  	_ =	shalt  }
0x7c: {  	_ =	shalt  }
0x7d: {  	_ =	shalt  }
0x7e: {  	_ =	shalt  }
0x7f: {  	_ =	shalt  }
0x80: {  	_ =	shalt  }
0x81: {  	_ =	shalt  }
0x82: {  	_ =	shalt  }
0x83: {  	_ =	shalt  }
0x84: {  	_ =	shalt  }
0x85: {  	_ =	shalt  }
0x86: {  	_ =	shalt  }
0x87: {  	_ =	shalt  }
.Lfunc_end0:
.L_simem_size_0:
called_computation_lowered:
.L_overlay_start_0:
0x88: {  	s2 =	sld [smem:$0x3FD9]  }
0x89: {  	s3 =	sld [smem:$0x3FFE];
	_ =	sdelay $0x1  }
0x8a: {  	s1 =	srdreg.scid  }
0x8b: {  	s0 =	sand.u32 $0x1, s1  }
0x8c: {  	s17 =	sshll.u32 s0, $0xA;
	s2 =	sadd.s32 s3, s2  }
0x8d: {  	s2 =	sadd.s32 s2, s17  }
0x8e: {  	[smem:$0x3FC6] =	sst s2  }
0x8f: {  	_ = 	snop  }
0x90: {  	s2 =	sld [smem:$0x3FC9]  }
0x91: {  	s18 =	sld [smem:$0x3FC8];
	(tm) =	ssettm $0x1  }
0x92: {  	s4 =	sld [smem:$0x3FFB];
	_ =	sdelay $0x3  }
0x93: {  	_ =	strace s4  }
0x94: {  	s4 =	sld [smem:$0x3FFC];
	_ =	sdelay $0x3  }
0x95: {  	_ =	strace s4  }
0x96: {  	s4 =	sld [smem:$0x3FFD];
	_ =	sdelay $0x3  }
0x97: {  	_ =	strace s4  }
0x98: {  	_ =	strace $0x8FFFFFFF  }
0x99: {  	s19 =	sld [smem:$0x3FDB];
	_ =	sdelay $0x1  }
0x9a: {  	s5 =	simm.s32 $_scs_section_size  }
0x9b: {  	s6 =	simm.s32 $_size__tile_overlayer_lowered;
	s7 =	simm.s32 $_tile_overlayer_lowered  }
0x9c: {  	s22 =	simm.s32 $0x1BFF;
	s21 =	sshll.u32 s7, $0x1;
	s4 =	sadd.s32 s5, s19  }
0x9d: {  	s8 =	simm.s32 $0x0;
	s20 =	sshll.u32 s6, $0x1;
	s6 =	sadd.s32 s21, s4  }
0x9e: {  	[timem:s8], [sflag:s22] =	dma.local [hbm:s6], s20  }
0x9f: {  	_ =	swait.ge [sflag:s22], s20  }
0xa0: {  	s5 =	ssub.s32 $0x0, s20;
	[sflag:s22] =	ssyncset.done $0x0  }
0xa1: {  	[sflag:s22] =	ssyncadd.s32 s5;
	_ =	sdelay $0x1  }
0xa2: {  	s23 =	simm.s32 $0x1B8B  }
0xa3: {  	_ =	swait.ge [sflag:s23], $0x1  }
0xa4: {  	[sflag:s23] =	ssyncset.done $0x0  }
0xa5: {  	s25 =	simm.s32 $0x1B8E;
	s24 =	sld [smem:$0x3FFE];
	[sflag:s23] =	ssyncadd.s32 $0xFFFFFFFF  }
0xa6: {  	s26 =	simm.s32 $execute0_lowered;
	[smem:$0x3FD2] =	sst s25  }
0xa7: {  	s6 =	sshll.u32 s26, $0x1;
	_ =	strace $0x80000046;
	[dreg:$0x1] =	wrdreg $0xFFFFFFFF  }
0xa8: {  	s28 =	simm.s32 $_size_execute0_lowered;
	s4 =	sadd.s32 s4, s6;
	[dreg:$0x0] =	wrdreg $0x0  }
0xa9: {  	s6 =	sshll.u32 s28, $0x1;
	[dreg:$0x2] =	wrdreg s4  }
0xaa: {  	[dreg:$0x3] =	wrdreg s6  }
0xab: {  	[dreg:$0x4] =	wrdreg $0xC0  }
0xac: {  	_ =	task [dreg:s8], $0x5FFFF  }
0xad: {  	[dreg:$0x1] =	wrdreg $0xFFFFFFFF  }
0xae: {  	[dreg:$0x0] =	wrdreg $0x60  }
0xaf: {  	[dreg:$0x2] =	wrdreg s2  }
0xb0: {  	[dreg:$0x3] =	wrdreg s18  }
0xb1: {  	[dreg:$0x4] =	wrdreg s24  }
0xb2: {  	[dreg:$0x5] =	wrdreg $0x9  }
0xb3: {  	_ =	task.clear_ibuf [dreg:s8], $0x6FFFF;
	_ =	strace $0x90000046  }
0xb4: {  	s29 =	simm.s32 $0x9;
	_ =	strace $0x80000048  }
0xb5: {  	_ =	swait.ge [sflag:s29], $0x1  }
0xb6: {  	[sflag:s29] =	ssyncadd.s32 $0xFFFFFFFF  }
0xb7: {  	_ =	strace $0x90000048  }
0xb8: {  	_ =	sfence  }
0xb9: {  	s30 =	sld [smem:$0x0];
	_ =	sdelay $0x2  }
0xba: {  	s31 =	sshll.u32 s1, $0xD;
	s1 =	sshrl.u32 s1, $0x2  }
0xbb: {  	s3 =	sand.u32 $0x4000, s31;
	s1 =	sadd.s32 s1, s30  }
0xbc: {  	s0 =	sor.u32 s3, s0;
	s1 =	sshll.u32 s1, $0x11  }
0xbd: {  	s0 =	sor.u32 s1, s0  }
0xbe: {  	s0 =	sadd.s32 $0x8F2B, s0  }
0xbf: {  	[sflag:s0] =	ssyncadd.remote.s32 $0x1  }
0xc0: {  	_ =	sfence.sel $0xFFFF  }
0xc1: {  	[dreg:$0x0] =	wrdreg $0xFFFFFFFF;
	(pc) =	sbr.abs _section_cstart, $3  }
0xc2: {  	[dreg:$0x1] =	wrdreg $0xFFFFFFFF  }
0xc3: {  	_ =	task.clear_ibuf [dreg:s8], $0x2FFFF;
	_ =	strace $0x9FFFFFFF  }
0xc4: {  	(tm) =	ssettm $0x7FFFFFFF  }
0xc5: {  	_ =	shalt  }
tec
execute0_lowered:
.L_overlay_start_1:
0x0: {  	(tag) =	ssettag $0x1  }
0x1: {  	s0 =	srdreg.scid  }
0x2: {  	s3 =	stileid.u32;
	s2 =	rddreg [dreg:$0x0];
	s0 =	sand.u32 $0x1, s0  }
0x3: {  	s6 =	rddreg [dreg:$0x2];
	s1 =	sor.u32 s0, s3  }
0x4: {  	s4 =	simm.s32 $0x0;
	p1 =	seq.s32 s0, $0x1;
	p0 =	seq.s32 s1, $0x0  }
0x5: {  	s29 =	simm.s32 $0x2;
	s30 =	simm.s32 $0xC000;
	p0 =	por !p0, !p1  }
0x6: {  	s31 =	simm.s32 $0x1B000;
	s1 =	simm.s32 $0x1;
	p0 =	por !p0, !p0  }
0x7: {  	s28 =	simm.s32 $0xA;
	s7 =	smul.u32 $0x15, s0;
	s1 =	simm.s32 @!p0 $0x0  }
0x8: {  	s8 =	sshll.u32 s0, $0xE;
	s0 =	ssub.s32 $0x2, s0;
	s1 =	ssub.s32 s3, s1  }
0x9: {  	[smem:$0x7FF] =	sst s4;
	s9 =	sshrl.u32 s0, $0x1;
	s5 =	smul.u32 $0x60, s1  }
0xa: {  	s0 =	ssub.s32 s0, s9;
	s3 =	rddreg [dreg:$0x1];
	s1 =	sshll.u32 s1, $0xA  }
0xb: {  	_ =	strace $0x80000047;
	s1 =	sadd.s32 s8, s1;
	s7 =	sor.u32 s5, s7  }
0xc: {  	s5 =	simm.s32 $0x1;
	s1 =	sshrl.u32 s1, $0x3;
	s19 =	smul.u32 $0x3000, s7  }
0xd: {  	s1 =	sadd.s32 s1, s6;
	s14 =	sadd.s32 $0x3A, s7;
	s15 =	sadd.s32 $0x3B, s7  }
0xe: {  	s16 =	sadd.s32 $0x3C, s7;
	s17 =	sadd.s32 $0x3D, s7;
	s18 =	sadd.s32 $0x3E, s7  }
0xf: {  	s7 =	simm.s32 $0x0;
	s20 =	sadd.s32 $0xA2000, s19;
	s10 =	sadd.s32 $0xA5000, s19  }
0x10: {  	s24 =	sadd.s32 $0xA8000, s19;
	s8 =	sadd.s32 $0xAB000, s19;
	s6 =	sshrl.u32 s20, $0x3  }
0x11: {  	s19 =	sadd.s32 $0x600, s1;
	s1 =	simm.s32 $0x3;
	s21 =	sadd.s32 s2, s6  }
0x12: {  	s22 =	sshrl.u32 s10, $0x3;
	s6 =	sadd.s32 s3, s6;
	[dreg:$0x4] =	wrdreg s21  }
0x13: {  	s26 =	sshrl.u32 s8, $0x3;
	s23 =	sadd.s32 s2, s22;
	[dreg:$0x5] =	wrdreg s6  }
0x14: {  	s20 =	smax.u32 s0, $0x1;
	s9 =	sadd.s32 s3, s22;
	[dreg:$0x6] =	wrdreg s23  }
0x15: {  	s0 =	simm.s32 $0x4;
	s8 =	sadd.s32 s2, s26;
	[dreg:$0x7] =	wrdreg s9  }
0x16: {  	s22 =	simm.s32 $0x5;
	s6 =	sshrl.u32 s24, $0x3;
	[dreg:$0xa] =	wrdreg s8  }
0x17: {  	s21 =	simm.s32 $0xF000;
	s23 =	simm.s32 $0x6;
	s25 =	sadd.s32 s2, s6  }
0x18: {  	s24 =	simm.s32 $0x7;
	s6 =	sadd.s32 s3, s6;
	[dreg:$0x8] =	wrdreg s25  }
0x19: {  	[dreg:$0x9] =	wrdreg s6;
	s6 =	sadd.s32 s3, s26;
	s25 =	simm.s32 $0x8  }
0x1a: {  	v0 =	vimm.f32 $0.0e+00;
	s26 =	simm.s32 $0x9;
	[dreg:$0xb] =	wrdreg s6;
	s6 =	simm.s32 $0xB  }
.LBB2_1:
0x1b: {  	s8 =	rddreg [dreg:$0x4]  }
0x1c: {  	[tilespmem:s4], [sflag:$0x1] =	stream.linear.gather [hbm4b:s8+s4], $0x3000, $0x38;
	[tilespmem:$0x1E400] =	vst v63  }
0x1d: {  	s10 =	rddreg [dreg:$0x5]  }
0x1e: {  	[tilespmem:s21], [sflag:$0x2] =	stream.linear.gather [hbm4b:s10+s4], $0x3000, $0x38;
	[tilespmem:$0x1E400] =	vst v63  }
0x1f: {  	s11 =	rddreg [dreg:$0x6];
	s9 =	simm.s32 $0x3000  }
0x20: {  	[tilespmem:s9], [sflag:$0x3] =	stream.linear.gather [hbm4b:s11+s4], $0x3000, $0x38;
	[tilespmem:$0x1E400] =	vst v63  }
0x21: {  	s12 =	rddreg [dreg:$0x7];
	s13 =	simm.s32 $0x12000  }
0x22: {  	[tilespmem:s13], [sflag:$0x4] =	stream.linear.gather [hbm4b:s12+s4], $0x3000, $0x38;
	[tilespmem:$0x1E400] =	vst v63  }
0x23: {  	s10 =	rddreg [dreg:$0x8];
	s11 =	simm.s32 $0x6000  }
0x24: {  	[tilespmem:s11], [sflag:$0x5] =	stream.linear.gather [hbm4b:s10+s4], $0x3000, $0x38;
	[tilespmem:$0x1E400] =	vst v63  }
0x25: {  	s12 =	rddreg [dreg:$0x9];
	s13 =	simm.s32 $0x15000  }
0x26: {  	[tilespmem:s13], [sflag:$0x6] =	stream.linear.gather [hbm4b:s12+s4], $0x3000, $0x38;
	[tilespmem:$0x1E400] =	vst v63  }
0x27: {  	s10 =	rddreg [dreg:$0xa];
	s11 =	simm.s32 $0x9000  }
0x28: {  	[tilespmem:s11], [sflag:$0x7] =	stream.linear.gather [hbm4b:s10+s4], $0x3000, $0x38;
	[tilespmem:$0x1E400] =	vst v63  }
0x29: {  	v1 =	vimm.f32 $0.0e+00;
	v2 =	vimm.f32 $0.0e+00;
	s8 =	simm.s32 $0x0;
	s12 =	rddreg [dreg:$0xb];
	s13 =	simm.s32 $0x18000  }
0x2a: {  	v3 =	vimm.f32 $0.0e+00;
	v4 =	vimm.f32 $0.0e+00;
	v5 =	vimm.f32 $0.0e+00;
	[tilespmem:s13], [sflag:$0x8] =	stream.linear.gather [hbm4b:s12+s4], $0x3000, $0x38;
	[tilespmem:$0x1E400] =	vst v63  }
.LBB2_2:
0x2b: {  	s9 =	smul.u32 $0x5, s8  }
0x2c: {  	_ =	swait.ge [sflag:s5], $0x3000  }
0x2d: {  	[sflag:s5] =	ssyncset.done $0x0;
	s10 =	sadd.s32 s9, s14  }
0x2e: {  	[sflag:s5] =	ssyncadd.s32 $0xFFFFD000;
	s10 =	smul.u32 $0x3000, s10  }
0x2f: {  	_ =	swait.ge [sflag:s29], $0x3000  }
0x30: {  	[sflag:s29] =	ssyncset.done $0x0;
	s10 =	sshrl.u32 s10, $0x3  }
0x31: {  	s12 =	simm.s32 $0x0;
	[sflag:s29] =	ssyncadd.s32 $0xFFFFD000;
	s11 =	sadd.s32 s2, s10  }
0x32: {  	[tilespmem:s30], [sflag:$0x9] =	stream.linear.gather [hbm4b:s11+s12], $0x3000, $0x38;
	[tilespmem:$0x1E400] =	vst v63  }
0x33: {  	s13 =	simm.s32 $0x0;
	s10 =	sadd.s32 s3, s10  }
0x34: {  	[tilespmem:s31], [sflag:$0xA] =	stream.linear.gather [hbm4b:s10+s12], $0x3000, $0x38;
	[tilespmem:$0x1E400] =	vst v63  }
0x35: {  	v8 =	vld [tilespmem:s13+$0xF040]  }
0x36: {  	v9 =	vld [tilespmem:s13+$0x50]  }
0x37: {  	v10 =	vld [tilespmem:s13+$0xF050]  }
0x38: {  	v16 =	vld [tilespmem:s13+$0x20]  }
0x39: {  	v12 =	vld [tilespmem:s13+$0x30]  }
0x3a: {  	v19 =	vld [tilespmem:s13+$0xF020]  }
0x3b: {  	v23 =	vld [tilespmem:s13+$0xF010]  }
0x3c: {  	v11 =	vld [tilespmem:s13+$0x40]  }
0x3d: {  	v17 =	vld [tilespmem:s13+$0xF030]  }
0x3e: {  	v6 =	vimm.f32 $0.0e+00;
	v21 =	vld [tilespmem:s13+$0xF000];
	vm0 =	vgt.f32 v8, $5.000000000e-01  }
0x3f: {  	vm1 =	vgt.f32 v10, $5.000000000e-01;
	v20 =	vadd.f32 v12, v16;
	vm2 =	vgt.f32 v19, $5.000000000e-01  }
0x40: {  	v15 =	vld [tilespmem:s13+$0x10];
	vm3 =	vgt.f32 v23, $5.000000000e-01;
	v13 =	vnsel vm0, $0x0, v8;
	v7 =	vsel vm0, $0x3F800000, v0  }
0x41: {  	v14 =	vsel vm1, $0x3F800000, v0;
	v22 =	vnsel vm1, $0x0, v10;
	v18 =	vnsel vm0, $0x0, v11  }
0x42: {  	v24 =	vnsel vm1, $0x0, v9;
	v8 =	vadd.f32 v10, v8;
	vm0 =	vgt.f32 v17, $5.000000000e-01  }
0x43: {  	vm1 =	vgt.f32 v21, $5.000000000e-01;
	v10 =	vsel vm2, $0x3F800000, v0;
	v26 =	vnsel vm2, $0x0, v19  }
0x44: {  	v25 =	vsel vm3, $0x3F800000, v0;
	v27 =	vnsel vm3, $0x0, v23;
	v13 =	vadd.f32 v22, v13;
	v22 =	vld [tilespmem:s13+$0x0]  }
0x45: {  	v30 =	vnsel vm3, $0x0, v15;
	v7 =	vadd.f32 v14, v7;
	v14 =	vadd.f32 v9, v11  }
0x46: {  	v18 =	vadd.f32 v24, v18;
	v9 =	vsel vm0, $0x3F800000, v0;
	v28 =	vnsel vm0, $0x0, v12  }
0x47: {  	v29 =	vnsel vm1, $0x0, v21;
	v12 =	vimm.f32 $0.0e+00;
	v11 =	vimm.f32 $0.0e+00  }
0x48: {  	s10 =	simm.s32 $0x200;
	v24 =	vadd.f32 v9, v10;
	v9 =	vimm.f32 $0.0e+00;
	v10 =	vimm.f32 $0.0e+00  }
.LBB2_3:
0x49: {  	s11 =	sshra.s32 s10, $0x2;
	p0 =	sne.s32 s10, $0xBE00;
	s10 =	sadd.s32 $0x200, s10;
	v31 =	vnsel vm1, $0x0, v22;
	v16 =	vnsel vm2, $0x0, v16;
	v32 =	vnsel vm0, $0x0, v17  }
0x4a: {  	v34 =	vsel vm1, $0x3F800000, v0;
	v21 =	vadd.f32 v23, v21;
	v17 =	vadd.f32 v17, v19;
	v33 =	vld [tilespmem:s11+$0xF040]  }
0x4b: {  	v19 =	vadd.f32 v27, v29;
	v15 =	vadd.f32 v15, v22;
	v23 =	vld [tilespmem:s11+$0x50]  }
0x4c: {  	v22 =	vadd.f32 v30, v31;
	v16 =	vadd.f32 v28, v16;
	v27 =	vld [tilespmem:s11+$0xF050]  }
0x4d: {  	v26 =	vadd.f32 v32, v26;
	v20 =	vadd.f32 v20, v15;
	v28 =	vld [tilespmem:s11+$0x40]  }
0x4e: {  	v29 =	vadd.f32 v17, v21;
	v22 =	vadd.f32 v16, v22;
	v15 =	vld [tilespmem:s11+$0x10]  }
0x4f: {  	v17 =	vadd.f32 v25, v34;
	v25 =	vadd.f32 v26, v19;
	v16 =	vld [tilespmem:s11+$0x20];
	vm0 =	vgt.f32 v33, $5.000000000e-01  }
0x50: {  	v31 =	vadd.f32 v14, v20;
	v18 =	vadd.f32 v18, v22;
	v30 =	vld [tilespmem:s11+$0x30];
	v26 =	vnsel vm0, $0x0, v33  }
0x51: {  	v20 =	vadd.f32 v24, v17;
	v14 =	vsel vm0, $0x3F800000, v0;
	v22 =	vld [tilespmem:s11+$0x0];
	vm1 =	vgt.f32 v27, $5.000000000e-01  }
0x52: {  	v6 =	vadd.f32 v18, v6;
	v17 =	vld [tilespmem:s11+$0xF030];
	v21 =	vsel vm1, $0x3F800000, v0;
	v24 =	vnsel vm1, $0x0, v27  }
0x53: {  	v32 =	vadd.f32 v7, v20;
	v18 =	vnsel vm0, $0x0, v28;
	v19 =	vld [tilespmem:s11+$0xF020];
	v7 =	vadd.f32 v21, v14  }
0x54: {  	v34 =	vnsel vm1, $0x0, v23;
	v14 =	vadd.f32 v23, v28;
	v28 =	vadd.f32 v8, v29;
	v21 =	vld [tilespmem:s11+$0xF000]  }
0x55: {  	v13 =	vadd.f32 v13, v25;
	v23 =	vld [tilespmem:s11+$0xF010];
	v20 =	vadd.f32 v30, v16  }
0x56: {  	v9 =	vadd.f32 v31, v9;
	v8 =	vadd.f32 v27, v33  }
0x57: {  	v18 =	vadd.f32 v34, v18;
	v10 =	vadd.f32 v28, v10;
	vm0 =	vgt.f32 v17, $5.000000000e-01  }
.Ltmp0:
0x58: {  	v11 =	vadd.f32 v13, v11;
	v12 =	vadd.f32 v32, v12;
	v31 =	vsel vm0, $0x3F800000, v0;
	(pc) =	sbr.rel @p0 .LBB2_3-.Ltmp0, $4  }
0x59: {  	v13 =	vadd.f32 v24, v26;
	vm2 =	vgt.f32 v19, $5.000000000e-01;
	vm1 =	vgt.f32 v21, $5.000000000e-01  }
0x5a: {  	v24 =	vsel vm2, $0x3F800000, v0;
	v26 =	vnsel vm2, $0x0, v19;
	vm3 =	vgt.f32 v23, $5.000000000e-01  }
0x5b: {  	v28 =	vnsel vm0, $0x0, v30;
	v25 =	vsel vm3, $0x3F800000, v0;
	v27 =	vnsel vm3, $0x0, v23  }
0x5c: {  	v29 =	vnsel vm1, $0x0, v21;
	v24 =	vadd.f32 v31, v24;
	v30 =	vnsel vm3, $0x0, v15  }
0x5d: {  	_ =	swait.ge [sflag:s1], $0x3000  }
0x5e: {  	s10 =	sadd.s32 s9, s15;
	[sflag:s1] =	ssyncset.done $0x0  }
0x5f: {  	s10 =	smul.u32 $0x3000, s10;
	[sflag:s1] =	ssyncadd.s32 $0xFFFFD000  }
0x60: {  	_ =	swait.ge [sflag:s0], $0x3000  }
0x61: {  	s10 =	sshrl.u32 s10, $0x3;
	[sflag:s0] =	ssyncset.done $0x0  }
0x62: {  	s12 =	simm.s32 $0x0;
	s11 =	sadd.s32 s2, s10;
	[sflag:s0] =	ssyncadd.s32 $0xFFFFD000  }
0x63: {  	v31 =	vnsel vm1, $0x0, v22;
	v16 =	vnsel vm2, $0x0, v16;
	v21 =	vadd.f32 v23, v21;
	[tilespmem:s12], [sflag:$0x1] =	stream.linear.gather [hbm4b:s11+s12], $0x3000, $0x38;
	[tilespmem:$0x1E400] =	vst v63  }
0x64: {  	s13 =	simm.s32 $0x0;
	v23 =	vadd.f32 v30, v31;
	v16 =	vadd.f32 v28, v16;
	s10 =	sadd.s32 s3, s10  }
0x65: {  	v19 =	vadd.f32 v17, v19;
	v15 =	vadd.f32 v15, v22;
	[tilespmem:s21], [sflag:$0x2] =	stream.linear.gather [hbm4b:s10+s12], $0x3000, $0x38;
	[tilespmem:$0x1E400] =	vst v63  }
0x66: {  	v27 =	vadd.f32 v27, v29;
	v22 =	vsel vm1, $0x3F800000, v0;
	v16 =	vadd.f32 v16, v23;
	v23 =	vld [tilespmem:s13+$0x12040]  }
0x67: {  	v17 =	vnsel vm0, $0x0, v17;
	v15 =	vadd.f32 v20, v15;
	v20 =	vadd.f32 v25, v22;
	v28 =	vld [tilespmem:s13+$0x3050]  }
0x68: {  	v17 =	vadd.f32 v17, v26;
	v16 =	vadd.f32 v18, v16;
	v18 =	vld [tilespmem:s13+$0x12050]  }
0x69: {  	v19 =	vadd.f32 v19, v21;
	v21 =	vadd.f32 v24, v20;
	v24 =	vld [tilespmem:s13+$0x3040]  }
0x6a: {  	v17 =	vadd.f32 v17, v27;
	v20 =	vld [tilespmem:s13+$0x3020]  }
0x6b: {  	v14 =	vadd.f32 v14, v15;
	v8 =	vadd.f32 v8, v19;
	v25 =	vld [tilespmem:s13+$0x12020]  }
0x6c: {  	v13 =	vadd.f32 v13, v17;
	v15 =	vadd.f32 v7, v21;
	v29 =	vld [tilespmem:s13+$0x12010]  }
0x6d: {  	v7 =	vadd.f32 v14, v9;
	v6 =	vadd.f32 v16, v6;
	v16 =	vld [tilespmem:s13+$0x3030]  }
0x6e: {  	v8 =	vadd.f32 v8, v10;
	v9 =	vadd.f32 v13, v11;
	v22 =	vld [tilespmem:s13+$0x12030]  }
0x6f: {  	v11 =	vimm.f32 $0.0e+00;
	v10 =	vadd.f32 v15, v12;
	v26 =	vld [tilespmem:s13+$0x12000];
	vm0 =	vgt.f32 v23, $5.000000000e-01  }
0x70: {  	vm1 =	vgt.f32 v18, $5.000000000e-01;
	v19 =	vadd.f32 v28, v24;
	vm2 =	vgt.f32 v25, $5.000000000e-01  }
0x71: {  	v21 =	vld [tilespmem:s13+$0x3010];
	vm3 =	vgt.f32 v29, $5.000000000e-01;
	v14 =	vnsel vm0, $0x0, v23;
	v12 =	vsel vm0, $0x3F800000, v0  }
0x72: {  	v13 =	vsel vm1, $0x3F800000, v0;
	v15 =	vnsel vm1, $0x0, v18;
	v17 =	vnsel vm0, $0x0, v24  }
0x73: {  	v27 =	vnsel vm1, $0x0, v28;
	v24 =	vadd.f32 v16, v20;
	vm0 =	vgt.f32 v22, $5.000000000e-01  }
0x74: {  	vm1 =	vgt.f32 v26, $5.000000000e-01;
	v31 =	vnsel vm2, $0x0, v25;
	v12 =	vadd.f32 v13, v12  }
0x75: {  	v30 =	vsel vm3, $0x3F800000, v0;
	v13 =	vadd.f32 v18, v23;
	v23 =	vadd.f32 v27, v17;
	v27 =	vld [tilespmem:s13+$0x3000]  }
0x76: {  	v32 =	vnsel vm3, $0x0, v29;
	v35 =	vnsel vm3, $0x0, v21;
	v17 =	vsel vm0, $0x3F800000, v0  }
0x77: {  	v18 =	vadd.f32 v15, v14;
	v14 =	vsel vm2, $0x3F800000, v0;
	v33 =	vnsel vm0, $0x0, v16  }
0x78: {  	v34 =	vnsel vm1, $0x0, v26;
	v16 =	vimm.f32 $0.0e+00;
	v15 =	vimm.f32 $0.0e+00  }
0x79: {  	s10 =	simm.s32 $0x200;
	v28 =	vadd.f32 v17, v14;
	v14 =	vimm.f32 $0.0e+00;
	v17 =	vimm.f32 $0.0e+00  }
.LBB2_5:
0x7a: {  	s11 =	sshra.s32 s10, $0x2;
	p0 =	sne.s32 s10, $0xBE00;
	s10 =	sadd.s32 $0x200, s10;
	v36 =	vnsel vm1, $0x0, v27;
	v20 =	vnsel vm2, $0x0, v20;
	v37 =	vnsel vm0, $0x0, v22  }
0x7b: {  	v39 =	vsel vm1, $0x3F800000, v0;
	v26 =	vadd.f32 v29, v26;
	v22 =	vadd.f32 v22, v25;
	v38 =	vld [tilespmem:s11+$0x12040]  }
0x7c: {  	v25 =	vadd.f32 v32, v34;
	v21 =	vadd.f32 v21, v27;
	v29 =	vld [tilespmem:s11+$0x3050]  }
0x7d: {  	v27 =	vadd.f32 v35, v36;
	v20 =	vadd.f32 v33, v20;
	v32 =	vld [tilespmem:s11+$0x12050]  }
0x7e: {  	v31 =	vadd.f32 v37, v31;
	v24 =	vadd.f32 v24, v21;
	v33 =	vld [tilespmem:s11+$0x3040]  }
0x7f: {  	v34 =	vadd.f32 v22, v26;
	v27 =	vadd.f32 v20, v27;
	v21 =	vld [tilespmem:s11+$0x3010]  }
0x80: {  	v22 =	vadd.f32 v30, v39;
	v30 =	vadd.f32 v31, v25;
	v20 =	vld [tilespmem:s11+$0x3020];
	vm0 =	vgt.f32 v38, $5.000000000e-01  }
0x81: {  	v36 =	vadd.f32 v19, v24;
	v23 =	vadd.f32 v23, v27;
	v35 =	vld [tilespmem:s11+$0x3030];
	v31 =	vnsel vm0, $0x0, v38  }
0x82: {  	v24 =	vadd.f32 v28, v22;
	v19 =	vsel vm0, $0x3F800000, v0;
	v27 =	vld [tilespmem:s11+$0x3000];
	vm1 =	vgt.f32 v32, $5.000000000e-01  }
0x83: {  	v11 =	vadd.f32 v23, v11;
	v22 =	vld [tilespmem:s11+$0x12030];
	v26 =	vsel vm1, $0x3F800000, v0;
	v28 =	vnsel vm1, $0x0, v32  }
0x84: {  	v37 =	vadd.f32 v12, v24;
	v23 =	vnsel vm0, $0x0, v33;
	v25 =	vld [tilespmem:s11+$0x12020];
	v12 =	vadd.f32 v26, v19  }
0x85: {  	v39 =	vnsel vm1, $0x0, v29;
	v19 =	vadd.f32 v29, v33;
	v33 =	vadd.f32 v13, v34;
	v26 =	vld [tilespmem:s11+$0x12000]  }
0x86: {  	v18 =	vadd.f32 v18, v30;
	v29 =	vld [tilespmem:s11+$0x12010];
	v24 =	vadd.f32 v35, v20  }
0x87: {  	v14 =	vadd.f32 v36, v14;
	v13 =	vadd.f32 v32, v38  }
0x88: {  	v23 =	vadd.f32 v39, v23;
	v16 =	vadd.f32 v33, v16;
	vm0 =	vgt.f32 v22, $5.000000000e-01  }
.Ltmp1:
0x89: {  	v15 =	vadd.f32 v18, v15;
	v17 =	vadd.f32 v37, v17;
	v36 =	vsel vm0, $0x3F800000, v0;
	(pc) =	sbr.rel @p0 .LBB2_5-.Ltmp1, $4  }
0x8a: {  	v18 =	vadd.f32 v28, v31;
	vm2 =	vgt.f32 v25, $5.000000000e-01;
	vm1 =	vgt.f32 v26, $5.000000000e-01  }
0x8b: {  	v28 =	vsel vm2, $0x3F800000, v0;
	v31 =	vnsel vm2, $0x0, v25;
	vm3 =	vgt.f32 v29, $5.000000000e-01  }
0x8c: {  	v33 =	vnsel vm0, $0x0, v35;
	v30 =	vsel vm3, $0x3F800000, v0;
	v32 =	vnsel vm3, $0x0, v29  }
0x8d: {  	v34 =	vnsel vm1, $0x0, v26;
	v28 =	vadd.f32 v36, v28;
	v35 =	vnsel vm3, $0x0, v21  }
0x8e: {  	_ =	swait.ge [sflag:s22], $0x3000;
	p0 =	seq.s32 s8, $0x3  }
0x8f: {  	[sflag:s22] =	ssyncset.done $0x0;
	s10 =	sadd.s32 @!p0 s9, s16  }
0x90: {  	v26 =	vadd.f32 v29, v26;
	[sflag:s22] =	ssyncadd.s32 $0xFFFFD000;
	s10 =	smul.u32 @!p0 $0x3000, s10  }
0x91: {  	v36 =	vnsel vm1, $0x0, v27;
	v25 =	vadd.f32 v22, v25;
	v32 =	vadd.f32 v32, v34;
	_ =	swait.ge [sflag:s23], $0x3000  }
0x92: {  	v20 =	vnsel vm2, $0x0, v20;
	v21 =	vadd.f32 v21, v27;
	v5 =	vadd.f32 v10, v5;
	s12 =	simm.s32 @!p0 $0x0;
	[sflag:s23] =	ssyncset.done $0x0;
	s10 =	sshrl.u32 @!p0 s10, $0x3  }
0x93: {  	v22 =	vnsel vm0, $0x0, v22;
	v29 =	vadd.f32 v35, v36;
	v20 =	vadd.f32 v33, v20;
	s13 =	simm.s32 @!p0 $0x3000;
	[sflag:s23] =	ssyncadd.s32 $0xFFFFD000;
	s11 =	sadd.s32 @!p0 s2, s10  }
0x94: {  	v27 =	vsel vm1, $0x3F800000, v0;
	v22 =	vadd.f32 v22, v31;
	v21 =	vadd.f32 v24, v21;
	[tilespmem:s13], [sflag:$0x3] =	stream.linear.gather @!p0 [hbm4b:s11+s12], $0x3000, $0x38;
	[tilespmem:$0x1E400] =	vst v63  }
0x95: {  	v24 =	vadd.f32 v30, v27;
	v20 =	vadd.f32 v20, v29;
	s10 =	sadd.s32 @!p0 s3, s10;
	s11 =	simm.s32 @!p0 $0x12000;
	s13 =	simm.s32 $0x0  }
0x96: {  	v25 =	vadd.f32 v25, v26;
	v19 =	vadd.f32 v19, v21;
	[tilespmem:s11], [sflag:$0x4] =	stream.linear.gather @!p0 [hbm4b:s10+s12], $0x3000, $0x38;
	[tilespmem:$0x1E400] =	vst v63  }
0x97: {  	v20 =	vadd.f32 v23, v20;
	v23 =	vadd.f32 v28, v24;
	v21 =	vld [tilespmem:s13+$0x15040]  }
0x98: {  	v22 =	vadd.f32 v22, v32;
	v14 =	vadd.f32 v19, v14;
	v19 =	vld [tilespmem:s13+$0x6050]  }
0x99: {  	v13 =	vadd.f32 v13, v25;
	v12 =	vadd.f32 v12, v23;
	v23 =	vld [tilespmem:s13+$0x15050]  }
0x9a: {  	v4 =	vadd.f32 v6, v4;
	v3 =	vadd.f32 v9, v3;
	v10 =	vld [tilespmem:s13+$0x6040]  }
0x9b: {  	v18 =	vadd.f32 v18, v22;
	v13 =	vadd.f32 v13, v16;
	v16 =	vld [tilespmem:s13+$0x6020]  }
0x9c: {  	v6 =	vadd.f32 v7, v2;
	v11 =	vadd.f32 v20, v11;
	v20 =	vld [tilespmem:s13+$0x15020]  }
0x9d: {  	v7 =	vadd.f32 v8, v1;
	v15 =	vadd.f32 v18, v15;
	v24 =	vld [tilespmem:s13+$0x15010]  }
0x9e: {  	v12 =	vadd.f32 v12, v17;
	v9 =	vld [tilespmem:s13+$0x6030];
	v2 =	vadd.f32 v11, v4  }
0x9f: {  	v17 =	vld [tilespmem:s13+$0x15030];
	v3 =	vadd.f32 v15, v3;
	v4 =	vadd.f32 v14, v6;
	v6 =	vimm.f32 $0.0e+00  }
0xa0: {  	v22 =	vld [tilespmem:s13+$0x15000];
	v1 =	vadd.f32 v12, v5;
	v5 =	vadd.f32 v13, v7;
	vm0 =	vgt.f32 v21, $5.000000000e-01  }
0xa1: {  	vm1 =	vgt.f32 v23, $5.000000000e-01;
	v14 =	vadd.f32 v19, v10;
	vm2 =	vgt.f32 v20, $5.000000000e-01  }
0xa2: {  	v15 =	vld [tilespmem:s13+$0x6010];
	vm3 =	vgt.f32 v24, $5.000000000e-01;
	v11 =	vnsel vm0, $0x0, v21;
	v7 =	vsel vm0, $0x3F800000, v0  }
0xa3: {  	v8 =	vsel vm1, $0x3F800000, v0;
	v12 =	vnsel vm1, $0x0, v23;
	v13 =	vnsel vm0, $0x0, v10  }
0xa4: {  	v18 =	vnsel vm1, $0x0, v19;
	v19 =	vadd.f32 v9, v16;
	vm0 =	vgt.f32 v17, $5.000000000e-01  }
0xa5: {  	vm1 =	vgt.f32 v22, $5.000000000e-01;
	v26 =	vnsel vm2, $0x0, v20;
	v25 =	vsel vm3, $0x3F800000, v0  }
0xa6: {  	v29 =	vnsel vm3, $0x0, v24;
	v7 =	vadd.f32 v8, v7;
	v8 =	vadd.f32 v23, v21;
	v21 =	vld [tilespmem:s13+$0x6000]  }
0xa7: {  	v28 =	vnsel vm3, $0x0, v15;
	v18 =	vadd.f32 v18, v13;
	v10 =	vsel vm0, $0x3F800000, v0  }
0xa8: {  	v13 =	vadd.f32 v12, v11;
	v11 =	vsel vm2, $0x3F800000, v0;
	v27 =	vnsel vm0, $0x0, v9  }
0xa9: {  	v30 =	vnsel vm1, $0x0, v22;
	v9 =	vimm.f32 $0.0e+00;
	v12 =	vimm.f32 $0.0e+00  }
0xaa: {  	s10 =	simm.s32 $0x200;
	v23 =	vadd.f32 v10, v11;
	v10 =	vimm.f32 $0.0e+00;
	v11 =	vimm.f32 $0.0e+00  }
.LBB2_7:
0xab: {  	s11 =	sshra.s32 s10, $0x2;
	p1 =	sne.s32 s10, $0xBE00;
	s10 =	sadd.s32 $0x200, s10;
	v31 =	vnsel vm1, $0x0, v21;
	v16 =	vnsel vm2, $0x0, v16;
	v32 =	vnsel vm0, $0x0, v17  }
0xac: {  	v34 =	vsel vm1, $0x3F800000, v0;
	v22 =	vadd.f32 v24, v22;
	v17 =	vadd.f32 v17, v20;
	v33 =	vld [tilespmem:s11+$0x15040]  }
0xad: {  	v20 =	vadd.f32 v29, v30;
	v15 =	vadd.f32 v15, v21;
	v24 =	vld [tilespmem:s11+$0x6050]  }
0xae: {  	v21 =	vadd.f32 v28, v31;
	v16 =	vadd.f32 v27, v16;
	v29 =	vld [tilespmem:s11+$0x15050]  }
0xaf: {  	v26 =	vadd.f32 v32, v26;
	v19 =	vadd.f32 v19, v15;
	v27 =	vld [tilespmem:s11+$0x6040]  }
0xb0: {  	v28 =	vadd.f32 v17, v22;
	v21 =	vadd.f32 v16, v21;
	v15 =	vld [tilespmem:s11+$0x6010]  }
0xb1: {  	v17 =	vadd.f32 v25, v34;
	v25 =	vadd.f32 v26, v20;
	v16 =	vld [tilespmem:s11+$0x6020];
	vm0 =	vgt.f32 v33, $5.000000000e-01  }
0xb2: {  	v31 =	vadd.f32 v14, v19;
	v18 =	vadd.f32 v18, v21;
	v30 =	vld [tilespmem:s11+$0x6030];
	v26 =	vnsel vm0, $0x0, v33  }
0xb3: {  	v19 =	vadd.f32 v23, v17;
	v14 =	vsel vm0, $0x3F800000, v0;
	v21 =	vld [tilespmem:s11+$0x6000];
	vm1 =	vgt.f32 v29, $5.000000000e-01  }
0xb4: {  	v6 =	vadd.f32 v18, v6;
	v17 =	vld [tilespmem:s11+$0x15030];
	v22 =	vsel vm1, $0x3F800000, v0;
	v23 =	vnsel vm1, $0x0, v29  }
0xb5: {  	v32 =	vadd.f32 v7, v19;
	v18 =	vnsel vm0, $0x0, v27;
	v20 =	vld [tilespmem:s11+$0x15020];
	v7 =	vadd.f32 v22, v14  }
0xb6: {  	v34 =	vnsel vm1, $0x0, v24;
	v14 =	vadd.f32 v24, v27;
	v27 =	vadd.f32 v8, v28;
	v22 =	vld [tilespmem:s11+$0x15000]  }
0xb7: {  	v13 =	vadd.f32 v13, v25;
	v24 =	vld [tilespmem:s11+$0x15010];
	v19 =	vadd.f32 v30, v16  }
0xb8: {  	v9 =	vadd.f32 v31, v9;
	v8 =	vadd.f32 v29, v33  }
0xb9: {  	v18 =	vadd.f32 v34, v18;
	v10 =	vadd.f32 v27, v10;
	vm0 =	vgt.f32 v17, $5.000000000e-01  }
.Ltmp2:
0xba: {  	v11 =	vadd.f32 v13, v11;
	v12 =	vadd.f32 v32, v12;
	v31 =	vsel vm0, $0x3F800000, v0;
	(pc) =	sbr.rel @p1 .LBB2_7-.Ltmp2, $4  }
0xbb: {  	v13 =	vadd.f32 v23, v26;
	vm2 =	vgt.f32 v20, $5.000000000e-01;
	vm1 =	vgt.f32 v22, $5.000000000e-01  }
0xbc: {  	v23 =	vsel vm2, $0x3F800000, v0;
	v26 =	vnsel vm2, $0x0, v20;
	vm3 =	vgt.f32 v24, $5.000000000e-01  }
0xbd: {  	v27 =	vnsel vm0, $0x0, v30;
	v25 =	vsel vm3, $0x3F800000, v0;
	v29 =	vnsel vm3, $0x0, v24  }
0xbe: {  	v30 =	vnsel vm1, $0x0, v22;
	v23 =	vadd.f32 v31, v23;
	v28 =	vnsel vm3, $0x0, v15  }
0xbf: {  	_ =	swait.ge [sflag:s24], $0x3000  }
0xc0: {  	s10 =	sadd.s32 @!p0 s9, s17;
	[sflag:s24] =	ssyncset.done $0x0  }
0xc1: {  	s10 =	smul.u32 @!p0 $0x3000, s10;
	[sflag:s24] =	ssyncadd.s32 $0xFFFFD000  }
0xc2: {  	v31 =	vnsel vm1, $0x0, v21;
	v22 =	vadd.f32 v24, v22;
	_ =	swait.ge [sflag:s25], $0x3000  }
0xc3: {  	v16 =	vnsel vm2, $0x0, v16;
	v20 =	vadd.f32 v17, v20;
	v24 =	vadd.f32 v29, v30;
	s12 =	simm.s32 @!p0 $0x0;
	s10 =	sshrl.u32 @!p0 s10, $0x3;
	[sflag:s25] =	ssyncset.done $0x0  }
0xc4: {  	s13 =	simm.s32 @!p0 $0x6000;
	v17 =	vnsel vm0, $0x0, v17;
	v28 =	vadd.f32 v28, v31;
	v16 =	vadd.f32 v27, v16;
	s11 =	sadd.s32 @!p0 s2, s10;
	[sflag:s25] =	ssyncadd.s32 $0xFFFFD000  }
0xc5: {  	v15 =	vadd.f32 v15, v21;
	v27 =	vsel vm1, $0x3F800000, v0;
	v17 =	vadd.f32 v17, v26;
	[tilespmem:s13], [sflag:$0x5] =	stream.linear.gather @!p0 [hbm4b:s11+s12], $0x3000, $0x38;
	[tilespmem:$0x1E400] =	vst v63  }
0xc6: {  	v21 =	vadd.f32 v25, v27;
	v16 =	vadd.f32 v16, v28;
	s10 =	sadd.s32 @!p0 s3, s10;
	s11 =	simm.s32 @!p0 $0x15000;
	s13 =	simm.s32 $0x0  }
0xc7: {  	v15 =	vadd.f32 v19, v15;
	v19 =	vadd.f32 v20, v22;
	[tilespmem:s11], [sflag:$0x6] =	stream.linear.gather @!p0 [hbm4b:s10+s12], $0x3000, $0x38;
	[tilespmem:$0x1E400] =	vst v63  }
0xc8: {  	v16 =	vadd.f32 v18, v16;
	v18 =	vadd.f32 v23, v21;
	v21 =	vld [tilespmem:s13+$0x18040]  }
0xc9: {  	v17 =	vadd.f32 v17, v24;
	v14 =	vadd.f32 v14, v15;
	v15 =	vld [tilespmem:s13+$0x9050]  }
0xca: {  	v7 =	vadd.f32 v7, v18;
	v18 =	vld [tilespmem:s13+$0x18050]  }
0xcb: {  	v8 =	vadd.f32 v8, v19;
	v13 =	vadd.f32 v13, v17;
	v19 =	vld [tilespmem:s13+$0x9040]  }
0xcc: {  	v9 =	vadd.f32 v14, v9;
	v6 =	vadd.f32 v16, v6;
	v16 =	vld [tilespmem:s13+$0x9020]  }
0xcd: {  	v8 =	vadd.f32 v8, v10;
	v20 =	vld [tilespmem:s13+$0x18020]  }
0xce: {  	v10 =	vadd.f32 v13, v11;
	v4 =	vadd.f32 v9, v4;
	v24 =	vld [tilespmem:s13+$0x18010]  }
0xcf: {  	v5 =	vadd.f32 v8, v5;
	v7 =	vadd.f32 v7, v12;
	v11 =	vld [tilespmem:s13+$0x9030]  }
0xd0: {  	v2 =	vadd.f32 v6, v2;
	v17 =	vld [tilespmem:s13+$0x18030];
	v3 =	vadd.f32 v10, v3  }
0xd1: {  	v6 =	vimm.f32 $0.0e+00;
	v22 =	vld [tilespmem:s13+$0x18000];
	v1 =	vadd.f32 v7, v1;
	vm0 =	vgt.f32 v21, $5.000000000e-01  }
0xd2: {  	vm1 =	vgt.f32 v18, $5.000000000e-01;
	v14 =	vadd.f32 v15, v19;
	vm2 =	vgt.f32 v20, $5.000000000e-01  }
0xd3: {  	vm3 =	vgt.f32 v24, $5.000000000e-01;
	v9 =	vnsel vm0, $0x0, v21;
	v7 =	vsel vm0, $0x3F800000, v0  }
0xd4: {  	v8 =	vsel vm1, $0x3F800000, v0;
	v10 =	vnsel vm1, $0x0, v18;
	v12 =	vnsel vm0, $0x0, v19  }
0xd5: {  	v13 =	vnsel vm1, $0x0, v15;
	v19 =	vadd.f32 v11, v16;
	vm0 =	vgt.f32 v17, $5.000000000e-01  }
0xd6: {  	v15 =	vld [tilespmem:s13+$0x9010];
	vm1 =	vgt.f32 v22, $5.000000000e-01;
	v26 =	vnsel vm2, $0x0, v20;
	v25 =	vsel vm3, $0x3F800000, v0  }
0xd7: {  	v29 =	vnsel vm3, $0x0, v24;
	v7 =	vadd.f32 v8, v7;
	v8 =	vadd.f32 v18, v21;
	v21 =	vld [tilespmem:s13+$0x9000]  }
0xd8: {  	v18 =	vadd.f32 v13, v12;
	v12 =	vsel vm0, $0x3F800000, v0;
	v13 =	vadd.f32 v10, v9  }
0xd9: {  	v9 =	vsel vm2, $0x3F800000, v0;
	v27 =	vnsel vm0, $0x0, v11;
	v30 =	vnsel vm1, $0x0, v22  }
0xda: {  	v10 =	vimm.f32 $0.0e+00;
	v11 =	vimm.f32 $0.0e+00;
	v23 =	vadd.f32 v12, v9  }
0xdb: {  	s10 =	simm.s32 $0x200;
	v9 =	vimm.f32 $0.0e+00;
	v12 =	vimm.f32 $0.0e+00;
	v28 =	vnsel vm3, $0x0, v15  }
.LBB2_9:
0xdc: {  	s11 =	sshra.s32 s10, $0x2;
	p1 =	sne.s32 s10, $0xBE00;
	s10 =	sadd.s32 $0x200, s10;
	v31 =	vnsel vm1, $0x0, v21;
	v16 =	vnsel vm2, $0x0, v16;
	v32 =	vnsel vm0, $0x0, v17  }
0xdd: {  	v34 =	vsel vm1, $0x3F800000, v0;
	v22 =	vadd.f32 v24, v22;
	v17 =	vadd.f32 v17, v20;
	v33 =	vld [tilespmem:s11+$0x18040]  }
0xde: {  	v20 =	vadd.f32 v29, v30;
	v15 =	vadd.f32 v15, v21;
	v24 =	vld [tilespmem:s11+$0x9050]  }
0xdf: {  	v21 =	vadd.f32 v28, v31;
	v16 =	vadd.f32 v27, v16;
	v29 =	vld [tilespmem:s11+$0x18050]  }
0xe0: {  	v26 =	vadd.f32 v32, v26;
	v19 =	vadd.f32 v19, v15;
	v27 =	vld [tilespmem:s11+$0x9040]  }
0xe1: {  	v28 =	vadd.f32 v17, v22;
	v21 =	vadd.f32 v16, v21;
	v15 =	vld [tilespmem:s11+$0x9010]  }
0xe2: {  	v17 =	vadd.f32 v25, v34;
	v25 =	vadd.f32 v26, v20;
	v16 =	vld [tilespmem:s11+$0x9020];
	vm0 =	vgt.f32 v33, $5.000000000e-01  }
0xe3: {  	v31 =	vadd.f32 v14, v19;
	v18 =	vadd.f32 v18, v21;
	v30 =	vld [tilespmem:s11+$0x9030];
	v26 =	vnsel vm0, $0x0, v33  }
0xe4: {  	v19 =	vadd.f32 v23, v17;
	v14 =	vsel vm0, $0x3F800000, v0;
	v21 =	vld [tilespmem:s11+$0x9000];
	vm1 =	vgt.f32 v29, $5.000000000e-01  }
0xe5: {  	v6 =	vadd.f32 v18, v6;
	v17 =	vld [tilespmem:s11+$0x18030];
	v22 =	vsel vm1, $0x3F800000, v0;
	v23 =	vnsel vm1, $0x0, v29  }
0xe6: {  	v32 =	vadd.f32 v7, v19;
	v18 =	vnsel vm0, $0x0, v27;
	v20 =	vld [tilespmem:s11+$0x18020];
	v7 =	vadd.f32 v22, v14  }
0xe7: {  	v34 =	vnsel vm1, $0x0, v24;
	v14 =	vadd.f32 v24, v27;
	v27 =	vadd.f32 v8, v28;
	v22 =	vld [tilespmem:s11+$0x18000]  }
0xe8: {  	v13 =	vadd.f32 v13, v25;
	v24 =	vld [tilespmem:s11+$0x18010];
	v19 =	vadd.f32 v30, v16  }
0xe9: {  	v9 =	vadd.f32 v31, v9;
	v8 =	vadd.f32 v29, v33  }
0xea: {  	v18 =	vadd.f32 v34, v18;
	v10 =	vadd.f32 v27, v10;
	vm0 =	vgt.f32 v17, $5.000000000e-01  }
.Ltmp3:
0xeb: {  	v11 =	vadd.f32 v13, v11;
	v12 =	vadd.f32 v32, v12;
	v31 =	vsel vm0, $0x3F800000, v0;
	(pc) =	sbr.rel @p1 .LBB2_9-.Ltmp3, $4  }
0xec: {  	v13 =	vadd.f32 v23, v26;
	vm2 =	vgt.f32 v20, $5.000000000e-01;
	vm1 =	vgt.f32 v22, $5.000000000e-01  }
0xed: {  	v23 =	vsel vm2, $0x3F800000, v0;
	v26 =	vnsel vm2, $0x0, v20;
	vm3 =	vgt.f32 v24, $5.000000000e-01  }
0xee: {  	v27 =	vnsel vm0, $0x0, v30;
	v25 =	vsel vm3, $0x3F800000, v0;
	v29 =	vnsel vm3, $0x0, v24  }
0xef: {  	v30 =	vnsel vm1, $0x0, v22;
	v23 =	vadd.f32 v31, v23;
	v28 =	vnsel vm3, $0x0, v15  }
0xf0: {  	_ =	swait.ge [sflag:s26], $0x3000  }
0xf1: {  	s9 =	sadd.s32 @!p0 s9, s18;
	[sflag:s26] =	ssyncset.done $0x0  }
0xf2: {  	s9 =	smul.u32 @!p0 $0x3000, s9;
	[sflag:s26] =	ssyncadd.s32 $0xFFFFD000  }
0xf3: {  	v31 =	vnsel vm1, $0x0, v21;
	v22 =	vadd.f32 v24, v22;
	_ =	swait.ge [sflag:s28], $0x3000  }
0xf4: {  	v16 =	vnsel vm2, $0x0, v16;
	v20 =	vadd.f32 v17, v20;
	v24 =	vadd.f32 v29, v30;
	s11 =	simm.s32 @!p0 $0x0;
	s9 =	sshrl.u32 @!p0 s9, $0x3;
	[sflag:s28] =	ssyncset.done $0x0  }
0xf5: {  	s12 =	simm.s32 @!p0 $0x9000;
	v17 =	vnsel vm0, $0x0, v17;
	v28 =	vadd.f32 v28, v31;
	v16 =	vadd.f32 v27, v16;
	s10 =	sadd.s32 @!p0 s2, s9;
	[sflag:s28] =	ssyncadd.s32 $0xFFFFD000  }
0xf6: {  	v15 =	vadd.f32 v15, v21;
	v27 =	vsel vm1, $0x3F800000, v0;
	v17 =	vadd.f32 v17, v26;
	[tilespmem:s12], [sflag:$0x7] =	stream.linear.gather @!p0 [hbm4b:s10+s11], $0x3000, $0x38;
	[tilespmem:$0x1E400] =	vst v63  }
0xf7: {  	s13 =	simm.s32 $0x0;
	v21 =	vadd.f32 v25, v27;
	v16 =	vadd.f32 v16, v28;
	s9 =	sadd.s32 @!p0 s3, s9;
	s10 =	simm.s32 @!p0 $0x18000  }
0xf8: {  	v15 =	vadd.f32 v19, v15;
	v19 =	vadd.f32 v20, v22;
	[tilespmem:s10], [sflag:$0x8] =	stream.linear.gather @!p0 [hbm4b:s9+s11], $0x3000, $0x38;
	[tilespmem:$0x1E400] =	vst v63  }
0xf9: {  	v16 =	vadd.f32 v18, v16;
	v18 =	vadd.f32 v23, v21;
	v22 =	vld [tilespmem:s13+$0x1B040]  }
0xfa: {  	v17 =	vadd.f32 v17, v24;
	v14 =	vadd.f32 v14, v15;
	v15 =	vld [tilespmem:s13+$0xC050]  }
0xfb: {  	v16 =	vadd.f32 v16, v6;
	v6 =	vadd.f32 v7, v18;
	v18 =	vld [tilespmem:s13+$0x1B050]  }
0xfc: {  	v7 =	vadd.f32 v8, v19;
	v8 =	vadd.f32 v13, v17;
	v13 =	vld [tilespmem:s13+$0xC040]  }
0xfd: {  	v6 =	vadd.f32 v6, v12;
	v12 =	vld [tilespmem:s13+$0xC020]  }
0xfe: {  	v7 =	vadd.f32 v7, v10;
	v10 =	vld [tilespmem:s13+$0xC030]  }
0xff: {  	v19 =	vld [tilespmem:s13+$0x1B020]  }
0x100: {  	v9 =	vadd.f32 v14, v9;
	v8 =	vadd.f32 v8, v11;
	v23 =	vld [tilespmem:s13+$0x1B010]  }
0x101: {  	v6 =	vadd.f32 v6, v1;
	v1 =	vadd.f32 v16, v2  }
0x102: {  	v17 =	vld [tilespmem:s13+$0x1B030];
	v3 =	vadd.f32 v8, v3;
	v2 =	vadd.f32 v9, v4  }
0x103: {  	v21 =	vld [tilespmem:s13+$0x1B000];
	v7 =	vadd.f32 v7, v5;
	v4 =	vimm.f32 $0.0e+00;
	vm0 =	vgt.f32 v22, $5.000000000e-01  }
0x104: {  	vm1 =	vgt.f32 v18, $5.000000000e-01;
	v14 =	vadd.f32 v15, v13;
	v20 =	vadd.f32 v10, v12  }
0x105: {  	vm2 =	vgt.f32 v19, $5.000000000e-01;
	vm3 =	vgt.f32 v23, $5.000000000e-01;
	v9 =	vnsel vm0, $0x0, v22  }
0x106: {  	v5 =	vsel vm0, $0x3F800000, v0;
	v8 =	vsel vm1, $0x3F800000, v0;
	v11 =	vnsel vm1, $0x0, v18  }
0x107: {  	v16 =	vld [tilespmem:s13+$0xC010];
	v24 =	vnsel vm0, $0x0, v13;
	v25 =	vnsel vm1, $0x0, v15;
	vm0 =	vgt.f32 v17, $5.000000000e-01  }
0x108: {  	vm1 =	vgt.f32 v21, $5.000000000e-01;
	v26 =	vnsel vm2, $0x0, v19;
	v5 =	vadd.f32 v8, v5  }
0x109: {  	v28 =	vnsel vm3, $0x0, v23;
	v8 =	vadd.f32 v18, v22;
	v18 =	vadd.f32 v25, v24;
	v22 =	vld [tilespmem:s13+$0xC000]  }
0x10a: {  	v13 =	vsel vm0, $0x3F800000, v0;
	v15 =	vadd.f32 v11, v9;
	v9 =	vsel vm2, $0x3F800000, v0  }
0x10b: {  	v25 =	vsel vm3, $0x3F800000, v0;
	v27 =	vnsel vm0, $0x0, v10;
	v30 =	vnsel vm1, $0x0, v21  }
0x10c: {  	v29 =	vnsel vm3, $0x0, v16;
	v10 =	vimm.f32 $0.0e+00;
	v11 =	vimm.f32 $0.0e+00  }
0x10d: {  	s9 =	simm.s32 $0x200;
	v24 =	vadd.f32 v13, v9;
	v9 =	vimm.f32 $0.0e+00;
	v13 =	vimm.f32 $0.0e+00  }
.LBB2_11:
0x10e: {  	s10 =	sshra.s32 s9, $0x2;
	p0 =	sne.s32 s9, $0xBE00;
	s9 =	sadd.s32 $0x200, s9;
	v31 =	vnsel vm1, $0x0, v22;
	v12 =	vnsel vm2, $0x0, v12;
	v32 =	vnsel vm0, $0x0, v17  }
0x10f: {  	v34 =	vsel vm1, $0x3F800000, v0;
	v21 =	vadd.f32 v23, v21;
	v17 =	vadd.f32 v17, v19;
	v33 =	vld [tilespmem:s10+$0x1B040]  }
0x110: {  	v19 =	vadd.f32 v28, v30;
	v16 =	vadd.f32 v16, v22;
	v23 =	vld [tilespmem:s10+$0xC050]  }
0x111: {  	v22 =	vadd.f32 v29, v31;
	v12 =	vadd.f32 v27, v12;
	v28 =	vld [tilespmem:s10+$0x1B050]  }
0x112: {  	v26 =	vadd.f32 v32, v26;
	v20 =	vadd.f32 v20, v16;
	v27 =	vld [tilespmem:s10+$0xC040]  }
0x113: {  	v29 =	vadd.f32 v17, v21;
	v22 =	vadd.f32 v12, v22;
	v16 =	vld [tilespmem:s10+$0xC010]  }
0x114: {  	v17 =	vadd.f32 v25, v34;
	v25 =	vadd.f32 v26, v19;
	v12 =	vld [tilespmem:s10+$0xC020];
	vm0 =	vgt.f32 v33, $5.000000000e-01  }
0x115: {  	v31 =	vadd.f32 v14, v20;
	v18 =	vadd.f32 v18, v22;
	v30 =	vld [tilespmem:s10+$0xC030];
	v26 =	vnsel vm0, $0x0, v33  }
0x116: {  	v20 =	vadd.f32 v24, v17;
	v14 =	vsel vm0, $0x3F800000, v0;
	v22 =	vld [tilespmem:s10+$0xC000];
	vm1 =	vgt.f32 v28, $5.000000000e-01  }
0x117: {  	v4 =	vadd.f32 v18, v4;
	v17 =	vld [tilespmem:s10+$0x1B030];
	v21 =	vsel vm1, $0x3F800000, v0;
	v24 =	vnsel vm1, $0x0, v28  }
0x118: {  	v32 =	vadd.f32 v5, v20;
	v18 =	vnsel vm0, $0x0, v27;
	v19 =	vld [tilespmem:s10+$0x1B020];
	v5 =	vadd.f32 v21, v14  }
0x119: {  	v34 =	vnsel vm1, $0x0, v23;
	v14 =	vadd.f32 v23, v27;
	v27 =	vadd.f32 v8, v29;
	v21 =	vld [tilespmem:s10+$0x1B000]  }
0x11a: {  	v15 =	vadd.f32 v15, v25;
	v23 =	vld [tilespmem:s10+$0x1B010];
	v20 =	vadd.f32 v30, v12  }
0x11b: {  	v9 =	vadd.f32 v31, v9;
	v8 =	vadd.f32 v28, v33  }
0x11c: {  	v18 =	vadd.f32 v34, v18;
	v10 =	vadd.f32 v27, v10;
	vm0 =	vgt.f32 v17, $5.000000000e-01  }
.Ltmp4:
0x11d: {  	v11 =	vadd.f32 v15, v11;
	v13 =	vadd.f32 v32, v13;
	v31 =	vsel vm0, $0x3F800000, v0;
	(pc) =	sbr.rel @p0 .LBB2_11-.Ltmp4, $4  }
0x11e: {  	v15 =	vadd.f32 v24, v26;
	vm2 =	vgt.f32 v19, $5.000000000e-01;
	vm1 =	vgt.f32 v21, $5.000000000e-01  }
0x11f: {  	v24 =	vsel vm2, $0x3F800000, v0;
	v26 =	vnsel vm2, $0x0, v19;
	vm3 =	vgt.f32 v23, $5.000000000e-01  }
0x120: {  	v27 =	vnsel vm0, $0x0, v30;
	v25 =	vsel vm3, $0x3F800000, v0;
	v28 =	vnsel vm3, $0x0, v23  }
0x121: {  	v30 =	vnsel vm1, $0x0, v21;
	v24 =	vadd.f32 v31, v24;
	v29 =	vnsel vm3, $0x0, v16  }
0x122: {  	v31 =	vnsel vm1, $0x0, v22  }
0x123: {  	v12 =	vnsel vm2, $0x0, v12;
	v21 =	vadd.f32 v23, v21;
	v19 =	vadd.f32 v17, v19  }
0x124: {  	v58 =	vnsel vm0, $0x0, v17;
	v59 =	vadd.f32 v28, v30;
	v16 =	vadd.f32 v16, v22  }
0x125: {  	v60 =	vsel vm1, $0x3F800000, v0;
	v61 =	vadd.f32 v29, v31;
	v12 =	vadd.f32 v27, v12  }
0x126: {  	v17 =	vadd.f32 v58, v26;
	v22 =	vadd.f32 v25, v60  }
0x127: {  	v16 =	vadd.f32 v20, v16;
	v19 =	vadd.f32 v19, v21  }
0x128: {  	v12 =	vadd.f32 v12, v61;
	v62 =	vadd.f32 v24, v22  }
0x129: {  	v17 =	vadd.f32 v17, v59;
	v14 =	vadd.f32 v14, v16  }
0x12a: {  	s8 =	sadd.s32 $0x1, s8;
	v8 =	vadd.f32 v8, v19;
	v12 =	vadd.f32 v18, v12  }
0x12b: {  	p0 =	sne.s32 s8, $0x4;
	v5 =	vadd.f32 v5, v62;
	v63 =	vadd.f32 v15, v17  }
.Ltmp5:
0x12c: {  	v9 =	vadd.f32 v14, v9;
	v8 =	vadd.f32 v8, v10;
	(pc) =	sbr.rel @p0 .LBB2_2-.Ltmp5, $4  }
0x12d: {  	v4 =	vadd.f32 v12, v4;
	v5 =	vadd.f32 v5, v13  }
0x12e: {  	v11 =	vadd.f32 v63, v11;
	v2 =	vadd.f32 v9, v2  }
0x12f: {  	v5 =	vadd.f32 v5, v6;
	v4 =	vadd.f32 v4, v1  }
0x130: {  	v3 =	vadd.f32 v11, v3;
	v1 =	vadd.f32 v8, v7  }
0x131: {  	_ =	swait.ge [sflag:s5], $0x3000  }
0x132: {  	[sflag:s5] =	ssyncset.done $0x0  }
0x133: {  	[sflag:s5] =	ssyncadd.s32 $0xFFFFD000  }
0x134: {  	_ =	swait.ge [sflag:s29], $0x3000  }
0x135: {  	[sflag:s29] =	ssyncset.done $0x0  }
0x136: {  	s9 =	simm.s32 $0x0;
	[sflag:s29] =	ssyncadd.s32 $0xFFFFD000  }
0x137: {  	v8 =	vld [tilespmem:s9+$0xF040]  }
0x138: {  	v9 =	vld [tilespmem:s9+$0x50]  }
0x139: {  	v10 =	vld [tilespmem:s9+$0xF050]  }
0x13a: {  	v16 =	vld [tilespmem:s9+$0x20]  }
0x13b: {  	v13 =	vld [tilespmem:s9+$0x30]  }
0x13c: {  	v19 =	vld [tilespmem:s9+$0xF020]  }
0x13d: {  	v23 =	vld [tilespmem:s9+$0xF010]  }
0x13e: {  	v11 =	vld [tilespmem:s9+$0x40]  }
0x13f: {  	v17 =	vld [tilespmem:s9+$0xF030]  }
0x140: {  	v6 =	vimm.f32 $0.0e+00;
	v21 =	vld [tilespmem:s9+$0xF000];
	vm0 =	vgt.f32 v8, $5.000000000e-01  }
0x141: {  	vm1 =	vgt.f32 v10, $5.000000000e-01;
	v20 =	vadd.f32 v13, v16;
	vm2 =	vgt.f32 v19, $5.000000000e-01  }
0x142: {  	v15 =	vld [tilespmem:s9+$0x10];
	vm3 =	vgt.f32 v23, $5.000000000e-01;
	v14 =	vnsel vm0, $0x0, v8;
	v7 =	vsel vm0, $0x3F800000, v0  }
0x143: {  	v12 =	vsel vm1, $0x3F800000, v0;
	v22 =	vnsel vm1, $0x0, v10;
	v18 =	vnsel vm0, $0x0, v11  }
0x144: {  	v24 =	vnsel vm1, $0x0, v9;
	v8 =	vadd.f32 v10, v8;
	vm0 =	vgt.f32 v17, $5.000000000e-01  }
0x145: {  	vm1 =	vgt.f32 v21, $5.000000000e-01;
	v10 =	vsel vm2, $0x3F800000, v0;
	v26 =	vnsel vm2, $0x0, v19  }
0x146: {  	v25 =	vsel vm3, $0x3F800000, v0;
	v29 =	vnsel vm3, $0x0, v23;
	v14 =	vadd.f32 v22, v14;
	v22 =	vld [tilespmem:s9+$0x0]  }
0x147: {  	v28 =	vnsel vm3, $0x0, v15;
	v7 =	vadd.f32 v12, v7;
	v12 =	vadd.f32 v9, v11  }
0x148: {  	v18 =	vadd.f32 v24, v18;
	v9 =	vsel vm0, $0x3F800000, v0;
	v27 =	vnsel vm0, $0x0, v13  }
0x149: {  	v30 =	vnsel vm1, $0x0, v21;
	v13 =	vimm.f32 $0.0e+00;
	v11 =	vimm.f32 $0.0e+00  }
0x14a: {  	s8 =	simm.s32 $0x200;
	v24 =	vadd.f32 v9, v10;
	v9 =	vimm.f32 $0.0e+00;
	v10 =	vimm.f32 $0.0e+00  }
.LBB2_14:
0x14b: {  	s9 =	sshra.s32 s8, $0x2;
	p0 =	sne.s32 s8, $0xBE00;
	s8 =	sadd.s32 $0x200, s8;
	v31 =	vnsel vm1, $0x0, v22;
	v16 =	vnsel vm2, $0x0, v16;
	v32 =	vnsel vm0, $0x0, v17  }
0x14c: {  	v34 =	vsel vm1, $0x3F800000, v0;
	v21 =	vadd.f32 v23, v21;
	v17 =	vadd.f32 v17, v19;
	v33 =	vld [tilespmem:s9+$0xF040]  }
0x14d: {  	v19 =	vadd.f32 v29, v30;
	v15 =	vadd.f32 v15, v22;
	v23 =	vld [tilespmem:s9+$0x50]  }
0x14e: {  	v22 =	vadd.f32 v28, v31;
	v16 =	vadd.f32 v27, v16;
	v29 =	vld [tilespmem:s9+$0xF050]  }
0x14f: {  	v26 =	vadd.f32 v32, v26;
	v20 =	vadd.f32 v20, v15;
	v27 =	vld [tilespmem:s9+$0x40]  }
0x150: {  	v28 =	vadd.f32 v17, v21;
	v22 =	vadd.f32 v16, v22;
	v15 =	vld [tilespmem:s9+$0x10]  }
0x151: {  	v17 =	vadd.f32 v25, v34;
	v25 =	vadd.f32 v26, v19;
	v16 =	vld [tilespmem:s9+$0x20];
	vm0 =	vgt.f32 v33, $5.000000000e-01  }
0x152: {  	v31 =	vadd.f32 v12, v20;
	v18 =	vadd.f32 v18, v22;
	v30 =	vld [tilespmem:s9+$0x30];
	v26 =	vnsel vm0, $0x0, v33  }
0x153: {  	v20 =	vadd.f32 v24, v17;
	v12 =	vsel vm0, $0x3F800000, v0;
	v22 =	vld [tilespmem:s9+$0x0];
	vm1 =	vgt.f32 v29, $5.000000000e-01  }
0x154: {  	v6 =	vadd.f32 v18, v6;
	v17 =	vld [tilespmem:s9+$0xF030];
	v21 =	vsel vm1, $0x3F800000, v0;
	v24 =	vnsel vm1, $0x0, v29  }
0x155: {  	v32 =	vadd.f32 v7, v20;
	v18 =	vnsel vm0, $0x0, v27;
	v19 =	vld [tilespmem:s9+$0xF020];
	v7 =	vadd.f32 v21, v12  }
0x156: {  	v34 =	vnsel vm1, $0x0, v23;
	v12 =	vadd.f32 v23, v27;
	v27 =	vadd.f32 v8, v28;
	v21 =	vld [tilespmem:s9+$0xF000]  }
0x157: {  	v14 =	vadd.f32 v14, v25;
	v23 =	vld [tilespmem:s9+$0xF010];
	v20 =	vadd.f32 v30, v16  }
0x158: {  	v9 =	vadd.f32 v31, v9;
	v8 =	vadd.f32 v29, v33  }
0x159: {  	v18 =	vadd.f32 v34, v18;
	v10 =	vadd.f32 v27, v10;
	vm0 =	vgt.f32 v17, $5.000000000e-01  }
.Ltmp6:
0x15a: {  	v11 =	vadd.f32 v14, v11;
	v13 =	vadd.f32 v32, v13;
	v31 =	vsel vm0, $0x3F800000, v0;
	(pc) =	sbr.rel @p0 .LBB2_14-.Ltmp6, $4  }
0x15b: {  	v14 =	vadd.f32 v24, v26;
	vm2 =	vgt.f32 v19, $5.000000000e-01;
	vm1 =	vgt.f32 v21, $5.000000000e-01  }
0x15c: {  	v24 =	vsel vm2, $0x3F800000, v0;
	v26 =	vnsel vm2, $0x0, v19;
	vm3 =	vgt.f32 v23, $5.000000000e-01  }
0x15d: {  	v27 =	vnsel vm0, $0x0, v30;
	v25 =	vsel vm3, $0x3F800000, v0;
	v29 =	vnsel vm3, $0x0, v23  }
0x15e: {  	v30 =	vnsel vm1, $0x0, v21;
	v24 =	vadd.f32 v31, v24;
	v28 =	vnsel vm3, $0x0, v15  }
0x15f: {  	[tilespmem:$0x1E010] =	vst v0  }
0x160: {  	[tilespmem:$0x1E020] =	vst v0  }
0x161: {  	[tilespmem:$0x1E030] =	vst v0  }
0x162: {  	[tilespmem:$0x1E040] =	vst v0  }
0x163: {  	[tilespmem:$0x1E050] =	vst v0  }
0x164: {  	[tilespmem:$0x1E060] =	vst v0  }
0x165: {  	[tilespmem:$0x1E070] =	vst v0  }
0x166: {  	[tilespmem:$0x1E090] =	vst v0  }
0x167: {  	[tilespmem:$0x1E0A0] =	vst v0  }
0x168: {  	[tilespmem:$0x1E0B0] =	vst v0  }
0x169: {  	[tilespmem:$0x1E0C0] =	vst v0  }
0x16a: {  	[tilespmem:$0x1E0D0] =	vst v0  }
0x16b: {  	[tilespmem:$0x1E0E0] =	vst v0  }
0x16c: {  	[tilespmem:$0x1E0F0] =	vst v0  }
0x16d: {  	[tilespmem:$0x1E110] =	vst v0  }
0x16e: {  	[tilespmem:$0x1E120] =	vst v0  }
0x16f: {  	[tilespmem:$0x1E130] =	vst v0  }
0x170: {  	[tilespmem:$0x1E140] =	vst v0  }
0x171: {  	[tilespmem:$0x1E150] =	vst v0  }
0x172: {  	[tilespmem:$0x1E160] =	vst v0  }
0x173: {  	[tilespmem:$0x1E170] =	vst v0  }
0x174: {  	[tilespmem:$0x1E190] =	vst v0  }
0x175: {  	[tilespmem:$0x1E1A0] =	vst v0  }
0x176: {  	[tilespmem:$0x1E1B0] =	vst v0  }
0x177: {  	[tilespmem:$0x1E1C0] =	vst v0  }
0x178: {  	[tilespmem:$0x1E1D0] =	vst v0  }
0x179: {  	[tilespmem:$0x1E1E0] =	vst v0  }
0x17a: {  	[tilespmem:$0x1E1F0] =	vst v0  }
0x17b: {  	[tilespmem:$0x1E210] =	vst v0  }
0x17c: {  	[tilespmem:$0x1E220] =	vst v0  }
0x17d: {  	[tilespmem:$0x1E230] =	vst v0  }
0x17e: {  	[tilespmem:$0x1E240] =	vst v0  }
0x17f: {  	[tilespmem:$0x1E250] =	vst v0  }
0x180: {  	[tilespmem:$0x1E260] =	vst v0  }
0x181: {  	[tilespmem:$0x1E270] =	vst v0  }
0x182: {  	[tilespmem:$0x1E280] =	vst v0  }
0x183: {  	[tilespmem:$0x1E290] =	vst v0  }
0x184: {  	[tilespmem:$0x1E2A0] =	vst v0  }
0x185: {  	[tilespmem:$0x1E2B0] =	vst v0  }
0x186: {  	[tilespmem:$0x1E2C0] =	vst v0  }
0x187: {  	[tilespmem:$0x1E2D0] =	vst v0  }
0x188: {  	[tilespmem:$0x1E2E0] =	vst v0  }
0x189: {  	[tilespmem:$0x1E2F0] =	vst v0  }
0x18a: {  	[tilespmem:$0x1E300] =	vst v0  }
0x18b: {  	[tilespmem:$0x1E310] =	vst v0  }
0x18c: {  	[tilespmem:$0x1E320] =	vst v0  }
0x18d: {  	v31 =	vnsel vm1, $0x0, v22;
	[tilespmem:$0x1E330] =	vst v0  }
0x18e: {  	v16 =	vnsel vm2, $0x0, v16;
	v21 =	vadd.f32 v23, v21;
	v19 =	vadd.f32 v17, v19;
	[tilespmem:$0x1E340] =	vst v0  }
0x18f: {  	v58 =	vsel vm1, $0x3F800000, v0;
	v29 =	vadd.f32 v29, v30;
	v15 =	vadd.f32 v15, v22;
	[tilespmem:$0x1E350] =	vst v0  }
0x190: {  	v59 =	vnsel vm0, $0x0, v17;
	[tilespmem:$0x1E360] =	vst v0;
	v60 =	vadd.f32 v28, v31;
	v23 =	vadd.f32 v25, v58  }
0x191: {  	[tilespmem:$0x1E370] =	vst v0;
	v16 =	vadd.f32 v27, v16;
	v17 =	vadd.f32 v59, v26  }
0x192: {  	[tilespmem:$0x1E380] =	vst v0;
	v15 =	vadd.f32 v20, v15;
	v19 =	vadd.f32 v19, v21  }
0x193: {  	[tilespmem:$0x1E390] =	vst v0;
	v61 =	vadd.f32 v24, v23;
	v16 =	vadd.f32 v16, v60  }
0x194: {  	[tilespmem:$0x1E3A0] =	vst v0;
	v17 =	vadd.f32 v17, v29;
	v12 =	vadd.f32 v12, v15  }
0x195: {  	[tilespmem:$0x1E3B0] =	vst v0;
	v8 =	vadd.f32 v8, v19;
	v7 =	vadd.f32 v7, v61  }
0x196: {  	[tilespmem:$0x1E3C0] =	vst v0;
	v16 =	vadd.f32 v18, v16;
	v62 =	vadd.f32 v12, v9  }
0x197: {  	[tilespmem:$0x1E3D0] =	vst v0;
	v14 =	vadd.f32 v14, v17;
	v63 =	vadd.f32 v8, v10  }
0x198: {  	[tilespmem:$0x1E3E0] =	vst v0;
	v7 =	vadd.f32 v7, v13;
	v2 =	vadd.f32 v62, v2  }
0x199: {  	[tilespmem:$0x1E3F0] =	vst v0;
	v6 =	vadd.f32 v16, v6;
	v1 =	vadd.f32 v63, v1  }
0x19a: {  	v11 =	vadd.f32 v14, v11;
	v5 =	vadd.f32 v7, v5;
	[tilespmem:$0x1E180] =	vst v2  }
0x19b: {  	v4 =	vadd.f32 v6, v4;
	[tilespmem:$0x1E200] =	vst v1  }
0x19c: {  	s7 =	sadd.s32 $0x1, s7;
	v3 =	vadd.f32 v11, v3;
	[tilespmem:$0x1E000] =	vst v5  }
0x19d: {  	p0 =	sne.s32 s7, s20;
	[tilespmem:$0x1E080] =	vst v4  }
.Ltmp7:
0x19e: {  	s8 =	simm.s32 $0x1E000;
	[tilespmem:$0x1E100] =	vst v3;
	(pc) =	sbr.rel @p0 .LBB2_1-.Ltmp7, $4  }
0x19f: {  	[hbm4b:s19+s4] =	stream.linear.scatter [tilespmem:s8], [sflag:$0xB], $0x400, $0x38;
	[tilespmem:$0x1E400] =	vst v63  }
0x1a0: {  	_ =	swait.ge [sflag:s6], $0x400  }
0x1a1: {  	[sflag:s6] =	ssyncset.done $0x0  }
0x1a2: {  	[sflag:s6] =	ssyncadd.s32 $0xFFFFFC00  }
0x1a3: {  	_ =	sfence.sel $0x180000  }
0x1a4: {  	[bflag:$0x0] =	sbarrier.arrive $0xFFFF  }
0x1a5: {  	_ =	strace $0x90000047  }
0x1a6: {  	s0 =	stileid.u32;
	[bflag:$0x2] =	sbarrier.arrive $0xFFFF  }
0x1a7: {  	p0 =	sne.s32 s0, $0x0;
	s0 =	rddreg [dreg:$0x3]  }
0x1a8: {  	s0 =	sadd.s32 @!p0 $0x100000, s0  }
0x1a9: {  	[sflag:s0] =	ssyncadd.tile.s32 @!p0 $0x1;
	_ =	shalt  }
.Lfunc_end2:
_tile_overlayer_lowered:
.L_overlay_start_2:
0x1aa: {  	(tag) =	ssettag $0x2  }
0x1ab: {  	s0 =	rddreg [dreg:$0x0];
	s2 =	stileid.u32  }
0x1ac: {  	s1 =	rddreg [dreg:$0x1];
	p0 =	sne.s32 s2, $0x0  }
0x1ad: {  	s3 =	rddreg [dreg:$0x2];
	[bflag:$0x3] =	sbarrier.arrive $0xFFFF;
	s2 =	simm.s32 @!p0 $0x1C0B  }
0x1ae: {  	[timem:s3], [sflag:s2] =	dma.local @!p0 [hbm:s0], s1  }
0x1af: {  	s0 =	simm.s32 @!p0 $0xB  }
0x1b0: {  	_ =	swait.ge @!p0 [sflag:s0], s1  }
0x1b1: {  	s1 =	ssub.s32 @!p0 $0x0, s1;
	[sflag:s0] =	ssyncset.done @!p0 $0x0  }
0x1b2: {  	[sflag:s0] =	ssyncadd.s32 @!p0 s1  }
0x1b3: {  	[bflag:$0x3] =	sbarrier.arrive $0xFFFF  }
0x1b4: {  	_ =	shalt  }

</sc_bundles>
